<compile_context>
chip_gen: v7x
topology: tpu7x:2x2x1
jax: 0.10.2.dev20260603
libtpu: 0.0.44.dev20260713+nightly
codegen_flags: <defaults>
</compile_context>

<pallas_src>
import functools

import jax
import jax.numpy as jnp
from jax import lax
from jax.experimental import pallas as pl
from jax.experimental.pallas import tpu as pltpu
from jax.experimental.pallas import tpu_sc as plsc

N = 10000
E = 320000
D1 = 128
D2 = 48
NCORES = 2
NSUB = 16
NW = NCORES * NSUB
EW = E // NW
K1, NCH1 = 64, 156
K2, NCH2 = 96, 104
KT = 16
RPT = N // NSUB
RZ = 125
RB = 10

_MESH = plsc.VectorSubcoreMesh(core_axis_name="c", subcore_axis_name="s")
_SC_PARAMS = pltpu.CompilerParams(needs_layout_passes=False,
                                  use_tc_tiling_on_sc=False,
                                  skip_device_barrier=True,
                                  disable_bounds_checks=True,
                                  disable_semaphore_checks=True)


def _deg_body(dst_hbm, out_hbm, dst_v, deg_v):
    c = lax.axis_index("c")
    s = lax.axis_index("s")
    w = s * NCORES + c
    pltpu.sync_copy(dst_hbm.at[pl.ds(pl.multiple_of(w * EW, 8), EW)], dst_v)
    zero = jnp.zeros((16,), jnp.float32)

    def zb(i, _):
        deg_v[pl.ds(i * 16, 16)] = zero
        return 0

    lax.fori_loop(0, N // 16, zb, 0)
    one = jnp.ones((16,), jnp.float32)

    def body(i, _):
        idx = dst_v[pl.ds(i * 16, 16)]
        plsc.addupdate_scatter(deg_v, [idx], one)
        return 0

    lax.fori_loop(0, EW // 16, body, 0)

    def flush(j, _):
        pltpu.sync_copy(deg_v.at[pl.ds(j * (N // RB), N // RB)],
                        out_hbm.at[j, w])
        return 0

    lax.fori_loop(0, RB, flush, 0)


_deg_kernel = functools.partial(
    pl.kernel,
    out_type=jax.ShapeDtypeStruct((RB, NW, N // RB), jnp.float32),
    mesh=_MESH,
    compiler_params=_SC_PARAMS,
    scratch_types=[
        pltpu.VMEM((EW,), jnp.int32),
        pltpu.VMEM((N,), jnp.float32),
    ],
)(_deg_body)


def _agg_body(D, K, NCH, xs_hbm, pm_hbm, pt_hbm, out_hbm, pk2d, pt_v,
              src0, src1, src2, src3, dst0, dst1, dst2, dst3,
              srct_v, dstt_v, rows0, rows1, rows2, rows3, acc,
              gsem0, gsem1, gsem2, gsem3, ssem0, ssem1, ssem2, ssem3):
    c = lax.axis_index("c")
    s = lax.axis_index("s")
    w = s * NCORES + c
    zero = jnp.zeros((16,), jnp.float32)
    ncol = D // 16

    def zb(i, _):
        rows0[i // ncol, pl.ds((i % ncol) * 16, 16)] = zero
        return 0

    lax.fori_loop(0, K * ncol, zb, 0)

    def zc(j, _):
        pltpu.sync_copy(rows0, acc.at[pl.ds(s * RPT + j * K, K)])
        return 0

    nfull = RPT // K
    lax.fori_loop(0, nfull, zc, 0)
    rem = RPT - nfull * K
    pltpu.sync_copy(rows0.at[pl.ds(0, rem)],
                    acc.at[pl.ds(s * RPT + nfull * K, rem)])
    pltpu.sync_copy(pm_hbm.at[w], pk2d)
    pltpu.sync_copy(pt_hbm.at[w], pt_v)
    plsc.subcore_barrier()

    srcs = (src0, src1, src2, src3)
    dsts = (dst0, dst1, dst2, dst3)
    rows = (rows0, rows1, rows2, rows3)
    gsems = (gsem0, gsem1, gsem2, gsem3)
    ssems = (ssem0, ssem1, ssem2, ssem3)

    def unpack(i, t):
        for u in range(K // 16):
            wv = pk2d[i, pl.ds(u * 16, 16)]
            srcs[t][pl.ds(u * 16, 16)] = jnp.bitwise_and(wv, 0xFFFF)
            dsts[t][pl.ds(u * 16, 16)] = lax.shift_right_logical(wv, 16)

    def gather(t):
        pltpu.async_copy(xs_hbm.at[srcs[t]], rows[t], gsems[t])

    def wait_gather(t):
        pltpu.make_async_copy(xs_hbm.at[srcs[t]], rows[t], gsems[t]).wait()

    def scatter(t):
        pltpu.async_copy(rows[t], acc.at[dsts[t]], ssems[t], add=True)

    def wait_scatter(t):
        pltpu.make_async_copy(rows[t], acc.at[dsts[t]], ssems[t]).wait()

    for t in range(3):
        unpack(t, t)
        gather(t)

    def iter4(m, _):
        for t in range(4):
            i = m * 4 + t
            tn = (t + 3) % 4
            wait_gather(t)
            scatter(t)
            if t == 0:
                pl.when(i >= 1)(lambda: wait_scatter(3))
            else:
                wait_scatter(t - 1)

            def refill(tn=tn, i=i):
                unpack(i + 3, tn)
                gather(tn)

            pl.when(i + 3 < NCH)(refill)
        return 0

    lax.fori_loop(0, NCH // 4, iter4, 0)
    wait_scatter(3)
    for u in range(KT // 16):
        wv = pt_v[pl.ds(u * 16, 16)]
        srct_v[pl.ds(u * 16, 16)] = jnp.bitwise_and(wv, 0xFFFF)
        dstt_v[pl.ds(u * 16, 16)] = lax.shift_right_logical(wv, 16)
    rowst = rows0.at[pl.ds(0, KT)]
    pltpu.async_copy(xs_hbm.at[srct_v], rowst, gsem0).wait()
    pltpu.async_copy(rowst, acc.at[dstt_v], ssem0, add=True).wait()
    plsc.subcore_barrier()
    pltpu.sync_copy(acc.at[pl.ds(s * RPT, RPT)],
                    out_hbm.at[c, pl.ds(s * RPT, RPT)])


def _make_agg(D, K, NCH):
    return functools.partial(
        pl.kernel,
        out_type=jax.ShapeDtypeStruct((NCORES, N, D), jnp.float32),
        mesh=_MESH,
        compiler_params=_SC_PARAMS,
        scratch_types=(
            [pltpu.VMEM((NCH, K), jnp.int32), pltpu.VMEM((KT,), jnp.int32)]
            + [pltpu.VMEM((K,), jnp.int32) for _ in range(8)]
            + [pltpu.VMEM((KT,), jnp.int32) for _ in range(2)]
            + [pltpu.VMEM((K, D), jnp.float32) for _ in range(4)]
            + [pltpu.VMEM_SHARED((N, D), jnp.float32)]
            + [pltpu.SemaphoreType.DMA for _ in range(8)]
        ),
    )(functools.partial(_agg_body, D, K, NCH))


_agg1 = _make_agg(D1, K1, NCH1)
_agg2 = _make_agg(D2, K2, NCH2)


def _dinv(degp_ref):
    deg = jnp.sum(degp_ref[0], axis=0) + 1.0
    return lax.rsqrt(deg)[:, None]


def _pre_body(x_ref, w_ref, degp_ref, o_ref):
    xw = jnp.dot(x_ref[...], w_ref[...], preferred_element_type=jnp.float32)
    o_ref[...] = xw * _dinv(degp_ref)


def _mid_body(p_ref, xs1_ref, degp_ref, b1_ref, w2_ref, o_ref):
    dinv = _dinv(degp_ref)
    agg = p_ref[0] + p_ref[1] + xs1_ref[...]
    h = jnp.maximum(agg * dinv + b1_ref[...], 0.0)
    o_ref[...] = jnp.dot(h, w2_ref[...],
                         preferred_element_type=jnp.float32) * dinv


def _post_body(p_ref, xs2_ref, degp_ref, b2_ref, o_ref):
    o_ref[...] = ((p_ref[0] + p_ref[1] + xs2_ref[...]) * _dinv(degp_ref)
                  + b2_ref[...])


_BR = N // RB


def _tc_pre(x, W1, degp):
    return pl.pallas_call(
        _pre_body,
        grid=(RB,),
        in_specs=[
            pl.BlockSpec((_BR, D1), lambda i: (i, 0)),
            pl.BlockSpec((D1, D1), lambda i: (0, 0)),
            pl.BlockSpec((1, NW, _BR), lambda i: (i, 0, 0)),
        ],
        out_specs=pl.BlockSpec((_BR, D1), lambda i: (i, 0)),
        out_shape=jax.ShapeDtypeStruct((N, D1), jnp.float32),
    )(x, W1, degp)


def _tc_mid(p, xs1, degp, b1, W2p):
    return pl.pallas_call(
        _mid_body,
        grid=(RB,),
        in_specs=[
            pl.BlockSpec((NCORES, _BR, D1), lambda i: (0, i, 0)),
            pl.BlockSpec((_BR, D1), lambda i: (i, 0)),
            pl.BlockSpec((1, NW, _BR), lambda i: (i, 0, 0)),
            pl.BlockSpec((1, D1), lambda i: (0, 0)),
            pl.BlockSpec((D1, D2), lambda i: (0, 0)),
        ],
        out_specs=pl.BlockSpec((_BR, D2), lambda i: (i, 0)),
        out_shape=jax.ShapeDtypeStruct((N, D2), jnp.float32),
    )(p, xs1, degp, b1, W2p)


def _tc_post(p, xs2, degp, b2p):
    return pl.pallas_call(
        _post_body,
        grid=(RB,),
        in_specs=[
            pl.BlockSpec((NCORES, _BR, D2), lambda i: (0, i, 0)),
            pl.BlockSpec((_BR, D2), lambda i: (i, 0)),
            pl.BlockSpec((1, NW, _BR), lambda i: (i, 0, 0)),
            pl.BlockSpec((1, D2), lambda i: (0, 0)),
        ],
        out_specs=pl.BlockSpec((_BR, D2), lambda i: (i, 0)),
        out_shape=jax.ShapeDtypeStruct((N, D2), jnp.float32),
    )(p, xs2, degp, b2p)


def kernel(x, edge_index, W1, b1, W2, b2):
    src = edge_index[0]
    dst = edge_index[1]
    packed = jnp.bitwise_or(src, jnp.left_shift(dst, 16)).reshape(NW, EW)
    pm1 = packed[:, :NCH1 * K1].reshape(NW, NCH1, K1)
    pt1 = packed[:, NCH1 * K1:]
    pm2 = packed[:, :NCH2 * K2].reshape(NW, NCH2, K2)
    pt2 = packed[:, NCH2 * K2:]
    W2p = jnp.pad(W2, ((0, 0), (0, D2 - W2.shape[1])))
    b1r = b1.reshape(1, D1)
    b2r = jnp.pad(b2, (0, D2 - b2.shape[0])).reshape(1, D2)

    degp = _deg_kernel(dst)
    xs1 = _tc_pre(x, W1, degp)
    p1 = _agg1(xs1, pm1, pt1)
    xs2 = _tc_mid(p1, xs1, degp, b1r, W2p)
    p2 = _agg2(xs2, pm2, pt2)
    outp = _tc_post(p2, xs2, degp, b2r)
    return outp[:, :40]

# --- scband reference (transcript-rebuilt; emitter-appended) ---
"""Pipeline reference for scband-gcn-30468497998102 (READ-ONLY COPY).

The authoritative reference and input builder live on the scoring server;
editing this copy changes nothing except your own understanding.
"""

import jax, jax.numpy as jnp
import numpy as np

N_NODES = 10000
N_EDGES = 320000
D_IN = 128
D_HID = 128
N_CLASSES = 40


def setup_inputs(seed: int = 0) -> dict:
    key = jax.random.key(seed)
    k1, k2, k3, k4, k5, k6 = jax.random.split(key, 6)
    x = jax.random.normal(k1, (N_NODES, D_IN), dtype=jnp.float32)
    edge_index = jax.random.randint(k2, (2, N_EDGES), 0, N_NODES, dtype=jnp.int32)
    W1 = jax.random.normal(k3, (D_IN, D_HID), dtype=jnp.float32) * (1.0 / np.sqrt(D_IN))
    b1 = jnp.zeros((D_HID,), dtype=jnp.float32)
    W2 = jax.random.normal(k4, (D_HID, N_CLASSES), dtype=jnp.float32) * (1.0 / np.sqrt(D_HID))
    b2 = jnp.zeros((N_CLASSES,), dtype=jnp.float32)
    return {"x": x, "edge_index": edge_index, "W1": W1, "b1": b1, "W2": W2, "b2": b2}


def _gcn_conv(x, src, dst, W, b):
    # GCNConv(normalize=True, add_self_loops=True): symmetric normalization
    n = x.shape[0]
    ones = jnp.ones(src.shape[0], dtype=x.dtype)
    deg = jnp.zeros((n,), dtype=x.dtype).at[dst].add(ones)
    dinv = jnp.where(deg > 0, deg ** -0.5, 0.0)
    norm = dinv[src] * dinv[dst]
    xw = x @ W
    msg = xw[src] * norm[:, None]
    out = jnp.zeros((n, xw.shape[1]), dtype=x.dtype).at[dst].add(msg)
    return out + b


def reference(x, edge_index, W1, b1, W2, b2):
    # add self loops (shared by both layers since cached=False recomputes identically)
    loop = jnp.arange(N_NODES, dtype=edge_index.dtype)
    src = jnp.concatenate([edge_index[0], loop])
    dst = jnp.concatenate([edge_index[1], loop])
    h = _gcn_conv(x, src, dst, W1, b1)
    h = jax.nn.relu(h)  # norm=False -> Identity; dropout inactive in eval
    out = _gcn_conv(h, src, dst, W2, b2)
    return out

if __name__ == "__main__":
    import jax
    _d = setup_inputs()
    print(jax.jit(kernel)(*tuple(_d.values())))

</pallas_src>

<mosaic_0001>
#map = affine_map<(d0, d1) -> (0, 0)>
#map1 = affine_map<(d0, d1) -> (0, 0, 0)>
module attributes {stable_mosaic.version = 14 : i64} {
  func.func @_agg_body(%arg0: i32, %arg1: i32, %arg2: memref<10000x128xf32, #tpu.memory_space<hbm>>, %arg3: memref<32x156x64xi32, #tpu.memory_space<hbm>>, %arg4: memref<32x16xi32, #tpu.memory_space<hbm>>, %arg5: memref<2x10000x128xf32, #tpu.memory_space<hbm>>, %arg6: memref<156x64xi32, #tpu.memory_space<vmem>>, %arg7: memref<16xi32, #tpu.memory_space<vmem>>, %arg8: memref<64xi32, #tpu.memory_space<vmem>>, %arg9: memref<64xi32, #tpu.memory_space<vmem>>, %arg10: memref<64xi32, #tpu.memory_space<vmem>>, %arg11: memref<64xi32, #tpu.memory_space<vmem>>, %arg12: memref<64xi32, #tpu.memory_space<vmem>>, %arg13: memref<64xi32, #tpu.memory_space<vmem>>, %arg14: memref<64xi32, #tpu.memory_space<vmem>>, %arg15: memref<64xi32, #tpu.memory_space<vmem>>, %arg16: memref<16xi32, #tpu.memory_space<vmem>>, %arg17: memref<16xi32, #tpu.memory_space<vmem>>, %arg18: memref<64x128xf32, #tpu.memory_space<vmem>>, %arg19: memref<64x128xf32, #tpu.memory_space<vmem>>, %arg20: memref<64x128xf32, #tpu.memory_space<vmem>>, %arg21: memref<64x128xf32, #tpu.memory_space<vmem>>, %arg22: memref<10000x128xf32, #tpu.memory_space<vmem_shared>>, %arg23: memref<!tpu.dma_semaphore, #tpu.memory_space<semaphore_mem>>, %arg24: memref<!tpu.dma_semaphore, #tpu.memory_space<semaphore_mem>>, %arg25: memref<!tpu.dma_semaphore, #tpu.memory_space<semaphore_mem>>, %arg26: memref<!tpu.dma_semaphore, #tpu.memory_space<semaphore_mem>>, %arg27: memref<!tpu.dma_semaphore, #tpu.memory_space<semaphore_mem>>, %arg28: memref<!tpu.dma_semaphore, #tpu.memory_space<semaphore_mem>>, %arg29: memref<!tpu.dma_semaphore, #tpu.memory_space<semaphore_mem>>, %arg30: memref<!tpu.dma_semaphore, #tpu.memory_space<semaphore_mem>>) attributes {dimension_semantics = [#tpu.dimension_semantics<core_parallel>, #tpu.dimension_semantics<subcore_parallel>], iteration_bounds = array<i64: 2, 16>, scalar_prefetch = 0 : i64, scratch_operands = 25 : i64, tpu.core_type = #tpu.core_type<sc_vector_subcore>, window_params = [{transform_indices = #map}, {transform_indices = #map1}, {transform_indices = #map}, {transform_indices = #map1}]} {
    %mul3A = arith.constant 2 : i32
    %mul3A_0 = arith.muli %arg1, %mul3A : i32
    %add3A = arith.addi %mul3A_0, %arg0 : i32
    %broadcast_in_dim3A = arith.constant 0.000000e+00 : f32
    %broadcast_in_dim3A_1 = vector.broadcast %broadcast_in_dim3A : f32 to vector<16xf32>
    %scan3A = arith.constant 0 : i32
    %scan3A_2 = arith.constant 0 : i32
    %scan3A_3 = arith.constant 512 : i32
    %scan3A_4 = arith.addi %scan3A_2, %scan3A_3 : i32
    %scan3A_5 = arith.constant 1 : i32
    %scan3A_6 = scf.for %scan3A_241 = %scan3A_2 to %scan3A_4 step %scan3A_5 iter_args(%scan3A_242 = %scan3A) -> (i32)  : i32 {
      %jit3A = arith.constant 8 : i32
      %div3A = arith.divsi %scan3A_241, %jit3A : i32
      %sign3A = arith.constant 0 : i32
      %sign3A_243 = arith.cmpi sgt, %scan3A_241, %sign3A : i32
      %sign3A_244 = arith.extui %sign3A_243 : i1 to i32
      %sign3A_245 = arith.constant 0 : i32
      %sign3A_246 = arith.cmpi slt, %scan3A_241, %sign3A_245 : i32
      %sign3A_247 = arith.extui %sign3A_246 : i1 to i32
      %sign3A_248 = arith.subi %sign3A_244, %sign3A_247 : i32
      %sign3A_249 = arith.constant 0 : i32
      %sign3A_250 = arith.cmpi sgt, %jit3A, %sign3A_249 : i32
      %sign3A_251 = arith.extui %sign3A_250 : i1 to i32
      %sign3A_252 = arith.constant 0 : i32
      %sign3A_253 = arith.cmpi slt, %jit3A, %sign3A_252 : i32
      %sign3A_254 = arith.extui %sign3A_253 : i1 to i32
      %sign3A_255 = arith.subi %sign3A_251, %sign3A_254 : i32
      %ne3A = arith.cmpi ne, %sign3A_248, %sign3A_255 : i32
      %rem3A = arith.remsi %scan3A_241, %jit3A : i32
      %ne3A_256 = arith.constant 0 : i32
      %ne3A_257 = arith.cmpi ne, %rem3A, %ne3A_256 : i32
      %and3A_258 = arith.andi %ne3A, %ne3A_257 : i1
      %sub3A = arith.constant 1 : i32
      %sub3A_259 = arith.subi %div3A, %sub3A : i32
      %select_n3A = arith.select %and3A_258, %sub3A_259, %div3A : i32
      %jit3A_260 = arith.constant 8 : i32
      %eq3A = arith.constant 0 : i32
      %eq3A_261 = arith.cmpi eq, %jit3A_260, %eq3A : i32
      %jit3A_262 = arith.constant 1 : i32
      %select_n3A_263 = arith.select %eq3A_261, %jit3A_262, %jit3A_260 : i32
      %rem3A_264 = arith.remsi %scan3A_241, %select_n3A_263 : i32
      %ne3A_265 = arith.constant 0 : i32
      %ne3A_266 = arith.cmpi ne, %rem3A_264, %ne3A_265 : i32
      %lt3A = arith.constant 0 : i32
      %lt3A_267 = arith.cmpi slt, %rem3A_264, %lt3A : i32
      %lt3A_268 = arith.constant 0 : i32
      %lt3A_269 = arith.cmpi slt, %select_n3A_263, %lt3A_268 : i32
      %ne3A_270 = arith.xori %lt3A_267, %lt3A_269 : i1
      %and3A_271 = arith.andi %ne3A_270, %ne3A_266 : i1
      %add3A_272 = arith.addi %rem3A_264, %select_n3A_263 : i32
      %select_n3A_273 = arith.select %and3A_271, %add3A_272, %rem3A_264 : i32
      %mul3A_274 = arith.constant 16 : i32
      %mul3A_275 = arith.muli %select_n3A_273, %mul3A_274 : i32
      %swap3A_276 = arith.index_cast %select_n3A : i32 to index
      %swap3A_277 = arith.index_cast %mul3A_275 : i32 to index
      %swap3A_278 = tpu.vector_load %arg18[%swap3A_276, %swap3A_277] {strides = array<i32>} : memref<64x128xf32, #tpu.memory_space<vmem>>, vector<16xf32>,
      tpu.vector_store %arg18[%swap3A_276, %swap3A_277], %broadcast_in_dim3A_1 {strides = array<i32>} : memref<64x128xf32, #tpu.memory_space<vmem>>, vector<16xf32>,
      %scan3A_279 = arith.constant 0 : i32
      scf.yield %scan3A_279 : i32
    }
    %scan3A_7 = arith.constant 512 : i32
    %scan3A_8 = arith.constant 0 : i32
    %scan3A_9 = arith.constant 0 : i32
    %scan3A_10 = arith.constant 9 : i32
    %scan3A_11 = arith.addi %scan3A_9, %scan3A_10 : i32
    %scan3A_12 = arith.constant 1 : i32
    %scan3A_13 = scf.for %scan3A_241 = %scan3A_9 to %scan3A_11 step %scan3A_12 iter_args(%scan3A_242 = %scan3A_8) -> (i32)  : i32 {
      %mul3A_243 = arith.constant 625 : i32
      %mul3A_244 = arith.muli %arg1, %mul3A_243 : i32
      %mul3A_245 = arith.constant 64 : i32
      %mul3A_246 = arith.muli %scan3A_241, %mul3A_245 : i32
      %add3A_247 = arith.addi %mul3A_244, %mul3A_246 : i32
      "tpu.region"() ({
        %run_scoped3A = tpu.sem_alloc : memref<!tpu.dma_semaphore, #tpu.memory_space<semaphore_mem>>
        %dma_start3A_249 = arith.constant 0 : i32
        %dma_start3A_250 = tpu.memref_slice %arg22[%add3A_247, %dma_start3A_249] : memref<10000x128xf32, #tpu.memory_space<vmem_shared>> -> memref<64x128xf32, #tpu.memory_space<vmem_shared>>
        %dma_start3A_251 = arith.constant 0 : i32
        %dma_start3A_252 = tpu.memref_slice %arg22[%add3A_247, %dma_start3A_251] : memref<10000x128xf32, #tpu.memory_space<vmem_shared>> -> memref<64x128xf32, #tpu.memory_space<vmem_shared>>
        tpu.enqueue_dma source(%arg18 : memref<64x128xf32, #tpu.memory_space<vmem>>) target(%dma_start3A_252 : memref<64x128xf32, #tpu.memory_space<vmem_shared>>) target_semaphore(%run_scoped3A : memref<!tpu.dma_semaphore, #tpu.memory_space<semaphore_mem>>)
        %dma_wait3A_253 = arith.constant 0 : i32
        %dma_wait3A_254 = tpu.memref_slice %arg22[%add3A_247, %dma_wait3A_253] : memref<10000x128xf32, #tpu.memory_space<vmem_shared>> -> memref<64x128xf32, #tpu.memory_space<vmem_shared>>
        %dma_wait3A_255 = arith.constant 0 : i32
        %dma_wait3A_256 = tpu.memref_slice %arg22[%add3A_247, %dma_wait3A_255] : memref<10000x128xf32, #tpu.memory_space<vmem_shared>> -> memref<64x128xf32, #tpu.memory_space<vmem_shared>>
        tpu.wait_dma2 semaphore(%run_scoped3A : memref<!tpu.dma_semaphore, #tpu.memory_space<semaphore_mem>>) src(%arg18 : memref<64x128xf32, #tpu.memory_space<vmem>>) dst(%dma_wait3A_256 : memref<64x128xf32, #tpu.memory_space<vmem_shared>>)
        tpu.yield
      }) : () -> ()
      %scan3A_248 = arith.constant 0 : i32
      scf.yield %scan3A_248 : i32
    }
    %scan3A_14 = arith.constant 9 : i32
    %mul3A_15 = arith.constant 625 : i32
    %mul3A_16 = arith.muli %arg1, %mul3A_15 : i32
    %add3A_17 = arith.constant 576 : i32
    %add3A_18 = arith.addi %mul3A_16, %add3A_17 : i32
    "tpu.region"() ({
      %run_scoped3A = tpu.sem_alloc : memref<!tpu.dma_semaphore, #tpu.memory_space<semaphore_mem>>
      %dma_start3A_241 = arith.constant 0 : i32
      %dma_start3A_242 = arith.constant 0 : i32
      %dma_start3A_243 = tpu.memref_slice %arg18[%dma_start3A_241, %dma_start3A_242] : memref<64x128xf32, #tpu.memory_space<vmem>> -> memref<49x128xf32, #tpu.memory_space<vmem>>
      %dma_start3A_244 = arith.constant 0 : i32
      %dma_start3A_245 = tpu.memref_slice %arg22[%add3A_18, %dma_start3A_244] : memref<10000x128xf32, #tpu.memory_space<vmem_shared>> -> memref<49x128xf32, #tpu.memory_space<vmem_shared>>
      %dma_start3A_246 = arith.constant 0 : i32
      %dma_start3A_247 = tpu.memref_slice %arg22[%add3A_18, %dma_start3A_246] : memref<10000x128xf32, #tpu.memory_space<vmem_shared>> -> memref<49x128xf32, #tpu.memory_space<vmem_shared>>
      %dma_start3A_248 = arith.constant 0 : i32
      %dma_start3A_249 = arith.constant 0 : i32
      %dma_start3A_250 = tpu.memref_slice %arg18[%dma_start3A_248, %dma_start3A_249] : memref<64x128xf32, #tpu.memory_space<vmem>> -> memref<49x128xf32, #tpu.memory_space<vmem>>
      tpu.enqueue_dma source(%dma_start3A_250 : memref<49x128xf32, #tpu.memory_space<vmem>>) target(%dma_start3A_247 : memref<49x128xf32, #tpu.memory_space<vmem_shared>>) target_semaphore(%run_scoped3A : memref<!tpu.dma_semaphore, #tpu.memory_space<semaphore_mem>>)
      %dma_wait3A_251 = arith.constant 0 : i32
      %dma_wait3A_252 = arith.constant 0 : i32
      %dma_wait3A_253 = tpu.memref_slice %arg18[%dma_wait3A_251, %dma_wait3A_252] : memref<64x128xf32, #tpu.memory_space<vmem>> -> memref<49x128xf32, #tpu.memory_space<vmem>>
      %dma_wait3A_254 = arith.constant 0 : i32
      %dma_wait3A_255 = tpu.memref_slice %arg22[%add3A_18, %dma_wait3A_254] : memref<10000x128xf32, #tpu.memory_space<vmem_shared>> -> memref<49x128xf32, #tpu.memory_space<vmem_shared>>
      %dma_wait3A_256 = arith.constant 0 : i32
      %dma_wait3A_257 = tpu.memref_slice %arg22[%add3A_18, %dma_wait3A_256] : memref<10000x128xf32, #tpu.memory_space<vmem_shared>> -> memref<49x128xf32, #tpu.memory_space<vmem_shared>>
      %dma_wait3A_258 = arith.constant 0 : i32
      %dma_wait3A_259 = arith.constant 0 : i32
      %dma_wait3A_260 = tpu.memref_slice %arg18[%dma_wait3A_258, %dma_wait3A_259] : memref<64x128xf32, #tpu.memory_space<vmem>> -> memref<49x128xf32, #tpu.memory_space<vmem>>
      tpu.wait_dma2 semaphore(%run_scoped3A : memref<!tpu.dma_semaphore, #tpu.memory_space<semaphore_mem>>) src(%dma_wait3A_260 : memref<49x128xf32, #tpu.memory_space<vmem>>) dst(%dma_wait3A_257 : memref<49x128xf32, #tpu.memory_space<vmem_shared>>)
      tpu.yield
    }) : () -> ()
    "tpu.region"() ({
      %run_scoped3A = tpu.sem_alloc : memref<!tpu.dma_semaphore, #tpu.memory_space<semaphore_mem>>
      %dma_start3A_241 = arith.constant 0 : i32
      %dma_start3A_242 = arith.constant 0 : i32
      %dma_start3A_243 = tpu.memref_slice %arg3[%add3A, %dma_start3A_241, %dma_start3A_242] : memref<32x156x64xi32, #tpu.memory_space<hbm>> -> memref<1x156x64xi32, #tpu.memory_space<hbm>>
      %dma_start3A_244 = tpu.memref_squeeze %dma_start3A_243 : memref<1x156x64xi32, #tpu.memory_space<hbm>> -> memref<156x64xi32, #tpu.memory_space<hbm>>
      %dma_start3A_245 = arith.constant 0 : i32
      %dma_start3A_246 = arith.constant 0 : i32
      %dma_start3A_247 = tpu.memref_slice %arg3[%add3A, %dma_start3A_245, %dma_start3A_246] : memref<32x156x64xi32, #tpu.memory_space<hbm>> -> memref<1x156x64xi32, #tpu.memory_space<hbm>>
      %dma_start3A_248 = tpu.memref_squeeze %dma_start3A_247 : memref<1x156x64xi32, #tpu.memory_space<hbm>> -> memref<156x64xi32, #tpu.memory_space<hbm>>
      tpu.enqueue_dma source(%dma_start3A_248 : memref<156x64xi32, #tpu.memory_space<hbm>>) target(%arg6 : memref<156x64xi32, #tpu.memory_space<vmem>>) target_semaphore(%run_scoped3A : memref<!tpu.dma_semaphore, #tpu.memory_space<semaphore_mem>>)
      %dma_wait3A_249 = arith.constant 0 : i32
      %dma_wait3A_250 = arith.constant 0 : i32
      %dma_wait3A_251 = tpu.memref_slice %arg3[%add3A, %dma_wait3A_249, %dma_wait3A_250] : memref<32x156x64xi32, #tpu.memory_space<hbm>> -> memref<1x156x64xi32, #tpu.memory_space<hbm>>
      %dma_wait3A_252 = tpu.memref_squeeze %dma_wait3A_251 : memref<1x156x64xi32, #tpu.memory_space<hbm>> -> memref<156x64xi32, #tpu.memory_space<hbm>>
      %dma_wait3A_253 = arith.constant 0 : i32
      %dma_wait3A_254 = arith.constant 0 : i32
      %dma_wait3A_255 = tpu.memref_slice %arg3[%add3A, %dma_wait3A_253, %dma_wait3A_254] : memref<32x156x64xi32, #tpu.memory_space<hbm>> -> memref<1x156x64xi32, #tpu.memory_space<hbm>>
      %dma_wait3A_256 = tpu.memref_squeeze %dma_wait3A_255 : memref<1x156x64xi32, #tpu.memory_space<hbm>> -> memref<156x64xi32, #tpu.memory_space<hbm>>
      tpu.wait_dma2 semaphore(%run_scoped3A : memref<!tpu.dma_semaphore, #tpu.memory_space<semaphore_mem>>) src(%dma_wait3A_256 : memref<156x64xi32, #tpu.memory_space<hbm>>) dst(%arg6 : memref<156x64xi32, #tpu.memory_space<vmem>>)
      tpu.yield
    }) : () -> ()
    "tpu.region"() ({
      %run_scoped3A = tpu.sem_alloc : memref<!tpu.dma_semaphore, #tpu.memory_space<semaphore_mem>>
      %dma_start3A_241 = arith.constant 0 : i32
      %dma_start3A_242 = tpu.memref_slice %arg4[%add3A, %dma_start3A_241] : memref<32x16xi32, #tpu.memory_space<hbm>> -> memref<1x16xi32, #tpu.memory_space<hbm>>
      %dma_start3A_243 = tpu.memref_squeeze %dma_start3A_242 : memref<1x16xi32, #tpu.memory_space<hbm>> -> memref<16xi32, #tpu.memory_space<hbm>>
      %dma_start3A_244 = arith.constant 0 : i32
      %dma_start3A_245 = tpu.memref_slice %arg4[%add3A, %dma_start3A_244] : memref<32x16xi32, #tpu.memory_space<hbm>> -> memref<1x16xi32, #tpu.memory_space<hbm>>
      %dma_start3A_246 = tpu.memref_squeeze %dma_start3A_245 : memref<1x16xi32, #tpu.memory_space<hbm>> -> memref<16xi32, #tpu.memory_space<hbm>>
      tpu.enqueue_dma source(%dma_start3A_246 : memref<16xi32, #tpu.memory_space<hbm>>) target(%arg7 : memref<16xi32, #tpu.memory_space<vmem>>) target_semaphore(%run_scoped3A : memref<!tpu.dma_semaphore, #tpu.memory_space<semaphore_mem>>)
      %dma_wait3A_247 = arith.constant 0 : i32
      %dma_wait3A_248 = tpu.memref_slice %arg4[%add3A, %dma_wait3A_247] : memref<32x16xi32, #tpu.memory_space<hbm>> -> memref<1x16xi32, #tpu.memory_space<hbm>>
      %dma_wait3A_249 = tpu.memref_squeeze %dma_wait3A_248 : memref<1x16xi32, #tpu.memory_space<hbm>> -> memref<16xi32, #tpu.memory_space<hbm>>
      %dma_wait3A_250 = arith.constant 0 : i32
      %dma_wait3A_251 = tpu.memref_slice %arg4[%add3A, %dma_wait3A_250] : memref<32x16xi32, #tpu.memory_space<hbm>> -> memref<1x16xi32, #tpu.memory_space<hbm>>
      %dma_wait3A_252 = tpu.memref_squeeze %dma_wait3A_251 : memref<1x16xi32, #tpu.memory_space<hbm>> -> memref<16xi32, #tpu.memory_space<hbm>>
      tpu.wait_dma2 semaphore(%run_scoped3A : memref<!tpu.dma_semaphore, #tpu.memory_space<semaphore_mem>>) src(%dma_wait3A_252 : memref<16xi32, #tpu.memory_space<hbm>>) dst(%arg7 : memref<16xi32, #tpu.memory_space<vmem>>)
      tpu.yield
    }) : () -> ()
    %barrier3A = arith.constant 0 : index
    tpu.barrier barrier_id(%barrier3A)
    %get3A = arith.constant 0 : i32
    %get3A_19 = arith.index_cast %get3A : i32 to index
    %get3A_20 = arith.constant 0 : index
    %get3A_21 = tpu.vector_load %arg6[%get3A_19, %get3A_20] {strides = array<i32>} : memref<156x64xi32, #tpu.memory_space<vmem>>, vector<16xi32>,
    %and3A = arith.constant 65535 : i32
    %and3A_22 = vector.broadcast %and3A : i32 to vector<16xi32>
    %and3A_23 = arith.andi %get3A_21, %and3A_22 : vector<16xi32>
    %swap3A = arith.constant 0 : index
    %swap3A_24 = tpu.vector_load %arg8[%swap3A] {strides = array<i32>} : memref<64xi32, #tpu.memory_space<vmem>>, vector<16xi32>,
    tpu.vector_store %arg8[%swap3A], %and3A_23 {strides = array<i32>} : memref<64xi32, #tpu.memory_space<vmem>>, vector<16xi32>,
    %shift_right_logical3A = arith.constant 16 : i32
    %shift_right_logical3A_25 = vector.broadcast %shift_right_logical3A : i32 to vector<16xi32>
    %shift_right_logical3A_26 = arith.shrui %get3A_21, %shift_right_logical3A_25 : vector<16xi32>
    %swap3A_27 = arith.constant 0 : index
    %swap3A_28 = tpu.vector_load %arg12[%swap3A_27] {strides = array<i32>} : memref<64xi32, #tpu.memory_space<vmem>>, vector<16xi32>,
    tpu.vector_store %arg12[%swap3A_27], %shift_right_logical3A_26 {strides = array<i32>} : memref<64xi32, #tpu.memory_space<vmem>>, vector<16xi32>,
    %get3A_29 = arith.constant 0 : i32
    %get3A_30 = arith.index_cast %get3A_29 : i32 to index
    %get3A_31 = arith.constant 16 : index
    %get3A_32 = tpu.vector_load %arg6[%get3A_30, %get3A_31] {strides = array<i32>} : memref<156x64xi32, #tpu.memory_space<vmem>>, vector<16xi32>,
    %and3A_33 = arith.constant 65535 : i32
    %and3A_34 = vector.broadcast %and3A_33 : i32 to vector<16xi32>
    %and3A_35 = arith.andi %get3A_32, %and3A_34 : vector<16xi32>
    %swap3A_36 = arith.constant 16 : index
    %swap3A_37 = tpu.vector_load %arg8[%swap3A_36] {strides = array<i32>} : memref<64xi32, #tpu.memory_space<vmem>>, vector<16xi32>,
    tpu.vector_store %arg8[%swap3A_36], %and3A_35 {strides = array<i32>} : memref<64xi32, #tpu.memory_space<vmem>>, vector<16xi32>,
    %shift_right_logical3A_38 = arith.constant 16 : i32
    %shift_right_logical3A_39 = vector.broadcast %shift_right_logical3A_38 : i32 to vector<16xi32>
    %shift_right_logical3A_40 = arith.shrui %get3A_32, %shift_right_logical3A_39 : vector<16xi32>
    %swap3A_41 = arith.constant 16 : index
    %swap3A_42 = tpu.vector_load %arg12[%swap3A_41] {strides = array<i32>} : memref<64xi32, #tpu.memory_space<vmem>>, vector<16xi32>,
    tpu.vector_store %arg12[%swap3A_41], %shift_right_logical3A_40 {strides = array<i32>} : memref<64xi32, #tpu.memory_space<vmem>>, vector<16xi32>,
    %get3A_43 = arith.constant 0 : i32
    %get3A_44 = arith.index_cast %get3A_43 : i32 to index
    %get3A_45 = arith.constant 32 : index
    %get3A_46 = tpu.vector_load %arg6[%get3A_44, %get3A_45] {strides = array<i32>} : memref<156x64xi32, #tpu.memory_space<vmem>>, vector<16xi32>,
    %and3A_47 = arith.constant 65535 : i32
    %and3A_48 = vector.broadcast %and3A_47 : i32 to vector<16xi32>
    %and3A_49 = arith.andi %get3A_46, %and3A_48 : vector<16xi32>
    %swap3A_50 = arith.constant 32 : index
    %swap3A_51 = tpu.vector_load %arg8[%swap3A_50] {strides = array<i32>} : memref<64xi32, #tpu.memory_space<vmem>>, vector<16xi32>,
    tpu.vector_store %arg8[%swap3A_50], %and3A_49 {strides = array<i32>} : memref<64xi32, #tpu.memory_space<vmem>>, vector<16xi32>,
    %shift_right_logical3A_52 = arith.constant 16 : i32
    %shift_right_logical3A_53 = vector.broadcast %shift_right_logical3A_52 : i32 to vector<16xi32>
    %shift_right_logical3A_54 = arith.shrui %get3A_46, %shift_right_logical3A_53 : vector<16xi32>
    %swap3A_55 = arith.constant 32 : index
    %swap3A_56 = tpu.vector_load %arg12[%swap3A_55] {strides = array<i32>} : memref<64xi32, #tpu.memory_space<vmem>>, vector<16xi32>,
    tpu.vector_store %arg12[%swap3A_55], %shift_right_logical3A_54 {strides = array<i32>} : memref<64xi32, #tpu.memory_space<vmem>>, vector<16xi32>,
    %get3A_57 = arith.constant 0 : i32
    %get3A_58 = arith.index_cast %get3A_57 : i32 to index
    %get3A_59 = arith.constant 48 : index
    %get3A_60 = tpu.vector_load %arg6[%get3A_58, %get3A_59] {strides = array<i32>} : memref<156x64xi32, #tpu.memory_space<vmem>>, vector<16xi32>,
    %and3A_61 = arith.constant 65535 : i32
    %and3A_62 = vector.broadcast %and3A_61 : i32 to vector<16xi32>
    %and3A_63 = arith.andi %get3A_60, %and3A_62 : vector<16xi32>
    %swap3A_64 = arith.constant 48 : index
    %swap3A_65 = tpu.vector_load %arg8[%swap3A_64] {strides = array<i32>} : memref<64xi32, #tpu.memory_space<vmem>>, vector<16xi32>,
    tpu.vector_store %arg8[%swap3A_64], %and3A_63 {strides = array<i32>} : memref<64xi32, #tpu.memory_space<vmem>>, vector<16xi32>,
    %shift_right_logical3A_66 = arith.constant 16 : i32
    %shift_right_logical3A_67 = vector.broadcast %shift_right_logical3A_66 : i32 to vector<16xi32>
    %shift_right_logical3A_68 = arith.shrui %get3A_60, %shift_right_logical3A_67 : vector<16xi32>
    %swap3A_69 = arith.constant 48 : index
    %swap3A_70 = tpu.vector_load %arg12[%swap3A_69] {strides = array<i32>} : memref<64xi32, #tpu.memory_space<vmem>>, vector<16xi32>,
    tpu.vector_store %arg12[%swap3A_69], %shift_right_logical3A_68 {strides = array<i32>} : memref<64xi32, #tpu.memory_space<vmem>>, vector<16xi32>,
    %dma_start3A = arith.constant 0 : i32
    %dma_start3A_71 = arith.constant 0 : i32
    %dma_start3A_72 = tpu.memref_slice %arg2[%dma_start3A, %dma_start3A_71] : memref<10000x128xf32, #tpu.memory_space<hbm>> -> memref<10000x128xf32, #tpu.memory_space<hbm>>
    tpu.enqueue_indirect_dma source(%dma_start3A_72 : memref<10000x128xf32, #tpu.memory_space<hbm>>) target(%arg18 : memref<64x128xf32, #tpu.memory_space<vmem>>) offsets(%arg8 : memref<64xi32, #tpu.memory_space<vmem>>) semaphore(%arg23 : memref<!tpu.dma_semaphore, #tpu.memory_space<semaphore_mem>>)
    %get3A_73 = arith.constant 1 : i32
    %get3A_74 = arith.index_cast %get3A_73 : i32 to index
    %get3A_75 = arith.constant 0 : index
    %get3A_76 = tpu.vector_load %arg6[%get3A_74, %get3A_75] {strides = array<i32>} : memref<156x64xi32, #tpu.memory_space<vmem>>, vector<16xi32>,
    %and3A_77 = arith.constant 65535 : i32
    %and3A_78 = vector.broadcast %and3A_77 : i32 to vector<16xi32>
    %and3A_79 = arith.andi %get3A_76, %and3A_78 : vector<16xi32>
    %swap3A_80 = arith.constant 0 : index
    %swap3A_81 = tpu.vector_load %arg9[%swap3A_80] {strides = array<i32>} : memref<64xi32, #tpu.memory_space<vmem>>, vector<16xi32>,
    tpu.vector_store %arg9[%swap3A_80], %and3A_79 {strides = array<i32>} : memref<64xi32, #tpu.memory_space<vmem>>, vector<16xi32>,
    %shift_right_logical3A_82 = arith.constant 16 : i32
    %shift_right_logical3A_83 = vector.broadcast %shift_right_logical3A_82 : i32 to vector<16xi32>
    %shift_right_logical3A_84 = arith.shrui %get3A_76, %shift_right_logical3A_83 : vector<16xi32>
    %swap3A_85 = arith.constant 0 : index
    %swap3A_86 = tpu.vector_load %arg13[%swap3A_85] {strides = array<i32>} : memref<64xi32, #tpu.memory_space<vmem>>, vector<16xi32>,
    tpu.vector_store %arg13[%swap3A_85], %shift_right_logical3A_84 {strides = array<i32>} : memref<64xi32, #tpu.memory_space<vmem>>, vector<16xi32>,
    %get3A_87 = arith.constant 1 : i32
    %get3A_88 = arith.index_cast %get3A_87 : i32 to index
    %get3A_89 = arith.constant 16 : index
    %get3A_90 = tpu.vector_load %arg6[%get3A_88, %get3A_89] {strides = array<i32>} : memref<156x64xi32, #tpu.memory_space<vmem>>, vector<16xi32>,
    %and3A_91 = arith.constant 65535 : i32
    %and3A_92 = vector.broadcast %and3A_91 : i32 to vector<16xi32>
    %and3A_93 = arith.andi %get3A_90, %and3A_92 : vector<16xi32>
    %swap3A_94 = arith.constant 16 : index
    %swap3A_95 = tpu.vector_load %arg9[%swap3A_94] {strides = array<i32>} : memref<64xi32, #tpu.memory_space<vmem>>, vector<16xi32>,
    tpu.vector_store %arg9[%swap3A_94], %and3A_93 {strides = array<i32>} : memref<64xi32, #tpu.memory_space<vmem>>, vector<16xi32>,
    %shift_right_logical3A_96 = arith.constant 16 : i32
    %shift_right_logical3A_97 = vector.broadcast %shift_right_logical3A_96 : i32 to vector<16xi32>
    %shift_right_logical3A_98 = arith.shrui %get3A_90, %shift_right_logical3A_97 : vector<16xi32>
    %swap3A_99 = arith.constant 16 : index
    %swap3A_100 = tpu.vector_load %arg13[%swap3A_99] {strides = array<i32>} : memref<64xi32, #tpu.memory_space<vmem>>, vector<16xi32>,
    tpu.vector_store %arg13[%swap3A_99], %shift_right_logical3A_98 {strides = array<i32>} : memref<64xi32, #tpu.memory_space<vmem>>, vector<16xi32>,
    %get3A_101 = arith.constant 1 : i32
    %get3A_102 = arith.index_cast %get3A_101 : i32 to index
    %get3A_103 = arith.constant 32 : index
    %get3A_104 = tpu.vector_load %arg6[%get3A_102, %get3A_103] {strides = array<i32>} : memref<156x64xi32, #tpu.memory_space<vmem>>, vector<16xi32>,
    %and3A_105 = arith.constant 65535 : i32
    %and3A_106 = vector.broadcast %and3A_105 : i32 to vector<16xi32>
    %and3A_107 = arith.andi %get3A_104, %and3A_106 : vector<16xi32>
    %swap3A_108 = arith.constant 32 : index
    %swap3A_109 = tpu.vector_load %arg9[%swap3A_108] {strides = array<i32>} : memref<64xi32, #tpu.memory_space<vmem>>, vector<16xi32>,
    tpu.vector_store %arg9[%swap3A_108], %and3A_107 {strides = array<i32>} : memref<64xi32, #tpu.memory_space<vmem>>, vector<16xi32>,
    %shift_right_logical3A_110 = arith.constant 16 : i32
    %shift_right_logical3A_111 = vector.broadcast %shift_right_logical3A_110 : i32 to vector<16xi32>
    %shift_right_logical3A_112 = arith.shrui %get3A_104, %shift_right_logical3A_111 : vector<16xi32>
    %swap3A_113 = arith.constant 32 : index
    %swap3A_114 = tpu.vector_load %arg13[%swap3A_113] {strides = array<i32>} : memref<64xi32, #tpu.memory_space<vmem>>, vector<16xi32>,
    tpu.vector_store %arg13[%swap3A_113], %shift_right_logical3A_112 {strides = array<i32>} : memref<64xi32, #tpu.memory_space<vmem>>, vector<16xi32>,
    %get3A_115 = arith.constant 1 : i32
    %get3A_116 = arith.index_cast %get3A_115 : i32 to index
    %get3A_117 = arith.constant 48 : index
    %get3A_118 = tpu.vector_load %arg6[%get3A_116, %get3A_117] {strides = array<i32>} : memref<156x64xi32, #tpu.memory_space<vmem>>, vector<16xi32>,
    %and3A_119 = arith.constant 65535 : i32
    %and3A_120 = vector.broadcast %and3A_119 : i32 to vector<16xi32>
    %and3A_121 = arith.andi %get3A_118, %and3A_120 : vector<16xi32>
    %swap3A_122 = arith.constant 48 : index
    %swap3A_123 = tpu.vector_load %arg9[%swap3A_122] {strides = array<i32>} : memref<64xi32, #tpu.memory_space<vmem>>, vector<16xi32>,
    tpu.vector_store %arg9[%swap3A_122], %and3A_121 {strides = array<i32>} : memref<64xi32, #tpu.memory_space<vmem>>, vector<16xi32>,
    %shift_right_logical3A_124 = arith.constant 16 : i32
    %shift_right_logical3A_125 = vector.broadcast %shift_right_logical3A_124 : i32 to vector<16xi32>
    %shift_right_logical3A_126 = arith.shrui %get3A_118, %shift_right_logical3A_125 : vector<16xi32>
    %swap3A_127 = arith.constant 48 : index
    %swap3A_128 = tpu.vector_load %arg13[%swap3A_127] {strides = array<i32>} : memref<64xi32, #tpu.memory_space<vmem>>, vector<16xi32>,
    tpu.vector_store %arg13[%swap3A_127], %shift_right_logical3A_126 {strides = array<i32>} : memref<64xi32, #tpu.memory_space<vmem>>, vector<16xi32>,
    %dma_start3A_129 = arith.constant 0 : i32
    %dma_start3A_130 = arith.constant 0 : i32
    %dma_start3A_131 = tpu.memref_slice %arg2[%dma_start3A_129, %dma_start3A_130] : memref<10000x128xf32, #tpu.memory_space<hbm>> -> memref<10000x128xf32, #tpu.memory_space<hbm>>
    tpu.enqueue_indirect_dma source(%dma_start3A_131 : memref<10000x128xf32, #tpu.memory_space<hbm>>) target(%arg19 : memref<64x128xf32, #tpu.memory_space<vmem>>) offsets(%arg9 : memref<64xi32, #tpu.memory_space<vmem>>) semaphore(%arg24 : memref<!tpu.dma_semaphore, #tpu.memory_space<semaphore_mem>>)
    %get3A_132 = arith.constant 2 : i32
    %get3A_133 = arith.index_cast %get3A_132 : i32 to index
    %get3A_134 = arith.constant 0 : index
    %get3A_135 = tpu.vector_load %arg6[%get3A_133, %get3A_134] {strides = array<i32>} : memref<156x64xi32, #tpu.memory_space<vmem>>, vector<16xi32>,
    %and3A_136 = arith.constant 65535 : i32
    %and3A_137 = vector.broadcast %and3A_136 : i32 to vector<16xi32>
    %and3A_138 = arith.andi %get3A_135, %and3A_137 : vector<16xi32>
    %swap3A_139 = arith.constant 0 : index
    %swap3A_140 = tpu.vector_load %arg10[%swap3A_139] {strides = array<i32>} : memref<64xi32, #tpu.memory_space<vmem>>, vector<16xi32>,
    tpu.vector_store %arg10[%swap3A_139], %and3A_138 {strides = array<i32>} : memref<64xi32, #tpu.memory_space<vmem>>, vector<16xi32>,
    %shift_right_logical3A_141 = arith.constant 16 : i32
    %shift_right_logical3A_142 = vector.broadcast %shift_right_logical3A_141 : i32 to vector<16xi32>
    %shift_right_logical3A_143 = arith.shrui %get3A_135, %shift_right_logical3A_142 : vector<16xi32>
    %swap3A_144 = arith.constant 0 : index
    %swap3A_145 = tpu.vector_load %arg14[%swap3A_144] {strides = array<i32>} : memref<64xi32, #tpu.memory_space<vmem>>, vector<16xi32>,
    tpu.vector_store %arg14[%swap3A_144], %shift_right_logical3A_143 {strides = array<i32>} : memref<64xi32, #tpu.memory_space<vmem>>, vector<16xi32>,
    %get3A_146 = arith.constant 2 : i32
    %get3A_147 = arith.index_cast %get3A_146 : i32 to index
    %get3A_148 = arith.constant 16 : index
    %get3A_149 = tpu.vector_load %arg6[%get3A_147, %get3A_148] {strides = array<i32>} : memref<156x64xi32, #tpu.memory_space<vmem>>, vector<16xi32>,
    %and3A_150 = arith.constant 65535 : i32
    %and3A_151 = vector.broadcast %and3A_150 : i32 to vector<16xi32>
    %and3A_152 = arith.andi %get3A_149, %and3A_151 : vector<16xi32>
    %swap3A_153 = arith.constant 16 : index
    %swap3A_154 = tpu.vector_load %arg10[%swap3A_153] {strides = array<i32>} : memref<64xi32, #tpu.memory_space<vmem>>, vector<16xi32>,
    tpu.vector_store %arg10[%swap3A_153], %and3A_152 {strides = array<i32>} : memref<64xi32, #tpu.memory_space<vmem>>, vector<16xi32>,
    %shift_right_logical3A_155 = arith.constant 16 : i32
    %shift_right_logical3A_156 = vector.broadcast %shift_right_logical3A_155 : i32 to vector<16xi32>
    %shift_right_logical3A_157 = arith.shrui %get3A_149, %shift_right_logical3A_156 : vector<16xi32>
    %swap3A_158 = arith.constant 16 : index
    %swap3A_159 = tpu.vector_load %arg14[%swap3A_158] {strides = array<i32>} : memref<64xi32, #tpu.memory_space<vmem>>, vector<16xi32>,
    tpu.vector_store %arg14[%swap3A_158], %shift_right_logical3A_157 {strides = array<i32>} : memref<64xi32, #tpu.memory_space<vmem>>, vector<16xi32>,
    %get3A_160 = arith.constant 2 : i32
    %get3A_161 = arith.index_cast %get3A_160 : i32 to index
    %get3A_162 = arith.constant 32 : index
    %get3A_163 = tpu.vector_load %arg6[%get3A_161, %get3A_162] {strides = array<i32>} : memref<156x64xi32, #tpu.memory_space<vmem>>, vector<16xi32>,
    %and3A_164 = arith.constant 65535 : i32
    %and3A_165 = vector.broadcast %and3A_164 : i32 to vector<16xi32>
    %and3A_166 = arith.andi %get3A_163, %and3A_165 : vector<16xi32>
    %swap3A_167 = arith.constant 32 : index
    %swap3A_168 = tpu.vector_load %arg10[%swap3A_167] {strides = array<i32>} : memref<64xi32, #tpu.memory_space<vmem>>, vector<16xi32>,
    tpu.vector_store %arg10[%swap3A_167], %and3A_166 {strides = array<i32>} : memref<64xi32, #tpu.memory_space<vmem>>, vector<16xi32>,
    %shift_right_logical3A_169 = arith.constant 16 : i32
    %shift_right_logical3A_170 = vector.broadcast %shift_right_logical3A_169 : i32 to vector<16xi32>
    %shift_right_logical3A_171 = arith.shrui %get3A_163, %shift_right_logical3A_170 : vector<16xi32>
    %swap3A_172 = arith.constant 32 : index
    %swap3A_173 = tpu.vector_load %arg14[%swap3A_172] {strides = array<i32>} : memref<64xi32, #tpu.memory_space<vmem>>, vector<16xi32>,
    tpu.vector_store %arg14[%swap3A_172], %shift_right_logical3A_171 {strides = array<i32>} : memref<64xi32, #tpu.memory_space<vmem>>, vector<16xi32>,
    %get3A_174 = arith.constant 2 : i32
    %get3A_175 = arith.index_cast %get3A_174 : i32 to index
    %get3A_176 = arith.constant 48 : index
    %get3A_177 = tpu.vector_load %arg6[%get3A_175, %get3A_176] {strides = array<i32>} : memref<156x64xi32, #tpu.memory_space<vmem>>, vector<16xi32>,
    %and3A_178 = arith.constant 65535 : i32
    %and3A_179 = vector.broadcast %and3A_178 : i32 to vector<16xi32>
    %and3A_180 = arith.andi %get3A_177, %and3A_179 : vector<16xi32>
    %swap3A_181 = arith.constant 48 : index
    %swap3A_182 = tpu.vector_load %arg10[%swap3A_181] {strides = array<i32>} : memref<64xi32, #tpu.memory_space<vmem>>, vector<16xi32>,
    tpu.vector_store %arg10[%swap3A_181], %and3A_180 {strides = array<i32>} : memref<64xi32, #tpu.memory_space<vmem>>, vector<16xi32>,
    %shift_right_logical3A_183 = arith.constant 16 : i32
    %shift_right_logical3A_184 = vector.broadcast %shift_right_logical3A_183 : i32 to vector<16xi32>
    %shift_right_logical3A_185 = arith.shrui %get3A_177, %shift_right_logical3A_184 : vector<16xi32>
    %swap3A_186 = arith.constant 48 : index
    %swap3A_187 = tpu.vector_load %arg14[%swap3A_186] {strides = array<i32>} : memref<64xi32, #tpu.memory_space<vmem>>, vector<16xi32>,
    tpu.vector_store %arg14[%swap3A_186], %shift_right_logical3A_185 {strides = array<i32>} : memref<64xi32, #tpu.memory_space<vmem>>, vector<16xi32>,
    %dma_start3A_188 = arith.constant 0 : i32
    %dma_start3A_189 = arith.constant 0 : i32
    %dma_start3A_190 = tpu.memref_slice %arg2[%dma_start3A_188, %dma_start3A_189] : memref<10000x128xf32, #tpu.memory_space<hbm>> -> memref<10000x128xf32, #tpu.memory_space<hbm>>
    tpu.enqueue_indirect_dma source(%dma_start3A_190 : memref<10000x128xf32, #tpu.memory_space<hbm>>) target(%arg20 : memref<64x128xf32, #tpu.memory_space<vmem>>) offsets(%arg10 : memref<64xi32, #tpu.memory_space<vmem>>) semaphore(%arg25 : memref<!tpu.dma_semaphore, #tpu.memory_space<semaphore_mem>>)
    %scan3A_191 = arith.constant 0 : i32
    %scan3A_192 = arith.constant 0 : i32
    %scan3A_193 = arith.constant 39 : i32
    %scan3A_194 = arith.addi %scan3A_192, %scan3A_193 : i32
    %scan3A_195 = arith.constant 1 : i32
    %scan3A_196 = scf.for %scan3A_241 = %scan3A_192 to %scan3A_194 step %scan3A_195 iter_args(%scan3A_242 = %scan3A_191) -> (i32)  : i32 {
      %mul3A_243 = arith.constant 4 : i32
      %mul3A_244 = arith.muli %scan3A_241, %mul3A_243 : i32
      %add3A_245 = arith.constant 0 : i32
      %add3A_246 = arith.addi %mul3A_244, %add3A_245 : i32
      %dma_wait3A_247 = arith.constant 0 : i32
      %dma_wait3A_248 = arith.constant 0 : i32
      %dma_wait3A_249 = tpu.memref_slice %arg2[%dma_wait3A_247, %dma_wait3A_248] : memref<10000x128xf32, #tpu.memory_space<hbm>> -> memref<10000x128xf32, #tpu.memory_space<hbm>>
      tpu.wait_indirect_dma semaphore(%arg23 : memref<!tpu.dma_semaphore, #tpu.memory_space<semaphore_mem>>) src(%dma_wait3A_249 : memref<10000x128xf32, #tpu.memory_space<hbm>>) dst(%arg18 : memref<64x128xf32, #tpu.memory_space<vmem>>)
      %dma_start3A_250 = arith.constant 0 : i32
      %dma_start3A_251 = arith.constant 0 : i32
      %dma_start3A_252 = tpu.memref_slice %arg22[%dma_start3A_250, %dma_start3A_251] : memref<10000x128xf32, #tpu.memory_space<vmem_shared>> -> memref<10000x128xf32, #tpu.memory_space<vmem_shared>>
      tpu.enqueue_indirect_dma source(%arg18 : memref<64x128xf32, #tpu.memory_space<vmem>>) target(%dma_start3A_252 : memref<10000x128xf32, #tpu.memory_space<vmem_shared>>) offsets(%arg12 : memref<64xi32, #tpu.memory_space<vmem>>) semaphore(%arg27 : memref<!tpu.dma_semaphore, #tpu.memory_space<semaphore_mem>>) {add = true}
      %ge3A = arith.constant 1 : i32
      %ge3A_253 = arith.cmpi sge, %add3A_246, %ge3A : i32
      %convert_element_type3A = arith.extui %ge3A_253 : i1 to i32
      %cond3A = arith.constant 0 : i32
      %cond3A_254 = arith.cmpi ne, %convert_element_type3A, %cond3A : i32
      scf.if %cond3A_254 {
        %dma_wait3A_322 = arith.constant 0 : i32
        %dma_wait3A_323 = arith.constant 0 : i32
        %dma_wait3A_324 = tpu.memref_slice %arg22[%dma_wait3A_322, %dma_wait3A_323] : memref<10000x128xf32, #tpu.memory_space<vmem_shared>> -> memref<10000x128xf32, #tpu.memory_space<vmem_shared>>
        tpu.wait_indirect_dma semaphore(%arg30 : memref<!tpu.dma_semaphore, #tpu.memory_space<semaphore_mem>>) src(%arg21 : memref<64x128xf32, #tpu.memory_space<vmem>>) dst(%dma_wait3A_324 : memref<10000x128xf32, #tpu.memory_space<vmem_shared>>)
      } else {
      }
      %add3A_255 = arith.constant 3 : i32
      %add3A_256 = arith.addi %add3A_246, %add3A_255 : i32
      %lt3A = arith.constant 156 : i32
      %lt3A_257 = arith.cmpi slt, %add3A_256, %lt3A : i32
      %convert_element_type3A_258 = arith.extui %lt3A_257 : i1 to i32
      %cond3A_259 = arith.constant 0 : i32
      %cond3A_260 = arith.cmpi ne, %convert_element_type3A_258, %cond3A_259 : i32
      scf.if %cond3A_260 {
        %add3A_322 = arith.constant 3 : i32
        %add3A_323 = arith.addi %add3A_246, %add3A_322 : i32
        %get3A_324 = arith.index_cast %add3A_323 : i32 to index
        %get3A_325 = arith.constant 0 : index
        %get3A_326 = tpu.vector_load %arg6[%get3A_324, %get3A_325] {strides = array<i32>} : memref<156x64xi32, #tpu.memory_space<vmem>>, vector<16xi32>,
        %and3A_327 = arith.constant 65535 : i32
        %and3A_328 = vector.broadcast %and3A_327 : i32 to vector<16xi32>
        %and3A_329 = arith.andi %get3A_326, %and3A_328 : vector<16xi32>
        %swap3A_330 = arith.constant 0 : index
        %swap3A_331 = tpu.vector_load %arg11[%swap3A_330] {strides = array<i32>} : memref<64xi32, #tpu.memory_space<vmem>>, vector<16xi32>,
        tpu.vector_store %arg11[%swap3A_330], %and3A_329 {strides = array<i32>} : memref<64xi32, #tpu.memory_space<vmem>>, vector<16xi32>,
        %shift_right_logical3A_332 = arith.constant 16 : i32
        %shift_right_logical3A_333 = vector.broadcast %shift_right_logical3A_332 : i32 to vector<16xi32>
        %shift_right_logical3A_334 = arith.shrui %get3A_326, %shift_right_logical3A_333 : vector<16xi32>
        %swap3A_335 = arith.constant 0 : index
        %swap3A_336 = tpu.vector_load %arg15[%swap3A_335] {strides = array<i32>} : memref<64xi32, #tpu.memory_space<vmem>>, vector<16xi32>,
        tpu.vector_store %arg15[%swap3A_335], %shift_right_logical3A_334 {strides = array<i32>} : memref<64xi32, #tpu.memory_space<vmem>>, vector<16xi32>,
        %get3A_337 = arith.index_cast %add3A_323 : i32 to index
        %get3A_338 = arith.constant 16 : index
        %get3A_339 = tpu.vector_load %arg6[%get3A_337, %get3A_338] {strides = array<i32>} : memref<156x64xi32, #tpu.memory_space<vmem>>, vector<16xi32>,
        %and3A_340 = arith.constant 65535 : i32
        %and3A_341 = vector.broadcast %and3A_340 : i32 to vector<16xi32>
        %and3A_342 = arith.andi %get3A_339, %and3A_341 : vector<16xi32>
        %swap3A_343 = arith.constant 16 : index
        %swap3A_344 = tpu.vector_load %arg11[%swap3A_343] {strides = array<i32>} : memref<64xi32, #tpu.memory_space<vmem>>, vector<16xi32>,
        tpu.vector_store %arg11[%swap3A_343], %and3A_342 {strides = array<i32>} : memref<64xi32, #tpu.memory_space<vmem>>, vector<16xi32>,
        %shift_right_logical3A_345 = arith.constant 16 : i32
        %shift_right_logical3A_346 = vector.broadcast %shift_right_logical3A_345 : i32 to vector<16xi32>
        %shift_right_logical3A_347 = arith.shrui %get3A_339, %shift_right_logical3A_346 : vector<16xi32>
        %swap3A_348 = arith.constant 16 : index
        %swap3A_349 = tpu.vector_load %arg15[%swap3A_348] {strides = array<i32>} : memref<64xi32, #tpu.memory_space<vmem>>, vector<16xi32>,
        tpu.vector_store %arg15[%swap3A_348], %shift_right_logical3A_347 {strides = array<i32>} : memref<64xi32, #tpu.memory_space<vmem>>, vector<16xi32>,
        %get3A_350 = arith.index_cast %add3A_323 : i32 to index
        %get3A_351 = arith.constant 32 : index
        %get3A_352 = tpu.vector_load %arg6[%get3A_350, %get3A_351] {strides = array<i32>} : memref<156x64xi32, #tpu.memory_space<vmem>>, vector<16xi32>,
        %and3A_353 = arith.constant 65535 : i32
        %and3A_354 = vector.broadcast %and3A_353 : i32 to vector<16xi32>
        %and3A_355 = arith.andi %get3A_352, %and3A_354 : vector<16xi32>
        %swap3A_356 = arith.constant 32 : index
        %swap3A_357 = tpu.vector_load %arg11[%swap3A_356] {strides = array<i32>} : memref<64xi32, #tpu.memory_space<vmem>>, vector<16xi32>,
        tpu.vector_store %arg11[%swap3A_356], %and3A_355 {strides = array<i32>} : memref<64xi32, #tpu.memory_space<vmem>>, vector<16xi32>,
        %shift_right_logical3A_358 = arith.constant 16 : i32
        %shift_right_logical3A_359 = vector.broadcast %shift_right_logical3A_358 : i32 to vector<16xi32>
        %shift_right_logical3A_360 = arith.shrui %get3A_352, %shift_right_logical3A_359 : vector<16xi32>
        %swap3A_361 = arith.constant 32 : index
        %swap3A_362 = tpu.vector_load %arg15[%swap3A_361] {strides = array<i32>} : memref<64xi32, #tpu.memory_space<vmem>>, vector<16xi32>,
        tpu.vector_store %arg15[%swap3A_361], %shift_right_logical3A_360 {strides = array<i32>} : memref<64xi32, #tpu.memory_space<vmem>>, vector<16xi32>,
        %get3A_363 = arith.index_cast %add3A_323 : i32 to index
        %get3A_364 = arith.constant 48 : index
        %get3A_365 = tpu.vector_load %arg6[%get3A_363, %get3A_364] {strides = array<i32>} : memref<156x64xi32, #tpu.memory_space<vmem>>, vector<16xi32>,
        %and3A_366 = arith.constant 65535 : i32
        %and3A_367 = vector.broadcast %and3A_366 : i32 to vector<16xi32>
        %and3A_368 = arith.andi %get3A_365, %and3A_367 : vector<16xi32>
        %swap3A_369 = arith.constant 48 : index
        %swap3A_370 = tpu.vector_load %arg11[%swap3A_369] {strides = array<i32>} : memref<64xi32, #tpu.memory_space<vmem>>, vector<16xi32>,
        tpu.vector_store %arg11[%swap3A_369], %and3A_368 {strides = array<i32>} : memref<64xi32, #tpu.memory_space<vmem>>, vector<16xi32>,
        %shift_right_logical3A_371 = arith.constant 16 : i32
        %shift_right_logical3A_372 = vector.broadcast %shift_right_logical3A_371 : i32 to vector<16xi32>
        %shift_right_logical3A_373 = arith.shrui %get3A_365, %shift_right_logical3A_372 : vector<16xi32>
        %swap3A_374 = arith.constant 48 : index
        %swap3A_375 = tpu.vector_load %arg15[%swap3A_374] {strides = array<i32>} : memref<64xi32, #tpu.memory_space<vmem>>, vector<16xi32>,
        tpu.vector_store %arg15[%swap3A_374], %shift_right_logical3A_373 {strides = array<i32>} : memref<64xi32, #tpu.memory_space<vmem>>, vector<16xi32>,
        %dma_start3A_376 = arith.constant 0 : i32
        %dma_start3A_377 = arith.constant 0 : i32
        %dma_start3A_378 = tpu.memref_slice %arg2[%dma_start3A_376, %dma_start3A_377] : memref<10000x128xf32, #tpu.memory_space<hbm>> -> memref<10000x128xf32, #tpu.memory_space<hbm>>
        tpu.enqueue_indirect_dma source(%dma_start3A_378 : memref<10000x128xf32, #tpu.memory_space<hbm>>) target(%arg21 : memref<64x128xf32, #tpu.memory_space<vmem>>) offsets(%arg11 : memref<64xi32, #tpu.memory_space<vmem>>) semaphore(%arg26 : memref<!tpu.dma_semaphore, #tpu.memory_space<semaphore_mem>>)
      } else {
      }
      %mul3A_261 = arith.constant 4 : i32
      %mul3A_262 = arith.muli %scan3A_241, %mul3A_261 : i32
      %add3A_263 = arith.constant 1 : i32
      %add3A_264 = arith.addi %mul3A_262, %add3A_263 : i32
      %dma_wait3A_265 = arith.constant 0 : i32
      %dma_wait3A_266 = arith.constant 0 : i32
      %dma_wait3A_267 = tpu.memref_slice %arg2[%dma_wait3A_265, %dma_wait3A_266] : memref<10000x128xf32, #tpu.memory_space<hbm>> -> memref<10000x128xf32, #tpu.memory_space<hbm>>
      tpu.wait_indirect_dma semaphore(%arg24 : memref<!tpu.dma_semaphore, #tpu.memory_space<semaphore_mem>>) src(%dma_wait3A_267 : memref<10000x128xf32, #tpu.memory_space<hbm>>) dst(%arg19 : memref<64x128xf32, #tpu.memory_space<vmem>>)
      %dma_start3A_268 = arith.constant 0 : i32
      %dma_start3A_269 = arith.constant 0 : i32
      %dma_start3A_270 = tpu.memref_slice %arg22[%dma_start3A_268, %dma_start3A_269] : memref<10000x128xf32, #tpu.memory_space<vmem_shared>> -> memref<10000x128xf32, #tpu.memory_space<vmem_shared>>
      tpu.enqueue_indirect_dma source(%arg19 : memref<64x128xf32, #tpu.memory_space<vmem>>) target(%dma_start3A_270 : memref<10000x128xf32, #tpu.memory_space<vmem_shared>>) offsets(%arg13 : memref<64xi32, #tpu.memory_space<vmem>>) semaphore(%arg28 : memref<!tpu.dma_semaphore, #tpu.memory_space<semaphore_mem>>) {add = true}
      %dma_wait3A_271 = arith.constant 0 : i32
      %dma_wait3A_272 = arith.constant 0 : i32
      %dma_wait3A_273 = tpu.memref_slice %arg22[%dma_wait3A_271, %dma_wait3A_272] : memref<10000x128xf32, #tpu.memory_space<vmem_shared>> -> memref<10000x128xf32, #tpu.memory_space<vmem_shared>>
      tpu.wait_indirect_dma semaphore(%arg27 : memref<!tpu.dma_semaphore, #tpu.memory_space<semaphore_mem>>) src(%arg18 : memref<64x128xf32, #tpu.memory_space<vmem>>) dst(%dma_wait3A_273 : memref<10000x128xf32, #tpu.memory_space<vmem_shared>>)
      %add3A_274 = arith.constant 3 : i32
      %add3A_275 = arith.addi %add3A_264, %add3A_274 : i32
      %lt3A_276 = arith.constant 156 : i32
      %lt3A_277 = arith.cmpi slt, %add3A_275, %lt3A_276 : i32
      %convert_element_type3A_278 = arith.extui %lt3A_277 : i1 to i32
      %cond3A_279 = arith.constant 0 : i32
      %cond3A_280 = arith.cmpi ne, %convert_element_type3A_278, %cond3A_279 : i32
      scf.if %cond3A_280 {
        %add3A_322 = arith.constant 3 : i32
        %add3A_323 = arith.addi %add3A_264, %add3A_322 : i32
        %get3A_324 = arith.index_cast %add3A_323 : i32 to index
        %get3A_325 = arith.constant 0 : index
        %get3A_326 = tpu.vector_load %arg6[%get3A_324, %get3A_325] {strides = array<i32>} : memref<156x64xi32, #tpu.memory_space<vmem>>, vector<16xi32>,
        %and3A_327 = arith.constant 65535 : i32
        %and3A_328 = vector.broadcast %and3A_327 : i32 to vector<16xi32>
        %and3A_329 = arith.andi %get3A_326, %and3A_328 : vector<16xi32>
        %swap3A_330 = arith.constant 0 : index
        %swap3A_331 = tpu.vector_load %arg8[%swap3A_330] {strides = array<i32>} : memref<64xi32, #tpu.memory_space<vmem>>, vector<16xi32>,
        tpu.vector_store %arg8[%swap3A_330], %and3A_329 {strides = array<i32>} : memref<64xi32, #tpu.memory_space<vmem>>, vector<16xi32>,
        %shift_right_logical3A_332 = arith.constant 16 : i32
        %shift_right_logical3A_333 = vector.broadcast %shift_right_logical3A_332 : i32 to vector<16xi32>
        %shift_right_logical3A_334 = arith.shrui %get3A_326, %shift_right_logical3A_333 : vector<16xi32>
        %swap3A_335 = arith.constant 0 : index
        %swap3A_336 = tpu.vector_load %arg12[%swap3A_335] {strides = array<i32>} : memref<64xi32, #tpu.memory_space<vmem>>, vector<16xi32>,
        tpu.vector_store %arg12[%swap3A_335], %shift_right_logical3A_334 {strides = array<i32>} : memref<64xi32, #tpu.memory_space<vmem>>, vector<16xi32>,
        %get3A_337 = arith.index_cast %add3A_323 : i32 to index
        %get3A_338 = arith.constant 16 : index
        %get3A_339 = tpu.vector_load %arg6[%get3A_337, %get3A_338] {strides = array<i32>} : memref<156x64xi32, #tpu.memory_space<vmem>>, vector<16xi32>,
        %and3A_340 = arith.constant 65535 : i32
        %and3A_341 = vector.broadcast %and3A_340 : i32 to vector<16xi32>
        %and3A_342 = arith.andi %get3A_339, %and3A_341 : vector<16xi32>
        %swap3A_343 = arith.constant 16 : index
        %swap3A_344 = tpu.vector_load %arg8[%swap3A_343] {strides = array<i32>} : memref<64xi32, #tpu.memory_space<vmem>>, vector<16xi32>,
        tpu.vector_store %arg8[%swap3A_343], %and3A_342 {strides = array<i32>} : memref<64xi32, #tpu.memory_space<vmem>>, vector<16xi32>,
        %shift_right_logical3A_345 = arith.constant 16 : i32
        %shift_right_logical3A_346 = vector.broadcast %shift_right_logical3A_345 : i32 to vector<16xi32>
        %shift_right_logical3A_347 = arith.shrui %get3A_339, %shift_right_logical3A_346 : vector<16xi32>
        %swap3A_348 = arith.constant 16 : index
        %swap3A_349 = tpu.vector_load %arg12[%swap3A_348] {strides = array<i32>} : memref<64xi32, #tpu.memory_space<vmem>>, vector<16xi32>,
        tpu.vector_store %arg12[%swap3A_348], %shift_right_logical3A_347 {strides = array<i32>} : memref<64xi32, #tpu.memory_space<vmem>>, vector<16xi32>,
        %get3A_350 = arith.index_cast %add3A_323 : i32 to index
        %get3A_351 = arith.constant 32 : index
        %get3A_352 = tpu.vector_load %arg6[%get3A_350, %get3A_351] {strides = array<i32>} : memref<156x64xi32, #tpu.memory_space<vmem>>, vector<16xi32>,
        %and3A_353 = arith.constant 65535 : i32
        %and3A_354 = vector.broadcast %and3A_353 : i32 to vector<16xi32>
        %and3A_355 = arith.andi %get3A_352, %and3A_354 : vector<16xi32>
        %swap3A_356 = arith.constant 32 : index
        %swap3A_357 = tpu.vector_load %arg8[%swap3A_356] {strides = array<i32>} : memref<64xi32, #tpu.memory_space<vmem>>, vector<16xi32>,
        tpu.vector_store %arg8[%swap3A_356], %and3A_355 {strides = array<i32>} : memref<64xi32, #tpu.memory_space<vmem>>, vector<16xi32>,
        %shift_right_logical3A_358 = arith.constant 16 : i32
        %shift_right_logical3A_359 = vector.broadcast %shift_right_logical3A_358 : i32 to vector<16xi32>
        %shift_right_logical3A_360 = arith.shrui %get3A_352, %shift_right_logical3A_359 : vector<16xi32>
        %swap3A_361 = arith.constant 32 : index
        %swap3A_362 = tpu.vector_load %arg12[%swap3A_361] {strides = array<i32>} : memref<64xi32, #tpu.memory_space<vmem>>, vector<16xi32>,
        tpu.vector_store %arg12[%swap3A_361], %shift_right_logical3A_360 {strides = array<i32>} : memref<64xi32, #tpu.memory_space<vmem>>, vector<16xi32>,
        %get3A_363 = arith.index_cast %add3A_323 : i32 to index
        %get3A_364 = arith.constant 48 : index
        %get3A_365 = tpu.vector_load %arg6[%get3A_363, %get3A_364] {strides = array<i32>} : memref<156x64xi32, #tpu.memory_space<vmem>>, vector<16xi32>,
        %and3A_366 = arith.constant 65535 : i32
        %and3A_367 = vector.broadcast %and3A_366 : i32 to vector<16xi32>
        %and3A_368 = arith.andi %get3A_365, %and3A_367 : vector<16xi32>
        %swap3A_369 = arith.constant 48 : index
        %swap3A_370 = tpu.vector_load %arg8[%swap3A_369] {strides = array<i32>} : memref<64xi32, #tpu.memory_space<vmem>>, vector<16xi32>,
        tpu.vector_store %arg8[%swap3A_369], %and3A_368 {strides = array<i32>} : memref<64xi32, #tpu.memory_space<vmem>>, vector<16xi32>,
        %shift_right_logical3A_371 = arith.constant 16 : i32
        %shift_right_logical3A_372 = vector.broadcast %shift_right_logical3A_371 : i32 to vector<16xi32>
        %shift_right_logical3A_373 = arith.shrui %get3A_365, %shift_right_logical3A_372 : vector<16xi32>
        %swap3A_374 = arith.constant 48 : index
        %swap3A_375 = tpu.vector_load %arg12[%swap3A_374] {strides = array<i32>} : memref<64xi32, #tpu.memory_space<vmem>>, vector<16xi32>,
        tpu.vector_store %arg12[%swap3A_374], %shift_right_logical3A_373 {strides = array<i32>} : memref<64xi32, #tpu.memory_space<vmem>>, vector<16xi32>,
        %dma_start3A_376 = arith.constant 0 : i32
        %dma_start3A_377 = arith.constant 0 : i32
        %dma_start3A_378 = tpu.memref_slice %arg2[%dma_start3A_376, %dma_start3A_377] : memref<10000x128xf32, #tpu.memory_space<hbm>> -> memref<10000x128xf32, #tpu.memory_space<hbm>>
        tpu.enqueue_indirect_dma source(%dma_start3A_378 : memref<10000x128xf32, #tpu.memory_space<hbm>>) target(%arg18 : memref<64x128xf32, #tpu.memory_space<vmem>>) offsets(%arg8 : memref<64xi32, #tpu.memory_space<vmem>>) semaphore(%arg23 : memref<!tpu.dma_semaphore, #tpu.memory_space<semaphore_mem>>)
      } else {
      }
      %mul3A_281 = arith.constant 4 : i32
      %mul3A_282 = arith.muli %scan3A_241, %mul3A_281 : i32
      %add3A_283 = arith.constant 2 : i32
      %add3A_284 = arith.addi %mul3A_282, %add3A_283 : i32
      %dma_wait3A_285 = arith.constant 0 : i32
      %dma_wait3A_286 = arith.constant 0 : i32
      %dma_wait3A_287 = tpu.memref_slice %arg2[%dma_wait3A_285, %dma_wait3A_286] : memref<10000x128xf32, #tpu.memory_space<hbm>> -> memref<10000x128xf32, #tpu.memory_space<hbm>>
      tpu.wait_indirect_dma semaphore(%arg25 : memref<!tpu.dma_semaphore, #tpu.memory_space<semaphore_mem>>) src(%dma_wait3A_287 : memref<10000x128xf32, #tpu.memory_space<hbm>>) dst(%arg20 : memref<64x128xf32, #tpu.memory_space<vmem>>)
      %dma_start3A_288 = arith.constant 0 : i32
      %dma_start3A_289 = arith.constant 0 : i32
      %dma_start3A_290 = tpu.memref_slice %arg22[%dma_start3A_288, %dma_start3A_289] : memref<10000x128xf32, #tpu.memory_space<vmem_shared>> -> memref<10000x128xf32, #tpu.memory_space<vmem_shared>>
      tpu.enqueue_indirect_dma source(%arg20 : memref<64x128xf32, #tpu.memory_space<vmem>>) target(%dma_start3A_290 : memref<10000x128xf32, #tpu.memory_space<vmem_shared>>) offsets(%arg14 : memref<64xi32, #tpu.memory_space<vmem>>) semaphore(%arg29 : memref<!tpu.dma_semaphore, #tpu.memory_space<semaphore_mem>>) {add = true}
      %dma_wait3A_291 = arith.constant 0 : i32
      %dma_wait3A_292 = arith.constant 0 : i32
      %dma_wait3A_293 = tpu.memref_slice %arg22[%dma_wait3A_291, %dma_wait3A_292] : memref<10000x128xf32, #tpu.memory_space<vmem_shared>> -> memref<10000x128xf32, #tpu.memory_space<vmem_shared>>
      tpu.wait_indirect_dma semaphore(%arg28 : memref<!tpu.dma_semaphore, #tpu.memory_space<semaphore_mem>>) src(%arg19 : memref<64x128xf32, #tpu.memory_space<vmem>>) dst(%dma_wait3A_293 : memref<10000x128xf32, #tpu.memory_space<vmem_shared>>)
      %add3A_294 = arith.constant 3 : i32
      %add3A_295 = arith.addi %add3A_284, %add3A_294 : i32
      %lt3A_296 = arith.constant 156 : i32
      %lt3A_297 = arith.cmpi slt, %add3A_295, %lt3A_296 : i32
      %convert_element_type3A_298 = arith.extui %lt3A_297 : i1 to i32
      %cond3A_299 = arith.constant 0 : i32
      %cond3A_300 = arith.cmpi ne, %convert_element_type3A_298, %cond3A_299 : i32
      scf.if %cond3A_300 {
        %add3A_322 = arith.constant 3 : i32
        %add3A_323 = arith.addi %add3A_284, %add3A_322 : i32
        %get3A_324 = arith.index_cast %add3A_323 : i32 to index
        %get3A_325 = arith.constant 0 : index
        %get3A_326 = tpu.vector_load %arg6[%get3A_324, %get3A_325] {strides = array<i32>} : memref<156x64xi32, #tpu.memory_space<vmem>>, vector<16xi32>,
        %and3A_327 = arith.constant 65535 : i32
        %and3A_328 = vector.broadcast %and3A_327 : i32 to vector<16xi32>
        %and3A_329 = arith.andi %get3A_326, %and3A_328 : vector<16xi32>
        %swap3A_330 = arith.constant 0 : index
        %swap3A_331 = tpu.vector_load %arg9[%swap3A_330] {strides = array<i32>} : memref<64xi32, #tpu.memory_space<vmem>>, vector<16xi32>,
        tpu.vector_store %arg9[%swap3A_330], %and3A_329 {strides = array<i32>} : memref<64xi32, #tpu.memory_space<vmem>>, vector<16xi32>,
        %shift_right_logical3A_332 = arith.constant 16 : i32
        %shift_right_logical3A_333 = vector.broadcast %shift_right_logical3A_332 : i32 to vector<16xi32>
        %shift_right_logical3A_334 = arith.shrui %get3A_326, %shift_right_logical3A_333 : vector<16xi32>
        %swap3A_335 = arith.constant 0 : index
        %swap3A_336 = tpu.vector_load %arg13[%swap3A_335] {strides = array<i32>} : memref<64xi32, #tpu.memory_space<vmem>>, vector<16xi32>,
        tpu.vector_store %arg13[%swap3A_335], %shift_right_logical3A_334 {strides = array<i32>} : memref<64xi32, #tpu.memory_space<vmem>>, vector<16xi32>,
        %get3A_337 = arith.index_cast %add3A_323 : i32 to index
        %get3A_338 = arith.constant 16 : index
        %get3A_339 = tpu.vector_load %arg6[%get3A_337, %get3A_338] {strides = array<i32>} : memref<156x64xi32, #tpu.memory_space<vmem>>, vector<16xi32>,
        %and3A_340 = arith.constant 65535 : i32
        %and3A_341 = vector.broadcast %and3A_340 : i32 to vector<16xi32>
        %and3A_342 = arith.andi %get3A_339, %and3A_341 : vector<16xi32>
        %swap3A_343 = arith.constant 16 : index
        %swap3A_344 = tpu.vector_load %arg9[%swap3A_343] {strides = array<i32>} : memref<64xi32, #tpu.memory_space<vmem>>, vector<16xi32>,
        tpu.vector_store %arg9[%swap3A_343], %and3A_342 {strides = array<i32>} : memref<64xi32, #tpu.memory_space<vmem>>, vector<16xi32>,
        %shift_right_logical3A_345 = arith.constant 16 : i32
        %shift_right_logical3A_346 = vector.broadcast %shift_right_logical3A_345 : i32 to vector<16xi32>
        %shift_right_logical3A_347 = arith.shrui %get3A_339, %shift_right_logical3A_346 : vector<16xi32>
        %swap3A_348 = arith.constant 16 : index
        %swap3A_349 = tpu.vector_load %arg13[%swap3A_348] {strides = array<i32>} : memref<64xi32, #tpu.memory_space<vmem>>, vector<16xi32>,
        tpu.vector_store %arg13[%swap3A_348], %shift_right_logical3A_347 {strides = array<i32>} : memref<64xi32, #tpu.memory_space<vmem>>, vector<16xi32>,
        %get3A_350 = arith.index_cast %add3A_323 : i32 to index
        %get3A_351 = arith.constant 32 : index
        %get3A_352 = tpu.vector_load %arg6[%get3A_350, %get3A_351] {strides = array<i32>} : memref<156x64xi32, #tpu.memory_space<vmem>>, vector<16xi32>,
        %and3A_353 = arith.constant 65535 : i32
        %and3A_354 = vector.broadcast %and3A_353 : i32 to vector<16xi32>
        %and3A_355 = arith.andi %get3A_352, %and3A_354 : vector<16xi32>
        %swap3A_356 = arith.constant 32 : index
        %swap3A_357 = tpu.vector_load %arg9[%swap3A_356] {strides = array<i32>} : memref<64xi32, #tpu.memory_space<vmem>>, vector<16xi32>,
        tpu.vector_store %arg9[%swap3A_356], %and3A_355 {strides = array<i32>} : memref<64xi32, #tpu.memory_space<vmem>>, vector<16xi32>,
        %shift_right_logical3A_358 = arith.constant 16 : i32
        %shift_right_logical3A_359 = vector.broadcast %shift_right_logical3A_358 : i32 to vector<16xi32>
        %shift_right_logical3A_360 = arith.shrui %get3A_352, %shift_right_logical3A_359 : vector<16xi32>
        %swap3A_361 = arith.constant 32 : index
        %swap3A_362 = tpu.vector_load %arg13[%swap3A_361] {strides = array<i32>} : memref<64xi32, #tpu.memory_space<vmem>>, vector<16xi32>,
        tpu.vector_store %arg13[%swap3A_361], %shift_right_logical3A_360 {strides = array<i32>} : memref<64xi32, #tpu.memory_space<vmem>>, vector<16xi32>,
        %get3A_363 = arith.index_cast %add3A_323 : i32 to index
        %get3A_364 = arith.constant 48 : index
        %get3A_365 = tpu.vector_load %arg6[%get3A_363, %get3A_364] {strides = array<i32>} : memref<156x64xi32, #tpu.memory_space<vmem>>, vector<16xi32>,
        %and3A_366 = arith.constant 65535 : i32
        %and3A_367 = vector.broadcast %and3A_366 : i32 to vector<16xi32>
        %and3A_368 = arith.andi %get3A_365, %and3A_367 : vector<16xi32>
        %swap3A_369 = arith.constant 48 : index
        %swap3A_370 = tpu.vector_load %arg9[%swap3A_369] {strides = array<i32>} : memref<64xi32, #tpu.memory_space<vmem>>, vector<16xi32>,
        tpu.vector_store %arg9[%swap3A_369], %and3A_368 {strides = array<i32>} : memref<64xi32, #tpu.memory_space<vmem>>, vector<16xi32>,
        %shift_right_logical3A_371 = arith.constant 16 : i32
        %shift_right_logical3A_372 = vector.broadcast %shift_right_logical3A_371 : i32 to vector<16xi32>
        %shift_right_logical3A_373 = arith.shrui %get3A_365, %shift_right_logical3A_372 : vector<16xi32>
        %swap3A_374 = arith.constant 48 : index
        %swap3A_375 = tpu.vector_load %arg13[%swap3A_374] {strides = array<i32>} : memref<64xi32, #tpu.memory_space<vmem>>, vector<16xi32>,
        tpu.vector_store %arg13[%swap3A_374], %shift_right_logical3A_373 {strides = array<i32>} : memref<64xi32, #tpu.memory_space<vmem>>, vector<16xi32>,
        %dma_start3A_376 = arith.constant 0 : i32
        %dma_start3A_377 = arith.constant 0 : i32
        %dma_start3A_378 = tpu.memref_slice %arg2[%dma_start3A_376, %dma_start3A_377] : memref<10000x128xf32, #tpu.memory_space<hbm>> -> memref<10000x128xf32, #tpu.memory_space<hbm>>
        tpu.enqueue_indirect_dma source(%dma_start3A_378 : memref<10000x128xf32, #tpu.memory_space<hbm>>) target(%arg19 : memref<64x128xf32, #tpu.memory_space<vmem>>) offsets(%arg9 : memref<64xi32, #tpu.memory_space<vmem>>) semaphore(%arg24 : memref<!tpu.dma_semaphore, #tpu.memory_space<semaphore_mem>>)
      } else {
      }
      %mul3A_301 = arith.constant 4 : i32
      %mul3A_302 = arith.muli %scan3A_241, %mul3A_301 : i32
      %add3A_303 = arith.constant 3 : i32
      %add3A_304 = arith.addi %mul3A_302, %add3A_303 : i32
      %dma_wait3A_305 = arith.constant 0 : i32
      %dma_wait3A_306 = arith.constant 0 : i32
      %dma_wait3A_307 = tpu.memref_slice %arg2[%dma_wait3A_305, %dma_wait3A_306] : memref<10000x128xf32, #tpu.memory_space<hbm>> -> memref<10000x128xf32, #tpu.memory_space<hbm>>
      tpu.wait_indirect_dma semaphore(%arg26 : memref<!tpu.dma_semaphore, #tpu.memory_space<semaphore_mem>>) src(%dma_wait3A_307 : memref<10000x128xf32, #tpu.memory_space<hbm>>) dst(%arg21 : memref<64x128xf32, #tpu.memory_space<vmem>>)
      %dma_start3A_308 = arith.constant 0 : i32
      %dma_start3A_309 = arith.constant 0 : i32
      %dma_start3A_310 = tpu.memref_slice %arg22[%dma_start3A_308, %dma_start3A_309] : memref<10000x128xf32, #tpu.memory_space<vmem_shared>> -> memref<10000x128xf32, #tpu.memory_space<vmem_shared>>
      tpu.enqueue_indirect_dma source(%arg21 : memref<64x128xf32, #tpu.memory_space<vmem>>) target(%dma_start3A_310 : memref<10000x128xf32, #tpu.memory_space<vmem_shared>>) offsets(%arg15 : memref<64xi32, #tpu.memory_space<vmem>>) semaphore(%arg30 : memref<!tpu.dma_semaphore, #tpu.memory_space<semaphore_mem>>) {add = true}
      %dma_wait3A_311 = arith.constant 0 : i32
      %dma_wait3A_312 = arith.constant 0 : i32
      %dma_wait3A_313 = tpu.memref_slice %arg22[%dma_wait3A_311, %dma_wait3A_312] : memref<10000x128xf32, #tpu.memory_space<vmem_shared>> -> memref<10000x128xf32, #tpu.memory_space<vmem_shared>>
      tpu.wait_indirect_dma semaphore(%arg29 : memref<!tpu.dma_semaphore, #tpu.memory_space<semaphore_mem>>) src(%arg20 : memref<64x128xf32, #tpu.memory_space<vmem>>) dst(%dma_wait3A_313 : memref<10000x128xf32, #tpu.memory_space<vmem_shared>>)
      %add3A_314 = arith.constant 3 : i32
      %add3A_315 = arith.addi %add3A_304, %add3A_314 : i32
      %lt3A_316 = arith.constant 156 : i32
      %lt3A_317 = arith.cmpi slt, %add3A_315, %lt3A_316 : i32
      %convert_element_type3A_318 = arith.extui %lt3A_317 : i1 to i32
      %cond3A_319 = arith.constant 0 : i32
      %cond3A_320 = arith.cmpi ne, %convert_element_type3A_318, %cond3A_319 : i32
      scf.if %cond3A_320 {
        %add3A_322 = arith.constant 3 : i32
        %add3A_323 = arith.addi %add3A_304, %add3A_322 : i32
        %get3A_324 = arith.index_cast %add3A_323 : i32 to index
        %get3A_325 = arith.constant 0 : index
        %get3A_326 = tpu.vector_load %arg6[%get3A_324, %get3A_325] {strides = array<i32>} : memref<156x64xi32, #tpu.memory_space<vmem>>, vector<16xi32>,
        %and3A_327 = arith.constant 65535 : i32
        %and3A_328 = vector.broadcast %and3A_327 : i32 to vector<16xi32>
        %and3A_329 = arith.andi %get3A_326, %and3A_328 : vector<16xi32>
        %swap3A_330 = arith.constant 0 : index
        %swap3A_331 = tpu.vector_load %arg10[%swap3A_330] {strides = array<i32>} : memref<64xi32, #tpu.memory_space<vmem>>, vector<16xi32>,
        tpu.vector_store %arg10[%swap3A_330], %and3A_329 {strides = array<i32>} : memref<64xi32, #tpu.memory_space<vmem>>, vector<16xi32>,
        %shift_right_logical3A_332 = arith.constant 16 : i32
        %shift_right_logical3A_333 = vector.broadcast %shift_right_logical3A_332 : i32 to vector<16xi32>
        %shift_right_logical3A_334 = arith.shrui %get3A_326, %shift_right_logical3A_333 : vector<16xi32>
        %swap3A_335 = arith.constant 0 : index
        %swap3A_336 = tpu.vector_load %arg14[%swap3A_335] {strides = array<i32>} : memref<64xi32, #tpu.memory_space<vmem>>, vector<16xi32>,
        tpu.vector_store %arg14[%swap3A_335], %shift_right_logical3A_334 {strides = array<i32>} : memref<64xi32, #tpu.memory_space<vmem>>, vector<16xi32>,
        %get3A_337 = arith.index_cast %add3A_323 : i32 to index
        %get3A_338 = arith.constant 16 : index
        %get3A_339 = tpu.vector_load %arg6[%get3A_337, %get3A_338] {strides = array<i32>} : memref<156x64xi32, #tpu.memory_space<vmem>>, vector<16xi32>,
        %and3A_340 = arith.constant 65535 : i32
        %and3A_341 = vector.broadcast %and3A_340 : i32 to vector<16xi32>
        %and3A_342 = arith.andi %get3A_339, %and3A_341 : vector<16xi32>
        %swap3A_343 = arith.constant 16 : index
        %swap3A_344 = tpu.vector_load %arg10[%swap3A_343] {strides = array<i32>} : memref<64xi32, #tpu.memory_space<vmem>>, vector<16xi32>,
        tpu.vector_store %arg10[%swap3A_343], %and3A_342 {strides = array<i32>} : memref<64xi32, #tpu.memory_space<vmem>>, vector<16xi32>,
        %shift_right_logical3A_345 = arith.constant 16 : i32
        %shift_right_logical3A_346 = vector.broadcast %shift_right_logical3A_345 : i32 to vector<16xi32>
        %shift_right_logical3A_347 = arith.shrui %get3A_339, %shift_right_logical3A_346 : vector<16xi32>
        %swap3A_348 = arith.constant 16 : index
        %swap3A_349 = tpu.vector_load %arg14[%swap3A_348] {strides = array<i32>} : memref<64xi32, #tpu.memory_space<vmem>>, vector<16xi32>,
        tpu.vector_store %arg14[%swap3A_348], %shift_right_logical3A_347 {strides = array<i32>} : memref<64xi32, #tpu.memory_space<vmem>>, vector<16xi32>,
        %get3A_350 = arith.index_cast %add3A_323 : i32 to index
        %get3A_351 = arith.constant 32 : index
        %get3A_352 = tpu.vector_load %arg6[%get3A_350, %get3A_351] {strides = array<i32>} : memref<156x64xi32, #tpu.memory_space<vmem>>, vector<16xi32>,
        %and3A_353 = arith.constant 65535 : i32
        %and3A_354 = vector.broadcast %and3A_353 : i32 to vector<16xi32>
        %and3A_355 = arith.andi %get3A_352, %and3A_354 : vector<16xi32>
        %swap3A_356 = arith.constant 32 : index
        %swap3A_357 = tpu.vector_load %arg10[%swap3A_356] {strides = array<i32>} : memref<64xi32, #tpu.memory_space<vmem>>, vector<16xi32>,
        tpu.vector_store %arg10[%swap3A_356], %and3A_355 {strides = array<i32>} : memref<64xi32, #tpu.memory_space<vmem>>, vector<16xi32>,
        %shift_right_logical3A_358 = arith.constant 16 : i32
        %shift_right_logical3A_359 = vector.broadcast %shift_right_logical3A_358 : i32 to vector<16xi32>
        %shift_right_logical3A_360 = arith.shrui %get3A_352, %shift_right_logical3A_359 : vector<16xi32>
        %swap3A_361 = arith.constant 32 : index
        %swap3A_362 = tpu.vector_load %arg14[%swap3A_361] {strides = array<i32>} : memref<64xi32, #tpu.memory_space<vmem>>, vector<16xi32>,
        tpu.vector_store %arg14[%swap3A_361], %shift_right_logical3A_360 {strides = array<i32>} : memref<64xi32, #tpu.memory_space<vmem>>, vector<16xi32>,
        %get3A_363 = arith.index_cast %add3A_323 : i32 to index
        %get3A_364 = arith.constant 48 : index
        %get3A_365 = tpu.vector_load %arg6[%get3A_363, %get3A_364] {strides = array<i32>} : memref<156x64xi32, #tpu.memory_space<vmem>>, vector<16xi32>,
        %and3A_366 = arith.constant 65535 : i32
        %and3A_367 = vector.broadcast %and3A_366 : i32 to vector<16xi32>
        %and3A_368 = arith.andi %get3A_365, %and3A_367 : vector<16xi32>
        %swap3A_369 = arith.constant 48 : index
        %swap3A_370 = tpu.vector_load %arg10[%swap3A_369] {strides = array<i32>} : memref<64xi32, #tpu.memory_space<vmem>>, vector<16xi32>,
        tpu.vector_store %arg10[%swap3A_369], %and3A_368 {strides = array<i32>} : memref<64xi32, #tpu.memory_space<vmem>>, vector<16xi32>,
        %shift_right_logical3A_371 = arith.constant 16 : i32
        %shift_right_logical3A_372 = vector.broadcast %shift_right_logical3A_371 : i32 to vector<16xi32>
        %shift_right_logical3A_373 = arith.shrui %get3A_365, %shift_right_logical3A_372 : vector<16xi32>
        %swap3A_374 = arith.constant 48 : index
        %swap3A_375 = tpu.vector_load %arg14[%swap3A_374] {strides = array<i32>} : memref<64xi32, #tpu.memory_space<vmem>>, vector<16xi32>,
        tpu.vector_store %arg14[%swap3A_374], %shift_right_logical3A_373 {strides = array<i32>} : memref<64xi32, #tpu.memory_space<vmem>>, vector<16xi32>,
        %dma_start3A_376 = arith.constant 0 : i32
        %dma_start3A_377 = arith.constant 0 : i32
        %dma_start3A_378 = tpu.memref_slice %arg2[%dma_start3A_376, %dma_start3A_377] : memref<10000x128xf32, #tpu.memory_space<hbm>> -> memref<10000x128xf32, #tpu.memory_space<hbm>>
        tpu.enqueue_indirect_dma source(%dma_start3A_378 : memref<10000x128xf32, #tpu.memory_space<hbm>>) target(%arg20 : memref<64x128xf32, #tpu.memory_space<vmem>>) offsets(%arg10 : memref<64xi32, #tpu.memory_space<vmem>>) semaphore(%arg25 : memref<!tpu.dma_semaphore, #tpu.memory_space<semaphore_mem>>)
      } else {
      }
      %scan3A_321 = arith.constant 0 : i32
      scf.yield %scan3A_321 : i32
    }
    %scan3A_197 = arith.constant 39 : i32
    %dma_wait3A = arith.constant 0 : i32
    %dma_wait3A_198 = arith.constant 0 : i32
    %dma_wait3A_199 = tpu.memref_slice %arg22[%dma_wait3A, %dma_wait3A_198] : memref<10000x128xf32, #tpu.memory_space<vmem_shared>> -> memref<10000x128xf32, #tpu.memory_space<vmem_shared>>
    tpu.wait_indirect_dma semaphore(%arg30 : memref<!tpu.dma_semaphore, #tpu.memory_space<semaphore_mem>>) src(%arg21 : memref<64x128xf32, #tpu.memory_space<vmem>>) dst(%dma_wait3A_199 : memref<10000x128xf32, #tpu.memory_space<vmem_shared>>)
    %get3A_200 = arith.constant 0 : index
    %get3A_201 = tpu.vector_load %arg7[%get3A_200] {strides = array<i32>} : memref<16xi32, #tpu.memory_space<vmem>>, vector<16xi32>,
    %and3A_202 = arith.constant 65535 : i32
    %and3A_203 = vector.broadcast %and3A_202 : i32 to vector<16xi32>
    %and3A_204 = arith.andi %get3A_201, %and3A_203 : vector<16xi32>
    %swap3A_205 = arith.constant 0 : index
    %swap3A_206 = tpu.vector_load %arg16[%swap3A_205] {strides = array<i32>} : memref<16xi32, #tpu.memory_space<vmem>>, vector<16xi32>,
    tpu.vector_store %arg16[%swap3A_205], %and3A_204 {strides = array<i32>} : memref<16xi32, #tpu.memory_space<vmem>>, vector<16xi32>,
    %shift_right_logical3A_207 = arith.constant 16 : i32
    %shift_right_logical3A_208 = vector.broadcast %shift_right_logical3A_207 : i32 to vector<16xi32>
    %shift_right_logical3A_209 = arith.shrui %get3A_201, %shift_right_logical3A_208 : vector<16xi32>
    %swap3A_210 = arith.constant 0 : index
    %swap3A_211 = tpu.vector_load %arg17[%swap3A_210] {strides = array<i32>} : memref<16xi32, #tpu.memory_space<vmem>>, vector<16xi32>,
    tpu.vector_store %arg17[%swap3A_210], %shift_right_logical3A_209 {strides = array<i32>} : memref<16xi32, #tpu.memory_space<vmem>>, vector<16xi32>,
    %dma_start3A_212 = arith.constant 0 : i32
    %dma_start3A_213 = arith.constant 0 : i32
    %dma_start3A_214 = tpu.memref_slice %arg18[%dma_start3A_212, %dma_start3A_213] : memref<64x128xf32, #tpu.memory_space<vmem>> -> memref<16x128xf32, #tpu.memory_space<vmem>>
    %dma_start3A_215 = arith.constant 0 : i32
    %dma_start3A_216 = arith.constant 0 : i32
    %dma_start3A_217 = tpu.memref_slice %arg2[%dma_start3A_215, %dma_start3A_216] : memref<10000x128xf32, #tpu.memory_space<hbm>> -> memref<10000x128xf32, #tpu.memory_space<hbm>>
    tpu.enqueue_indirect_dma source(%dma_start3A_217 : memref<10000x128xf32, #tpu.memory_space<hbm>>) target(%dma_start3A_214 : memref<16x128xf32, #tpu.memory_space<vmem>>) offsets(%arg16 : memref<16xi32, #tpu.memory_space<vmem>>) semaphore(%arg23 : memref<!tpu.dma_semaphore, #tpu.memory_space<semaphore_mem>>)
    %dma_wait3A_218 = arith.constant 0 : i32
    %dma_wait3A_219 = arith.constant 0 : i32
    %dma_wait3A_220 = tpu.memref_slice %arg18[%dma_wait3A_218, %dma_wait3A_219] : memref<64x128xf32, #tpu.memory_space<vmem>> -> memref<16x128xf32, #tpu.memory_space<vmem>>
    %dma_wait3A_221 = arith.constant 0 : i32
    %dma_wait3A_222 = arith.constant 0 : i32
    %dma_wait3A_223 = tpu.memref_slice %arg2[%dma_wait3A_221, %dma_wait3A_222] : memref<10000x128xf32, #tpu.memory_space<hbm>> -> memref<10000x128xf32, #tpu.memory_space<hbm>>
    tpu.wait_indirect_dma semaphore(%arg23 : memref<!tpu.dma_semaphore, #tpu.memory_space<semaphore_mem>>) src(%dma_wait3A_223 : memref<10000x128xf32, #tpu.memory_space<hbm>>) dst(%dma_wait3A_220 : memref<16x128xf32, #tpu.memory_space<vmem>>)
    %dma_start3A_224 = arith.constant 0 : i32
    %dma_start3A_225 = arith.constant 0 : i32
    %dma_start3A_226 = tpu.memref_slice %arg18[%dma_start3A_224, %dma_start3A_225] : memref<64x128xf32, #tpu.memory_space<vmem>> -> memref<16x128xf32, #tpu.memory_space<vmem>>
    %dma_start3A_227 = arith.constant 0 : i32
    %dma_start3A_228 = arith.constant 0 : i32
    %dma_start3A_229 = tpu.memref_slice %arg22[%dma_start3A_227, %dma_start3A_228] : memref<10000x128xf32, #tpu.memory_space<vmem_shared>> -> memref<10000x128xf32, #tpu.memory_space<vmem_shared>>
    tpu.enqueue_indirect_dma source(%dma_start3A_226 : memref<16x128xf32, #tpu.memory_space<vmem>>) target(%dma_start3A_229 : memref<10000x128xf32, #tpu.memory_space<vmem_shared>>) offsets(%arg17 : memref<16xi32, #tpu.memory_space<vmem>>) semaphore(%arg27 : memref<!tpu.dma_semaphore, #tpu.memory_space<semaphore_mem>>) {add = true}
    %dma_wait3A_230 = arith.constant 0 : i32
    %dma_wait3A_231 = arith.constant 0 : i32
    %dma_wait3A_232 = tpu.memref_slice %arg18[%dma_wait3A_230, %dma_wait3A_231] : memref<64x128xf32, #tpu.memory_space<vmem>> -> memref<16x128xf32, #tpu.memory_space<vmem>>
    %dma_wait3A_233 = arith.constant 0 : i32
    %dma_wait3A_234 = arith.constant 0 : i32
    %dma_wait3A_235 = tpu.memref_slice %arg22[%dma_wait3A_233, %dma_wait3A_234] : memref<10000x128xf32, #tpu.memory_space<vmem_shared>> -> memref<10000x128xf32, #tpu.memory_space<vmem_shared>>
    tpu.wait_indirect_dma semaphore(%arg27 : memref<!tpu.dma_semaphore, #tpu.memory_space<semaphore_mem>>) src(%dma_wait3A_232 : memref<16x128xf32, #tpu.memory_space<vmem>>) dst(%dma_wait3A_235 : memref<10000x128xf32, #tpu.memory_space<vmem_shared>>)
    %barrier3A_236 = arith.constant 0 : index
    tpu.barrier barrier_id(%barrier3A_236)
    %mul3A_237 = arith.constant 625 : i32
    %mul3A_238 = arith.muli %arg1, %mul3A_237 : i32
    %mul3A_239 = arith.constant 625 : i32
    %mul3A_240 = arith.muli %arg1, %mul3A_239 : i32
    "tpu.region"() ({
      %run_scoped3A = tpu.sem_alloc : memref<!tpu.dma_semaphore, #tpu.memory_space<semaphore_mem>>
      %dma_start3A_241 = arith.constant 0 : i32
      %dma_start3A_242 = tpu.memref_slice %arg5[%arg0, %mul3A_240, %dma_start3A_241] : memref<2x10000x128xf32, #tpu.memory_space<hbm>> -> memref<1x625x128xf32, #tpu.memory_space<hbm>>
      %dma_start3A_243 = tpu.memref_squeeze %dma_start3A_242 : memref<1x625x128xf32, #tpu.memory_space<hbm>> -> memref<625x128xf32, #tpu.memory_space<hbm>>
      %dma_start3A_244 = arith.constant 0 : i32
      %dma_start3A_245 = tpu.memref_slice %arg22[%mul3A_238, %dma_start3A_244] : memref<10000x128xf32, #tpu.memory_space<vmem_shared>> -> memref<625x128xf32, #tpu.memory_space<vmem_shared>>
      tpu.enqueue_dma source(%dma_start3A_245 : memref<625x128xf32, #tpu.memory_space<vmem_shared>>) target(%dma_start3A_243 : memref<625x128xf32, #tpu.memory_space<hbm>>) target_semaphore(%run_scoped3A : memref<!tpu.dma_semaphore, #tpu.memory_space<semaphore_mem>>)
      %dma_wait3A_246 = arith.constant 0 : i32
      %dma_wait3A_247 = tpu.memref_slice %arg5[%arg0, %mul3A_240, %dma_wait3A_246] : memref<2x10000x128xf32, #tpu.memory_space<hbm>> -> memref<1x625x128xf32, #tpu.memory_space<hbm>>
      %dma_wait3A_248 = tpu.memref_squeeze %dma_wait3A_247 : memref<1x625x128xf32, #tpu.memory_space<hbm>> -> memref<625x128xf32, #tpu.memory_space<hbm>>
      %dma_wait3A_249 = arith.constant 0 : i32
      %dma_wait3A_250 = tpu.memref_slice %arg22[%mul3A_238, %dma_wait3A_249] : memref<10000x128xf32, #tpu.memory_space<vmem_shared>> -> memref<625x128xf32, #tpu.memory_space<vmem_shared>>
      tpu.wait_dma2 semaphore(%run_scoped3A : memref<!tpu.dma_semaphore, #tpu.memory_space<semaphore_mem>>) src(%dma_wait3A_250 : memref<625x128xf32, #tpu.memory_space<vmem_shared>>) dst(%dma_wait3A_248 : memref<625x128xf32, #tpu.memory_space<hbm>>)
      tpu.yield
    }) : () -> ()
    return
  }
}

#map = affine_map<(d0, d1) -> (0, 0)>
#map1 = affine_map<(d0, d1) -> (0, 0, 0)>
module attributes {stable_mosaic.version = 14 : i64} {
  func.func @_agg_body(%arg0: i32, %arg1: i32, %arg2: memref<10000x48xf32, #tpu.memory_space<hbm>>, %arg3: memref<32x104x96xi32, #tpu.memory_space<hbm>>, %arg4: memref<32x16xi32, #tpu.memory_space<hbm>>, %arg5: memref<2x10000x48xf32, #tpu.memory_space<hbm>>, %arg6: memref<104x96xi32, #tpu.memory_space<vmem>>, %arg7: memref<16xi32, #tpu.memory_space<vmem>>, %arg8: memref<96xi32, #tpu.memory_space<vmem>>, %arg9: memref<96xi32, #tpu.memory_space<vmem>>, %arg10: memref<96xi32, #tpu.memory_space<vmem>>, %arg11: memref<96xi32, #tpu.memory_space<vmem>>, %arg12: memref<96xi32, #tpu.memory_space<vmem>>, %arg13: memref<96xi32, #tpu.memory_space<vmem>>, %arg14: memref<96xi32, #tpu.memory_space<vmem>>, %arg15: memref<96xi32, #tpu.memory_space<vmem>>, %arg16: memref<16xi32, #tpu.memory_space<vmem>>, %arg17: memref<16xi32, #tpu.memory_space<vmem>>, %arg18: memref<96x48xf32, #tpu.memory_space<vmem>>, %arg19: memref<96x48xf32, #tpu.memory_space<vmem>>, %arg20: memref<96x48xf32, #tpu.memory_space<vmem>>, %arg21: memref<96x48xf32, #tpu.memory_space<vmem>>, %arg22: memref<10000x48xf32, #tpu.memory_space<vmem_shared>>, %arg23: memref<!tpu.dma_semaphore, #tpu.memory_space<semaphore_mem>>, %arg24: memref<!tpu.dma_semaphore, #tpu.memory_space<semaphore_mem>>, %arg25: memref<!tpu.dma_semaphore, #tpu.memory_space<semaphore_mem>>, %arg26: memref<!tpu.dma_semaphore, #tpu.memory_space<semaphore_mem>>, %arg27: memref<!tpu.dma_semaphore, #tpu.memory_space<semaphore_mem>>, %arg28: memref<!tpu.dma_semaphore, #tpu.memory_space<semaphore_mem>>, %arg29: memref<!tpu.dma_semaphore, #tpu.memory_space<semaphore_mem>>, %arg30: memref<!tpu.dma_semaphore, #tpu.memory_space<semaphore_mem>>) attributes {dimension_semantics = [#tpu.dimension_semantics<core_parallel>, #tpu.dimension_semantics<subcore_parallel>], iteration_bounds = array<i64: 2, 16>, scalar_prefetch = 0 : i64, scratch_operands = 25 : i64, tpu.core_type = #tpu.core_type<sc_vector_subcore>, window_params = [{transform_indices = #map}, {transform_indices = #map1}, {transform_indices = #map}, {transform_indices = #map1}]} {
    %mul3A = arith.constant 2 : i32
    %mul3A_0 = arith.muli %arg1, %mul3A : i32
    %add3A = arith.addi %mul3A_0, %arg0 : i32
    %broadcast_in_dim3A = arith.constant 0.000000e+00 : f32
    %broadcast_in_dim3A_1 = vector.broadcast %broadcast_in_dim3A : f32 to vector<16xf32>
    %scan3A = arith.constant 0 : i32
    %scan3A_2 = arith.constant 0 : i32
    %scan3A_3 = arith.constant 288 : i32
    %scan3A_4 = arith.addi %scan3A_2, %scan3A_3 : i32
    %scan3A_5 = arith.constant 1 : i32
    %scan3A_6 = scf.for %scan3A_325 = %scan3A_2 to %scan3A_4 step %scan3A_5 iter_args(%scan3A_326 = %scan3A) -> (i32)  : i32 {
      %jit3A = arith.constant 3 : i32
      %div3A = arith.divsi %scan3A_325, %jit3A : i32
      %sign3A = arith.constant 0 : i32
      %sign3A_327 = arith.cmpi sgt, %scan3A_325, %sign3A : i32
      %sign3A_328 = arith.extui %sign3A_327 : i1 to i32
      %sign3A_329 = arith.constant 0 : i32
      %sign3A_330 = arith.cmpi slt, %scan3A_325, %sign3A_329 : i32
      %sign3A_331 = arith.extui %sign3A_330 : i1 to i32
      %sign3A_332 = arith.subi %sign3A_328, %sign3A_331 : i32
      %sign3A_333 = arith.constant 0 : i32
      %sign3A_334 = arith.cmpi sgt, %jit3A, %sign3A_333 : i32
      %sign3A_335 = arith.extui %sign3A_334 : i1 to i32
      %sign3A_336 = arith.constant 0 : i32
      %sign3A_337 = arith.cmpi slt, %jit3A, %sign3A_336 : i32
      %sign3A_338 = arith.extui %sign3A_337 : i1 to i32
      %sign3A_339 = arith.subi %sign3A_335, %sign3A_338 : i32
      %ne3A = arith.cmpi ne, %sign3A_332, %sign3A_339 : i32
      %rem3A = arith.remsi %scan3A_325, %jit3A : i32
      %ne3A_340 = arith.constant 0 : i32
      %ne3A_341 = arith.cmpi ne, %rem3A, %ne3A_340 : i32
      %and3A_342 = arith.andi %ne3A, %ne3A_341 : i1
      %sub3A = arith.constant 1 : i32
      %sub3A_343 = arith.subi %div3A, %sub3A : i32
      %select_n3A = arith.select %and3A_342, %sub3A_343, %div3A : i32
      %jit3A_344 = arith.constant 3 : i32
      %eq3A = arith.constant 0 : i32
      %eq3A_345 = arith.cmpi eq, %jit3A_344, %eq3A : i32
      %jit3A_346 = arith.constant 1 : i32
      %select_n3A_347 = arith.select %eq3A_345, %jit3A_346, %jit3A_344 : i32
      %rem3A_348 = arith.remsi %scan3A_325, %select_n3A_347 : i32
      %ne3A_349 = arith.constant 0 : i32
      %ne3A_350 = arith.cmpi ne, %rem3A_348, %ne3A_349 : i32
      %lt3A = arith.constant 0 : i32
      %lt3A_351 = arith.cmpi slt, %rem3A_348, %lt3A : i32
      %lt3A_352 = arith.constant 0 : i32
      %lt3A_353 = arith.cmpi slt, %select_n3A_347, %lt3A_352 : i32
      %ne3A_354 = arith.xori %lt3A_351, %lt3A_353 : i1
      %and3A_355 = arith.andi %ne3A_354, %ne3A_350 : i1
      %add3A_356 = arith.addi %rem3A_348, %select_n3A_347 : i32
      %select_n3A_357 = arith.select %and3A_355, %add3A_356, %rem3A_348 : i32
      %mul3A_358 = arith.constant 16 : i32
      %mul3A_359 = arith.muli %select_n3A_357, %mul3A_358 : i32
      %swap3A_360 = arith.index_cast %select_n3A : i32 to index
      %swap3A_361 = arith.index_cast %mul3A_359 : i32 to index
      %swap3A_362 = tpu.vector_load %arg18[%swap3A_360, %swap3A_361] {strides = array<i32>} : memref<96x48xf32, #tpu.memory_space<vmem>>, vector<16xf32>,
      tpu.vector_store %arg18[%swap3A_360, %swap3A_361], %broadcast_in_dim3A_1 {strides = array<i32>} : memref<96x48xf32, #tpu.memory_space<vmem>>, vector<16xf32>,
      %scan3A_363 = arith.constant 0 : i32
      scf.yield %scan3A_363 : i32
    }
    %scan3A_7 = arith.constant 288 : i32
    %scan3A_8 = arith.constant 0 : i32
    %scan3A_9 = arith.constant 0 : i32
    %scan3A_10 = arith.constant 6 : i32
    %scan3A_11 = arith.addi %scan3A_9, %scan3A_10 : i32
    %scan3A_12 = arith.constant 1 : i32
    %scan3A_13 = scf.for %scan3A_325 = %scan3A_9 to %scan3A_11 step %scan3A_12 iter_args(%scan3A_326 = %scan3A_8) -> (i32)  : i32 {
      %mul3A_327 = arith.constant 625 : i32
      %mul3A_328 = arith.muli %arg1, %mul3A_327 : i32
      %mul3A_329 = arith.constant 96 : i32
      %mul3A_330 = arith.muli %scan3A_325, %mul3A_329 : i32
      %add3A_331 = arith.addi %mul3A_328, %mul3A_330 : i32
      "tpu.region"() ({
        %run_scoped3A = tpu.sem_alloc : memref<!tpu.dma_semaphore, #tpu.memory_space<semaphore_mem>>
        %dma_start3A_333 = arith.constant 0 : i32
        %dma_start3A_334 = tpu.memref_slice %arg22[%add3A_331, %dma_start3A_333] : memref<10000x48xf32, #tpu.memory_space<vmem_shared>> -> memref<96x48xf32, #tpu.memory_space<vmem_shared>>
        %dma_start3A_335 = arith.constant 0 : i32
        %dma_start3A_336 = tpu.memref_slice %arg22[%add3A_331, %dma_start3A_335] : memref<10000x48xf32, #tpu.memory_space<vmem_shared>> -> memref<96x48xf32, #tpu.memory_space<vmem_shared>>
        tpu.enqueue_dma source(%arg18 : memref<96x48xf32, #tpu.memory_space<vmem>>) target(%dma_start3A_336 : memref<96x48xf32, #tpu.memory_space<vmem_shared>>) target_semaphore(%run_scoped3A : memref<!tpu.dma_semaphore, #tpu.memory_space<semaphore_mem>>)
        %dma_wait3A_337 = arith.constant 0 : i32
        %dma_wait3A_338 = tpu.memref_slice %arg22[%add3A_331, %dma_wait3A_337] : memref<10000x48xf32, #tpu.memory_space<vmem_shared>> -> memref<96x48xf32, #tpu.memory_space<vmem_shared>>
        %dma_wait3A_339 = arith.constant 0 : i32
        %dma_wait3A_340 = tpu.memref_slice %arg22[%add3A_331, %dma_wait3A_339] : memref<10000x48xf32, #tpu.memory_space<vmem_shared>> -> memref<96x48xf32, #tpu.memory_space<vmem_shared>>
        tpu.wait_dma2 semaphore(%run_scoped3A : memref<!tpu.dma_semaphore, #tpu.memory_space<semaphore_mem>>) src(%arg18 : memref<96x48xf32, #tpu.memory_space<vmem>>) dst(%dma_wait3A_340 : memref<96x48xf32, #tpu.memory_space<vmem_shared>>)
        tpu.yield
      }) : () -> ()
      %scan3A_332 = arith.constant 0 : i32
      scf.yield %scan3A_332 : i32
    }
    %scan3A_14 = arith.constant 6 : i32
    %mul3A_15 = arith.constant 625 : i32
    %mul3A_16 = arith.muli %arg1, %mul3A_15 : i32
    %add3A_17 = arith.constant 576 : i32
    %add3A_18 = arith.addi %mul3A_16, %add3A_17 : i32
    "tpu.region"() ({
      %run_scoped3A = tpu.sem_alloc : memref<!tpu.dma_semaphore, #tpu.memory_space<semaphore_mem>>
      %dma_start3A_325 = arith.constant 0 : i32
      %dma_start3A_326 = arith.constant 0 : i32
      %dma_start3A_327 = tpu.memref_slice %arg18[%dma_start3A_325, %dma_start3A_326] : memref<96x48xf32, #tpu.memory_space<vmem>> -> memref<49x48xf32, #tpu.memory_space<vmem>>
      %dma_start3A_328 = arith.constant 0 : i32
      %dma_start3A_329 = tpu.memref_slice %arg22[%add3A_18, %dma_start3A_328] : memref<10000x48xf32, #tpu.memory_space<vmem_shared>> -> memref<49x48xf32, #tpu.memory_space<vmem_shared>>
      %dma_start3A_330 = arith.constant 0 : i32
      %dma_start3A_331 = tpu.memref_slice %arg22[%add3A_18, %dma_start3A_330] : memref<10000x48xf32, #tpu.memory_space<vmem_shared>> -> memref<49x48xf32, #tpu.memory_space<vmem_shared>>
      %dma_start3A_332 = arith.constant 0 : i32
      %dma_start3A_333 = arith.constant 0 : i32
      %dma_start3A_334 = tpu.memref_slice %arg18[%dma_start3A_332, %dma_start3A_333] : memref<96x48xf32, #tpu.memory_space<vmem>> -> memref<49x48xf32, #tpu.memory_space<vmem>>
      tpu.enqueue_dma source(%dma_start3A_334 : memref<49x48xf32, #tpu.memory_space<vmem>>) target(%dma_start3A_331 : memref<49x48xf32, #tpu.memory_space<vmem_shared>>) target_semaphore(%run_scoped3A : memref<!tpu.dma_semaphore, #tpu.memory_space<semaphore_mem>>)
      %dma_wait3A_335 = arith.constant 0 : i32
      %dma_wait3A_336 = arith.constant 0 : i32
      %dma_wait3A_337 = tpu.memref_slice %arg18[%dma_wait3A_335, %dma_wait3A_336] : memref<96x48xf32, #tpu.memory_space<vmem>> -> memref<49x48xf32, #tpu.memory_space<vmem>>
      %dma_wait3A_338 = arith.constant 0 : i32
      %dma_wait3A_339 = tpu.memref_slice %arg22[%add3A_18, %dma_wait3A_338] : memref<10000x48xf32, #tpu.memory_space<vmem_shared>> -> memref<49x48xf32, #tpu.memory_space<vmem_shared>>
      %dma_wait3A_340 = arith.constant 0 : i32
      %dma_wait3A_341 = tpu.memref_slice %arg22[%add3A_18, %dma_wait3A_340] : memref<10000x48xf32, #tpu.memory_space<vmem_shared>> -> memref<49x48xf32, #tpu.memory_space<vmem_shared>>
      %dma_wait3A_342 = arith.constant 0 : i32
      %dma_wait3A_343 = arith.constant 0 : i32
      %dma_wait3A_344 = tpu.memref_slice %arg18[%dma_wait3A_342, %dma_wait3A_343] : memref<96x48xf32, #tpu.memory_space<vmem>> -> memref<49x48xf32, #tpu.memory_space<vmem>>
      tpu.wait_dma2 semaphore(%run_scoped3A : memref<!tpu.dma_semaphore, #tpu.memory_space<semaphore_mem>>) src(%dma_wait3A_344 : memref<49x48xf32, #tpu.memory_space<vmem>>) dst(%dma_wait3A_341 : memref<49x48xf32, #tpu.memory_space<vmem_shared>>)
      tpu.yield
    }) : () -> ()
    "tpu.region"() ({
      %run_scoped3A = tpu.sem_alloc : memref<!tpu.dma_semaphore, #tpu.memory_space<semaphore_mem>>
      %dma_start3A_325 = arith.constant 0 : i32
      %dma_start3A_326 = arith.constant 0 : i32
      %dma_start3A_327 = tpu.memref_slice %arg3[%add3A, %dma_start3A_325, %dma_start3A_326] : memref<32x104x96xi32, #tpu.memory_space<hbm>> -> memref<1x104x96xi32, #tpu.memory_space<hbm>>
      %dma_start3A_328 = tpu.memref_squeeze %dma_start3A_327 : memref<1x104x96xi32, #tpu.memory_space<hbm>> -> memref<104x96xi32, #tpu.memory_space<hbm>>
      %dma_start3A_329 = arith.constant 0 : i32
      %dma_start3A_330 = arith.constant 0 : i32
      %dma_start3A_331 = tpu.memref_slice %arg3[%add3A, %dma_start3A_329, %dma_start3A_330] : memref<32x104x96xi32, #tpu.memory_space<hbm>> -> memref<1x104x96xi32, #tpu.memory_space<hbm>>
      %dma_start3A_332 = tpu.memref_squeeze %dma_start3A_331 : memref<1x104x96xi32, #tpu.memory_space<hbm>> -> memref<104x96xi32, #tpu.memory_space<hbm>>
      tpu.enqueue_dma source(%dma_start3A_332 : memref<104x96xi32, #tpu.memory_space<hbm>>) target(%arg6 : memref<104x96xi32, #tpu.memory_space<vmem>>) target_semaphore(%run_scoped3A : memref<!tpu.dma_semaphore, #tpu.memory_space<semaphore_mem>>)
      %dma_wait3A_333 = arith.constant 0 : i32
      %dma_wait3A_334 = arith.constant 0 : i32
      %dma_wait3A_335 = tpu.memref_slice %arg3[%add3A, %dma_wait3A_333, %dma_wait3A_334] : memref<32x104x96xi32, #tpu.memory_space<hbm>> -> memref<1x104x96xi32, #tpu.memory_space<hbm>>
      %dma_wait3A_336 = tpu.memref_squeeze %dma_wait3A_335 : memref<1x104x96xi32, #tpu.memory_space<hbm>> -> memref<104x96xi32, #tpu.memory_space<hbm>>
      %dma_wait3A_337 = arith.constant 0 : i32
      %dma_wait3A_338 = arith.constant 0 : i32
      %dma_wait3A_339 = tpu.memref_slice %arg3[%add3A, %dma_wait3A_337, %dma_wait3A_338] : memref<32x104x96xi32, #tpu.memory_space<hbm>> -> memref<1x104x96xi32, #tpu.memory_space<hbm>>
      %dma_wait3A_340 = tpu.memref_squeeze %dma_wait3A_339 : memref<1x104x96xi32, #tpu.memory_space<hbm>> -> memref<104x96xi32, #tpu.memory_space<hbm>>
      tpu.wait_dma2 semaphore(%run_scoped3A : memref<!tpu.dma_semaphore, #tpu.memory_space<semaphore_mem>>) src(%dma_wait3A_340 : memref<104x96xi32, #tpu.memory_space<hbm>>) dst(%arg6 : memref<104x96xi32, #tpu.memory_space<vmem>>)
      tpu.yield
    }) : () -> ()
    "tpu.region"() ({
      %run_scoped3A = tpu.sem_alloc : memref<!tpu.dma_semaphore, #tpu.memory_space<semaphore_mem>>
      %dma_start3A_325 = arith.constant 0 : i32
      %dma_start3A_326 = tpu.memref_slice %arg4[%add3A, %dma_start3A_325] : memref<32x16xi32, #tpu.memory_space<hbm>> -> memref<1x16xi32, #tpu.memory_space<hbm>>
      %dma_start3A_327 = tpu.memref_squeeze %dma_start3A_326 : memref<1x16xi32, #tpu.memory_space<hbm>> -> memref<16xi32, #tpu.memory_space<hbm>>
      %dma_start3A_328 = arith.constant 0 : i32
      %dma_start3A_329 = tpu.memref_slice %arg4[%add3A, %dma_start3A_328] : memref<32x16xi32, #tpu.memory_space<hbm>> -> memref<1x16xi32, #tpu.memory_space<hbm>>
      %dma_start3A_330 = tpu.memref_squeeze %dma_start3A_329 : memref<1x16xi32, #tpu.memory_space<hbm>> -> memref<16xi32, #tpu.memory_space<hbm>>
      tpu.enqueue_dma source(%dma_start3A_330 : memref<16xi32, #tpu.memory_space<hbm>>) target(%arg7 : memref<16xi32, #tpu.memory_space<vmem>>) target_semaphore(%run_scoped3A : memref<!tpu.dma_semaphore, #tpu.memory_space<semaphore_mem>>)
      %dma_wait3A_331 = arith.constant 0 : i32
      %dma_wait3A_332 = tpu.memref_slice %arg4[%add3A, %dma_wait3A_331] : memref<32x16xi32, #tpu.memory_space<hbm>> -> memref<1x16xi32, #tpu.memory_space<hbm>>
      %dma_wait3A_333 = tpu.memref_squeeze %dma_wait3A_332 : memref<1x16xi32, #tpu.memory_space<hbm>> -> memref<16xi32, #tpu.memory_space<hbm>>
      %dma_wait3A_334 = arith.constant 0 : i32
      %dma_wait3A_335 = tpu.memref_slice %arg4[%add3A, %dma_wait3A_334] : memref<32x16xi32, #tpu.memory_space<hbm>> -> memref<1x16xi32, #tpu.memory_space<hbm>>
      %dma_wait3A_336 = tpu.memref_squeeze %dma_wait3A_335 : memref<1x16xi32, #tpu.memory_space<hbm>> -> memref<16xi32, #tpu.memory_space<hbm>>
      tpu.wait_dma2 semaphore(%run_scoped3A : memref<!tpu.dma_semaphore, #tpu.memory_space<semaphore_mem>>) src(%dma_wait3A_336 : memref<16xi32, #tpu.memory_space<hbm>>) dst(%arg7 : memref<16xi32, #tpu.memory_space<vmem>>)
      tpu.yield
    }) : () -> ()
    %barrier3A = arith.constant 0 : index
    tpu.barrier barrier_id(%barrier3A)
    %get3A = arith.constant 0 : i32
    %get3A_19 = arith.index_cast %get3A : i32 to index
    %get3A_20 = arith.constant 0 : index
    %get3A_21 = tpu.vector_load %arg6[%get3A_19, %get3A_20] {strides = array<i32>} : memref<104x96xi32, #tpu.memory_space<vmem>>, vector<16xi32>,
    %and3A = arith.constant 65535 : i32
    %and3A_22 = vector.broadcast %and3A : i32 to vector<16xi32>
    %and3A_23 = arith.andi %get3A_21, %and3A_22 : vector<16xi32>
    %swap3A = arith.constant 0 : index
    %swap3A_24 = tpu.vector_load %arg8[%swap3A] {strides = array<i32>} : memref<96xi32, #tpu.memory_space<vmem>>, vector<16xi32>,
    tpu.vector_store %arg8[%swap3A], %and3A_23 {strides = array<i32>} : memref<96xi32, #tpu.memory_space<vmem>>, vector<16xi32>,
    %shift_right_logical3A = arith.constant 16 : i32
    %shift_right_logical3A_25 = vector.broadcast %shift_right_logical3A : i32 to vector<16xi32>
    %shift_right_logical3A_26 = arith.shrui %get3A_21, %shift_right_logical3A_25 : vector<16xi32>
    %swap3A_27 = arith.constant 0 : index
    %swap3A_28 = tpu.vector_load %arg12[%swap3A_27] {strides = array<i32>} : memref<96xi32, #tpu.memory_space<vmem>>, vector<16xi32>,
    tpu.vector_store %arg12[%swap3A_27], %shift_right_logical3A_26 {strides = array<i32>} : memref<96xi32, #tpu.memory_space<vmem>>, vector<16xi32>,
    %get3A_29 = arith.constant 0 : i32
    %get3A_30 = arith.index_cast %get3A_29 : i32 to index
    %get3A_31 = arith.constant 16 : index
    %get3A_32 = tpu.vector_load %arg6[%get3A_30, %get3A_31] {strides = array<i32>} : memref<104x96xi32, #tpu.memory_space<vmem>>, vector<16xi32>,
    %and3A_33 = arith.constant 65535 : i32
    %and3A_34 = vector.broadcast %and3A_33 : i32 to vector<16xi32>
    %and3A_35 = arith.andi %get3A_32, %and3A_34 : vector<16xi32>
    %swap3A_36 = arith.constant 16 : index
    %swap3A_37 = tpu.vector_load %arg8[%swap3A_36] {strides = array<i32>} : memref<96xi32, #tpu.memory_space<vmem>>, vector<16xi32>,
    tpu.vector_store %arg8[%swap3A_36], %and3A_35 {strides = array<i32>} : memref<96xi32, #tpu.memory_space<vmem>>, vector<16xi32>,
    %shift_right_logical3A_38 = arith.constant 16 : i32
    %shift_right_logical3A_39 = vector.broadcast %shift_right_logical3A_38 : i32 to vector<16xi32>
    %shift_right_logical3A_40 = arith.shrui %get3A_32, %shift_right_logical3A_39 : vector<16xi32>
    %swap3A_41 = arith.constant 16 : index
    %swap3A_42 = tpu.vector_load %arg12[%swap3A_41] {strides = array<i32>} : memref<96xi32, #tpu.memory_space<vmem>>, vector<16xi32>,
    tpu.vector_store %arg12[%swap3A_41], %shift_right_logical3A_40 {strides = array<i32>} : memref<96xi32, #tpu.memory_space<vmem>>, vector<16xi32>,
    %get3A_43 = arith.constant 0 : i32
    %get3A_44 = arith.index_cast %get3A_43 : i32 to index
    %get3A_45 = arith.constant 32 : index
    %get3A_46 = tpu.vector_load %arg6[%get3A_44, %get3A_45] {strides = array<i32>} : memref<104x96xi32, #tpu.memory_space<vmem>>, vector<16xi32>,
    %and3A_47 = arith.constant 65535 : i32
    %and3A_48 = vector.broadcast %and3A_47 : i32 to vector<16xi32>
    %and3A_49 = arith.andi %get3A_46, %and3A_48 : vector<16xi32>
    %swap3A_50 = arith.constant 32 : index
    %swap3A_51 = tpu.vector_load %arg8[%swap3A_50] {strides = array<i32>} : memref<96xi32, #tpu.memory_space<vmem>>, vector<16xi32>,
    tpu.vector_store %arg8[%swap3A_50], %and3A_49 {strides = array<i32>} : memref<96xi32, #tpu.memory_space<vmem>>, vector<16xi32>,
    %shift_right_logical3A_52 = arith.constant 16 : i32
    %shift_right_logical3A_53 = vector.broadcast %shift_right_logical3A_52 : i32 to vector<16xi32>
    %shift_right_logical3A_54 = arith.shrui %get3A_46, %shift_right_logical3A_53 : vector<16xi32>
    %swap3A_55 = arith.constant 32 : index
    %swap3A_56 = tpu.vector_load %arg12[%swap3A_55] {strides = array<i32>} : memref<96xi32, #tpu.memory_space<vmem>>, vector<16xi32>,
    tpu.vector_store %arg12[%swap3A_55], %shift_right_logical3A_54 {strides = array<i32>} : memref<96xi32, #tpu.memory_space<vmem>>, vector<16xi32>,
    %get3A_57 = arith.constant 0 : i32
    %get3A_58 = arith.index_cast %get3A_57 : i32 to index
    %get3A_59 = arith.constant 48 : index
    %get3A_60 = tpu.vector_load %arg6[%get3A_58, %get3A_59] {strides = array<i32>} : memref<104x96xi32, #tpu.memory_space<vmem>>, vector<16xi32>,
    %and3A_61 = arith.constant 65535 : i32
    %and3A_62 = vector.broadcast %and3A_61 : i32 to vector<16xi32>
    %and3A_63 = arith.andi %get3A_60, %and3A_62 : vector<16xi32>
    %swap3A_64 = arith.constant 48 : index
    %swap3A_65 = tpu.vector_load %arg8[%swap3A_64] {strides = array<i32>} : memref<96xi32, #tpu.memory_space<vmem>>, vector<16xi32>,
    tpu.vector_store %arg8[%swap3A_64], %and3A_63 {strides = array<i32>} : memref<96xi32, #tpu.memory_space<vmem>>, vector<16xi32>,
    %shift_right_logical3A_66 = arith.constant 16 : i32
    %shift_right_logical3A_67 = vector.broadcast %shift_right_logical3A_66 : i32 to vector<16xi32>
    %shift_right_logical3A_68 = arith.shrui %get3A_60, %shift_right_logical3A_67 : vector<16xi32>
    %swap3A_69 = arith.constant 48 : index
    %swap3A_70 = tpu.vector_load %arg12[%swap3A_69] {strides = array<i32>} : memref<96xi32, #tpu.memory_space<vmem>>, vector<16xi32>,
    tpu.vector_store %arg12[%swap3A_69], %shift_right_logical3A_68 {strides = array<i32>} : memref<96xi32, #tpu.memory_space<vmem>>, vector<16xi32>,
    %get3A_71 = arith.constant 0 : i32
    %get3A_72 = arith.index_cast %get3A_71 : i32 to index
    %get3A_73 = arith.constant 64 : index
    %get3A_74 = tpu.vector_load %arg6[%get3A_72, %get3A_73] {strides = array<i32>} : memref<104x96xi32, #tpu.memory_space<vmem>>, vector<16xi32>,
    %and3A_75 = arith.constant 65535 : i32
    %and3A_76 = vector.broadcast %and3A_75 : i32 to vector<16xi32>
    %and3A_77 = arith.andi %get3A_74, %and3A_76 : vector<16xi32>
    %swap3A_78 = arith.constant 64 : index
    %swap3A_79 = tpu.vector_load %arg8[%swap3A_78] {strides = array<i32>} : memref<96xi32, #tpu.memory_space<vmem>>, vector<16xi32>,
    tpu.vector_store %arg8[%swap3A_78], %and3A_77 {strides = array<i32>} : memref<96xi32, #tpu.memory_space<vmem>>, vector<16xi32>,
    %shift_right_logical3A_80 = arith.constant 16 : i32
    %shift_right_logical3A_81 = vector.broadcast %shift_right_logical3A_80 : i32 to vector<16xi32>
    %shift_right_logical3A_82 = arith.shrui %get3A_74, %shift_right_logical3A_81 : vector<16xi32>
    %swap3A_83 = arith.constant 64 : index
    %swap3A_84 = tpu.vector_load %arg12[%swap3A_83] {strides = array<i32>} : memref<96xi32, #tpu.memory_space<vmem>>, vector<16xi32>,
    tpu.vector_store %arg12[%swap3A_83], %shift_right_logical3A_82 {strides = array<i32>} : memref<96xi32, #tpu.memory_space<vmem>>, vector<16xi32>,
    %get3A_85 = arith.constant 0 : i32
    %get3A_86 = arith.index_cast %get3A_85 : i32 to index
    %get3A_87 = arith.constant 80 : index
    %get3A_88 = tpu.vector_load %arg6[%get3A_86, %get3A_87] {strides = array<i32>} : memref<104x96xi32, #tpu.memory_space<vmem>>, vector<16xi32>,
    %and3A_89 = arith.constant 65535 : i32
    %and3A_90 = vector.broadcast %and3A_89 : i32 to vector<16xi32>
    %and3A_91 = arith.andi %get3A_88, %and3A_90 : vector<16xi32>
    %swap3A_92 = arith.constant 80 : index
    %swap3A_93 = tpu.vector_load %arg8[%swap3A_92] {strides = array<i32>} : memref<96xi32, #tpu.memory_space<vmem>>, vector<16xi32>,
    tpu.vector_store %arg8[%swap3A_92], %and3A_91 {strides = array<i32>} : memref<96xi32, #tpu.memory_space<vmem>>, vector<16xi32>,
    %shift_right_logical3A_94 = arith.constant 16 : i32
    %shift_right_logical3A_95 = vector.broadcast %shift_right_logical3A_94 : i32 to vector<16xi32>
    %shift_right_logical3A_96 = arith.shrui %get3A_88, %shift_right_logical3A_95 : vector<16xi32>
    %swap3A_97 = arith.constant 80 : index
    %swap3A_98 = tpu.vector_load %arg12[%swap3A_97] {strides = array<i32>} : memref<96xi32, #tpu.memory_space<vmem>>, vector<16xi32>,
    tpu.vector_store %arg12[%swap3A_97], %shift_right_logical3A_96 {strides = array<i32>} : memref<96xi32, #tpu.memory_space<vmem>>, vector<16xi32>,
    %dma_start3A = arith.constant 0 : i32
    %dma_start3A_99 = arith.constant 0 : i32
    %dma_start3A_100 = tpu.memref_slice %arg2[%dma_start3A, %dma_start3A_99] : memref<10000x48xf32, #tpu.memory_space<hbm>> -> memref<10000x48xf32, #tpu.memory_space<hbm>>
    tpu.enqueue_indirect_dma source(%dma_start3A_100 : memref<10000x48xf32, #tpu.memory_space<hbm>>) target(%arg18 : memref<96x48xf32, #tpu.memory_space<vmem>>) offsets(%arg8 : memref<96xi32, #tpu.memory_space<vmem>>) semaphore(%arg23 : memref<!tpu.dma_semaphore, #tpu.memory_space<semaphore_mem>>)
    %get3A_101 = arith.constant 1 : i32
    %get3A_102 = arith.index_cast %get3A_101 : i32 to index
    %get3A_103 = arith.constant 0 : index
    %get3A_104 = tpu.vector_load %arg6[%get3A_102, %get3A_103] {strides = array<i32>} : memref<104x96xi32, #tpu.memory_space<vmem>>, vector<16xi32>,
    %and3A_105 = arith.constant 65535 : i32
    %and3A_106 = vector.broadcast %and3A_105 : i32 to vector<16xi32>
    %and3A_107 = arith.andi %get3A_104, %and3A_106 : vector<16xi32>
    %swap3A_108 = arith.constant 0 : index
    %swap3A_109 = tpu.vector_load %arg9[%swap3A_108] {strides = array<i32>} : memref<96xi32, #tpu.memory_space<vmem>>, vector<16xi32>,
    tpu.vector_store %arg9[%swap3A_108], %and3A_107 {strides = array<i32>} : memref<96xi32, #tpu.memory_space<vmem>>, vector<16xi32>,
    %shift_right_logical3A_110 = arith.constant 16 : i32
    %shift_right_logical3A_111 = vector.broadcast %shift_right_logical3A_110 : i32 to vector<16xi32>
    %shift_right_logical3A_112 = arith.shrui %get3A_104, %shift_right_logical3A_111 : vector<16xi32>
    %swap3A_113 = arith.constant 0 : index
    %swap3A_114 = tpu.vector_load %arg13[%swap3A_113] {strides = array<i32>} : memref<96xi32, #tpu.memory_space<vmem>>, vector<16xi32>,
    tpu.vector_store %arg13[%swap3A_113], %shift_right_logical3A_112 {strides = array<i32>} : memref<96xi32, #tpu.memory_space<vmem>>, vector<16xi32>,
    %get3A_115 = arith.constant 1 : i32
    %get3A_116 = arith.index_cast %get3A_115 : i32 to index
    %get3A_117 = arith.constant 16 : index
    %get3A_118 = tpu.vector_load %arg6[%get3A_116, %get3A_117] {strides = array<i32>} : memref<104x96xi32, #tpu.memory_space<vmem>>, vector<16xi32>,
    %and3A_119 = arith.constant 65535 : i32
    %and3A_120 = vector.broadcast %and3A_119 : i32 to vector<16xi32>
    %and3A_121 = arith.andi %get3A_118, %and3A_120 : vector<16xi32>
    %swap3A_122 = arith.constant 16 : index
    %swap3A_123 = tpu.vector_load %arg9[%swap3A_122] {strides = array<i32>} : memref<96xi32, #tpu.memory_space<vmem>>, vector<16xi32>,
    tpu.vector_store %arg9[%swap3A_122], %and3A_121 {strides = array<i32>} : memref<96xi32, #tpu.memory_space<vmem>>, vector<16xi32>,
    %shift_right_logical3A_124 = arith.constant 16 : i32
    %shift_right_logical3A_125 = vector.broadcast %shift_right_logical3A_124 : i32 to vector<16xi32>
    %shift_right_logical3A_126 = arith.shrui %get3A_118, %shift_right_logical3A_125 : vector<16xi32>
    %swap3A_127 = arith.constant 16 : index
    %swap3A_128 = tpu.vector_load %arg13[%swap3A_127] {strides = array<i32>} : memref<96xi32, #tpu.memory_space<vmem>>, vector<16xi32>,
    tpu.vector_store %arg13[%swap3A_127], %shift_right_logical3A_126 {strides = array<i32>} : memref<96xi32, #tpu.memory_space<vmem>>, vector<16xi32>,
    %get3A_129 = arith.constant 1 : i32
    %get3A_130 = arith.index_cast %get3A_129 : i32 to index
    %get3A_131 = arith.constant 32 : index
    %get3A_132 = tpu.vector_load %arg6[%get3A_130, %get3A_131] {strides = array<i32>} : memref<104x96xi32, #tpu.memory_space<vmem>>, vector<16xi32>,
    %and3A_133 = arith.constant 65535 : i32
    %and3A_134 = vector.broadcast %and3A_133 : i32 to vector<16xi32>
    %and3A_135 = arith.andi %get3A_132, %and3A_134 : vector<16xi32>
    %swap3A_136 = arith.constant 32 : index
    %swap3A_137 = tpu.vector_load %arg9[%swap3A_136] {strides = array<i32>} : memref<96xi32, #tpu.memory_space<vmem>>, vector<16xi32>,
    tpu.vector_store %arg9[%swap3A_136], %and3A_135 {strides = array<i32>} : memref<96xi32, #tpu.memory_space<vmem>>, vector<16xi32>,
    %shift_right_logical3A_138 = arith.constant 16 : i32
    %shift_right_logical3A_139 = vector.broadcast %shift_right_logical3A_138 : i32 to vector<16xi32>
    %shift_right_logical3A_140 = arith.shrui %get3A_132, %shift_right_logical3A_139 : vector<16xi32>
    %swap3A_141 = arith.constant 32 : index
    %swap3A_142 = tpu.vector_load %arg13[%swap3A_141] {strides = array<i32>} : memref<96xi32, #tpu.memory_space<vmem>>, vector<16xi32>,
    tpu.vector_store %arg13[%swap3A_141], %shift_right_logical3A_140 {strides = array<i32>} : memref<96xi32, #tpu.memory_space<vmem>>, vector<16xi32>,
    %get3A_143 = arith.constant 1 : i32
    %get3A_144 = arith.index_cast %get3A_143 : i32 to index
    %get3A_145 = arith.constant 48 : index
    %get3A_146 = tpu.vector_load %arg6[%get3A_144, %get3A_145] {strides = array<i32>} : memref<104x96xi32, #tpu.memory_space<vmem>>, vector<16xi32>,
    %and3A_147 = arith.constant 65535 : i32
    %and3A_148 = vector.broadcast %and3A_147 : i32 to vector<16xi32>
    %and3A_149 = arith.andi %get3A_146, %and3A_148 : vector<16xi32>
    %swap3A_150 = arith.constant 48 : index
    %swap3A_151 = tpu.vector_load %arg9[%swap3A_150] {strides = array<i32>} : memref<96xi32, #tpu.memory_space<vmem>>, vector<16xi32>,
    tpu.vector_store %arg9[%swap3A_150], %and3A_149 {strides = array<i32>} : memref<96xi32, #tpu.memory_space<vmem>>, vector<16xi32>,
    %shift_right_logical3A_152 = arith.constant 16 : i32
    %shift_right_logical3A_153 = vector.broadcast %shift_right_logical3A_152 : i32 to vector<16xi32>
    %shift_right_logical3A_154 = arith.shrui %get3A_146, %shift_right_logical3A_153 : vector<16xi32>
    %swap3A_155 = arith.constant 48 : index
    %swap3A_156 = tpu.vector_load %arg13[%swap3A_155] {strides = array<i32>} : memref<96xi32, #tpu.memory_space<vmem>>, vector<16xi32>,
    tpu.vector_store %arg13[%swap3A_155], %shift_right_logical3A_154 {strides = array<i32>} : memref<96xi32, #tpu.memory_space<vmem>>, vector<16xi32>,
    %get3A_157 = arith.constant 1 : i32
    %get3A_158 = arith.index_cast %get3A_157 : i32 to index
    %get3A_159 = arith.constant 64 : index
    %get3A_160 = tpu.vector_load %arg6[%get3A_158, %get3A_159] {strides = array<i32>} : memref<104x96xi32, #tpu.memory_space<vmem>>, vector<16xi32>,
    %and3A_161 = arith.constant 65535 : i32
    %and3A_162 = vector.broadcast %and3A_161 : i32 to vector<16xi32>
    %and3A_163 = arith.andi %get3A_160, %and3A_162 : vector<16xi32>
    %swap3A_164 = arith.constant 64 : index
    %swap3A_165 = tpu.vector_load %arg9[%swap3A_164] {strides = array<i32>} : memref<96xi32, #tpu.memory_space<vmem>>, vector<16xi32>,
    tpu.vector_store %arg9[%swap3A_164], %and3A_163 {strides = array<i32>} : memref<96xi32, #tpu.memory_space<vmem>>, vector<16xi32>,
    %shift_right_logical3A_166 = arith.constant 16 : i32
    %shift_right_logical3A_167 = vector.broadcast %shift_right_logical3A_166 : i32 to vector<16xi32>
    %shift_right_logical3A_168 = arith.shrui %get3A_160, %shift_right_logical3A_167 : vector<16xi32>
    %swap3A_169 = arith.constant 64 : index
    %swap3A_170 = tpu.vector_load %arg13[%swap3A_169] {strides = array<i32>} : memref<96xi32, #tpu.memory_space<vmem>>, vector<16xi32>,
    tpu.vector_store %arg13[%swap3A_169], %shift_right_logical3A_168 {strides = array<i32>} : memref<96xi32, #tpu.memory_space<vmem>>, vector<16xi32>,
    %get3A_171 = arith.constant 1 : i32
    %get3A_172 = arith.index_cast %get3A_171 : i32 to index
    %get3A_173 = arith.constant 80 : index
    %get3A_174 = tpu.vector_load %arg6[%get3A_172, %get3A_173] {strides = array<i32>} : memref<104x96xi32, #tpu.memory_space<vmem>>, vector<16xi32>,
    %and3A_175 = arith.constant 65535 : i32
    %and3A_176 = vector.broadcast %and3A_175 : i32 to vector<16xi32>
    %and3A_177 = arith.andi %get3A_174, %and3A_176 : vector<16xi32>
    %swap3A_178 = arith.constant 80 : index
    %swap3A_179 = tpu.vector_load %arg9[%swap3A_178] {strides = array<i32>} : memref<96xi32, #tpu.memory_space<vmem>>, vector<16xi32>,
    tpu.vector_store %arg9[%swap3A_178], %and3A_177 {strides = array<i32>} : memref<96xi32, #tpu.memory_space<vmem>>, vector<16xi32>,
    %shift_right_logical3A_180 = arith.constant 16 : i32
    %shift_right_logical3A_181 = vector.broadcast %shift_right_logical3A_180 : i32 to vector<16xi32>
    %shift_right_logical3A_182 = arith.shrui %get3A_174, %shift_right_logical3A_181 : vector<16xi32>
    %swap3A_183 = arith.constant 80 : index
    %swap3A_184 = tpu.vector_load %arg13[%swap3A_183] {strides = array<i32>} : memref<96xi32, #tpu.memory_space<vmem>>, vector<16xi32>,
    tpu.vector_store %arg13[%swap3A_183], %shift_right_logical3A_182 {strides = array<i32>} : memref<96xi32, #tpu.memory_space<vmem>>, vector<16xi32>,
    %dma_start3A_185 = arith.constant 0 : i32
    %dma_start3A_186 = arith.constant 0 : i32
    %dma_start3A_187 = tpu.memref_slice %arg2[%dma_start3A_185, %dma_start3A_186] : memref<10000x48xf32, #tpu.memory_space<hbm>> -> memref<10000x48xf32, #tpu.memory_space<hbm>>
    tpu.enqueue_indirect_dma source(%dma_start3A_187 : memref<10000x48xf32, #tpu.memory_space<hbm>>) target(%arg19 : memref<96x48xf32, #tpu.memory_space<vmem>>) offsets(%arg9 : memref<96xi32, #tpu.memory_space<vmem>>) semaphore(%arg24 : memref<!tpu.dma_semaphore, #tpu.memory_space<semaphore_mem>>)
    %get3A_188 = arith.constant 2 : i32
    %get3A_189 = arith.index_cast %get3A_188 : i32 to index
    %get3A_190 = arith.constant 0 : index
    %get3A_191 = tpu.vector_load %arg6[%get3A_189, %get3A_190] {strides = array<i32>} : memref<104x96xi32, #tpu.memory_space<vmem>>, vector<16xi32>,
    %and3A_192 = arith.constant 65535 : i32
    %and3A_193 = vector.broadcast %and3A_192 : i32 to vector<16xi32>
    %and3A_194 = arith.andi %get3A_191, %and3A_193 : vector<16xi32>
    %swap3A_195 = arith.constant 0 : index
    %swap3A_196 = tpu.vector_load %arg10[%swap3A_195] {strides = array<i32>} : memref<96xi32, #tpu.memory_space<vmem>>, vector<16xi32>,
    tpu.vector_store %arg10[%swap3A_195], %and3A_194 {strides = array<i32>} : memref<96xi32, #tpu.memory_space<vmem>>, vector<16xi32>,
    %shift_right_logical3A_197 = arith.constant 16 : i32
    %shift_right_logical3A_198 = vector.broadcast %shift_right_logical3A_197 : i32 to vector<16xi32>
    %shift_right_logical3A_199 = arith.shrui %get3A_191, %shift_right_logical3A_198 : vector<16xi32>
    %swap3A_200 = arith.constant 0 : index
    %swap3A_201 = tpu.vector_load %arg14[%swap3A_200] {strides = array<i32>} : memref<96xi32, #tpu.memory_space<vmem>>, vector<16xi32>,
    tpu.vector_store %arg14[%swap3A_200], %shift_right_logical3A_199 {strides = array<i32>} : memref<96xi32, #tpu.memory_space<vmem>>, vector<16xi32>,
    %get3A_202 = arith.constant 2 : i32
    %get3A_203 = arith.index_cast %get3A_202 : i32 to index
    %get3A_204 = arith.constant 16 : index
    %get3A_205 = tpu.vector_load %arg6[%get3A_203, %get3A_204] {strides = array<i32>} : memref<104x96xi32, #tpu.memory_space<vmem>>, vector<16xi32>,
    %and3A_206 = arith.constant 65535 : i32
    %and3A_207 = vector.broadcast %and3A_206 : i32 to vector<16xi32>
    %and3A_208 = arith.andi %get3A_205, %and3A_207 : vector<16xi32>
    %swap3A_209 = arith.constant 16 : index
    %swap3A_210 = tpu.vector_load %arg10[%swap3A_209] {strides = array<i32>} : memref<96xi32, #tpu.memory_space<vmem>>, vector<16xi32>,
    tpu.vector_store %arg10[%swap3A_209], %and3A_208 {strides = array<i32>} : memref<96xi32, #tpu.memory_space<vmem>>, vector<16xi32>,
    %shift_right_logical3A_211 = arith.constant 16 : i32
    %shift_right_logical3A_212 = vector.broadcast %shift_right_logical3A_211 : i32 to vector<16xi32>
    %shift_right_logical3A_213 = arith.shrui %get3A_205, %shift_right_logical3A_212 : vector<16xi32>
    %swap3A_214 = arith.constant 16 : index
    %swap3A_215 = tpu.vector_load %arg14[%swap3A_214] {strides = array<i32>} : memref<96xi32, #tpu.memory_space<vmem>>, vector<16xi32>,
    tpu.vector_store %arg14[%swap3A_214], %shift_right_logical3A_213 {strides = array<i32>} : memref<96xi32, #tpu.memory_space<vmem>>, vector<16xi32>,
    %get3A_216 = arith.constant 2 : i32
    %get3A_217 = arith.index_cast %get3A_216 : i32 to index
    %get3A_218 = arith.constant 32 : index
    %get3A_219 = tpu.vector_load %arg6[%get3A_217, %get3A_218] {strides = array<i32>} : memref<104x96xi32, #tpu.memory_space<vmem>>, vector<16xi32>,
    %and3A_220 = arith.constant 65535 : i32
    %and3A_221 = vector.broadcast %and3A_220 : i32 to vector<16xi32>
    %and3A_222 = arith.andi %get3A_219, %and3A_221 : vector<16xi32>
    %swap3A_223 = arith.constant 32 : index
    %swap3A_224 = tpu.vector_load %arg10[%swap3A_223] {strides = array<i32>} : memref<96xi32, #tpu.memory_space<vmem>>, vector<16xi32>,
    tpu.vector_store %arg10[%swap3A_223], %and3A_222 {strides = array<i32>} : memref<96xi32, #tpu.memory_space<vmem>>, vector<16xi32>,
    %shift_right_logical3A_225 = arith.constant 16 : i32
    %shift_right_logical3A_226 = vector.broadcast %shift_right_logical3A_225 : i32 to vector<16xi32>
    %shift_right_logical3A_227 = arith.shrui %get3A_219, %shift_right_logical3A_226 : vector<16xi32>
    %swap3A_228 = arith.constant 32 : index
    %swap3A_229 = tpu.vector_load %arg14[%swap3A_228] {strides = array<i32>} : memref<96xi32, #tpu.memory_space<vmem>>, vector<16xi32>,
    tpu.vector_store %arg14[%swap3A_228], %shift_right_logical3A_227 {strides = array<i32>} : memref<96xi32, #tpu.memory_space<vmem>>, vector<16xi32>,
    %get3A_230 = arith.constant 2 : i32
    %get3A_231 = arith.index_cast %get3A_230 : i32 to index
    %get3A_232 = arith.constant 48 : index
    %get3A_233 = tpu.vector_load %arg6[%get3A_231, %get3A_232] {strides = array<i32>} : memref<104x96xi32, #tpu.memory_space<vmem>>, vector<16xi32>,
    %and3A_234 = arith.constant 65535 : i32
    %and3A_235 = vector.broadcast %and3A_234 : i32 to vector<16xi32>
    %and3A_236 = arith.andi %get3A_233, %and3A_235 : vector<16xi32>
    %swap3A_237 = arith.constant 48 : index
    %swap3A_238 = tpu.vector_load %arg10[%swap3A_237] {strides = array<i32>} : memref<96xi32, #tpu.memory_space<vmem>>, vector<16xi32>,
    tpu.vector_store %arg10[%swap3A_237], %and3A_236 {strides = array<i32>} : memref<96xi32, #tpu.memory_space<vmem>>, vector<16xi32>,
    %shift_right_logical3A_239 = arith.constant 16 : i32
    %shift_right_logical3A_240 = vector.broadcast %shift_right_logical3A_239 : i32 to vector<16xi32>
    %shift_right_logical3A_241 = arith.shrui %get3A_233, %shift_right_logical3A_240 : vector<16xi32>
    %swap3A_242 = arith.constant 48 : index
    %swap3A_243 = tpu.vector_load %arg14[%swap3A_242] {strides = array<i32>} : memref<96xi32, #tpu.memory_space<vmem>>, vector<16xi32>,
    tpu.vector_store %arg14[%swap3A_242], %shift_right_logical3A_241 {strides = array<i32>} : memref<96xi32, #tpu.memory_space<vmem>>, vector<16xi32>,
    %get3A_244 = arith.constant 2 : i32
    %get3A_245 = arith.index_cast %get3A_244 : i32 to index
    %get3A_246 = arith.constant 64 : index
    %get3A_247 = tpu.vector_load %arg6[%get3A_245, %get3A_246] {strides = array<i32>} : memref<104x96xi32, #tpu.memory_space<vmem>>, vector<16xi32>,
    %and3A_248 = arith.constant 65535 : i32
    %and3A_249 = vector.broadcast %and3A_248 : i32 to vector<16xi32>
    %and3A_250 = arith.andi %get3A_247, %and3A_249 : vector<16xi32>
    %swap3A_251 = arith.constant 64 : index
    %swap3A_252 = tpu.vector_load %arg10[%swap3A_251] {strides = array<i32>} : memref<96xi32, #tpu.memory_space<vmem>>, vector<16xi32>,
    tpu.vector_store %arg10[%swap3A_251], %and3A_250 {strides = array<i32>} : memref<96xi32, #tpu.memory_space<vmem>>, vector<16xi32>,
    %shift_right_logical3A_253 = arith.constant 16 : i32
    %shift_right_logical3A_254 = vector.broadcast %shift_right_logical3A_253 : i32 to vector<16xi32>
    %shift_right_logical3A_255 = arith.shrui %get3A_247, %shift_right_logical3A_254 : vector<16xi32>
    %swap3A_256 = arith.constant 64 : index
    %swap3A_257 = tpu.vector_load %arg14[%swap3A_256] {strides = array<i32>} : memref<96xi32, #tpu.memory_space<vmem>>, vector<16xi32>,
    tpu.vector_store %arg14[%swap3A_256], %shift_right_logical3A_255 {strides = array<i32>} : memref<96xi32, #tpu.memory_space<vmem>>, vector<16xi32>,
    %get3A_258 = arith.constant 2 : i32
    %get3A_259 = arith.index_cast %get3A_258 : i32 to index
    %get3A_260 = arith.constant 80 : index
    %get3A_261 = tpu.vector_load %arg6[%get3A_259, %get3A_260] {strides = array<i32>} : memref<104x96xi32, #tpu.memory_space<vmem>>, vector<16xi32>,
    %and3A_262 = arith.constant 65535 : i32
    %and3A_263 = vector.broadcast %and3A_262 : i32 to vector<16xi32>
    %and3A_264 = arith.andi %get3A_261, %and3A_263 : vector<16xi32>
    %swap3A_265 = arith.constant 80 : index
    %swap3A_266 = tpu.vector_load %arg10[%swap3A_265] {strides = array<i32>} : memref<96xi32, #tpu.memory_space<vmem>>, vector<16xi32>,
    tpu.vector_store %arg10[%swap3A_265], %and3A_264 {strides = array<i32>} : memref<96xi32, #tpu.memory_space<vmem>>, vector<16xi32>,
    %shift_right_logical3A_267 = arith.constant 16 : i32
    %shift_right_logical3A_268 = vector.broadcast %shift_right_logical3A_267 : i32 to vector<16xi32>
    %shift_right_logical3A_269 = arith.shrui %get3A_261, %shift_right_logical3A_268 : vector<16xi32>
    %swap3A_270 = arith.constant 80 : index
    %swap3A_271 = tpu.vector_load %arg14[%swap3A_270] {strides = array<i32>} : memref<96xi32, #tpu.memory_space<vmem>>, vector<16xi32>,
    tpu.vector_store %arg14[%swap3A_270], %shift_right_logical3A_269 {strides = array<i32>} : memref<96xi32, #tpu.memory_space<vmem>>, vector<16xi32>,
    %dma_start3A_272 = arith.constant 0 : i32
    %dma_start3A_273 = arith.constant 0 : i32
    %dma_start3A_274 = tpu.memref_slice %arg2[%dma_start3A_272, %dma_start3A_273] : memref<10000x48xf32, #tpu.memory_space<hbm>> -> memref<10000x48xf32, #tpu.memory_space<hbm>>
    tpu.enqueue_indirect_dma source(%dma_start3A_274 : memref<10000x48xf32, #tpu.memory_space<hbm>>) target(%arg20 : memref<96x48xf32, #tpu.memory_space<vmem>>) offsets(%arg10 : memref<96xi32, #tpu.memory_space<vmem>>) semaphore(%arg25 : memref<!tpu.dma_semaphore, #tpu.memory_space<semaphore_mem>>)
    %scan3A_275 = arith.constant 0 : i32
    %scan3A_276 = arith.constant 0 : i32
    %scan3A_277 = arith.constant 26 : i32
    %scan3A_278 = arith.addi %scan3A_276, %scan3A_277 : i32
    %scan3A_279 = arith.constant 1 : i32
    %scan3A_280 = scf.for %scan3A_325 = %scan3A_276 to %scan3A_278 step %scan3A_279 iter_args(%scan3A_326 = %scan3A_275) -> (i32)  : i32 {
      %mul3A_327 = arith.constant 4 : i32
      %mul3A_328 = arith.muli %scan3A_325, %mul3A_327 : i32
      %add3A_329 = arith.constant 0 : i32
      %add3A_330 = arith.addi %mul3A_328, %add3A_329 : i32
      %dma_wait3A_331 = arith.constant 0 : i32
      %dma_wait3A_332 = arith.constant 0 : i32
      %dma_wait3A_333 = tpu.memref_slice %arg2[%dma_wait3A_331, %dma_wait3A_332] : memref<10000x48xf32, #tpu.memory_space<hbm>> -> memref<10000x48xf32, #tpu.memory_space<hbm>>
      tpu.wait_indirect_dma semaphore(%arg23 : memref<!tpu.dma_semaphore, #tpu.memory_space<semaphore_mem>>) src(%dma_wait3A_333 : memref<10000x48xf32, #tpu.memory_space<hbm>>) dst(%arg18 : memref<96x48xf32, #tpu.memory_space<vmem>>)
      %dma_start3A_334 = arith.constant 0 : i32
      %dma_start3A_335 = arith.constant 0 : i32
      %dma_start3A_336 = tpu.memref_slice %arg22[%dma_start3A_334, %dma_start3A_335] : memref<10000x48xf32, #tpu.memory_space<vmem_shared>> -> memref<10000x48xf32, #tpu.memory_space<vmem_shared>>
      tpu.enqueue_indirect_dma source(%arg18 : memref<96x48xf32, #tpu.memory_space<vmem>>) target(%dma_start3A_336 : memref<10000x48xf32, #tpu.memory_space<vmem_shared>>) offsets(%arg12 : memref<96xi32, #tpu.memory_space<vmem>>) semaphore(%arg27 : memref<!tpu.dma_semaphore, #tpu.memory_space<semaphore_mem>>) {add = true}
      %ge3A = arith.constant 1 : i32
      %ge3A_337 = arith.cmpi sge, %add3A_330, %ge3A : i32
      %convert_element_type3A = arith.extui %ge3A_337 : i1 to i32
      %cond3A = arith.constant 0 : i32
      %cond3A_338 = arith.cmpi ne, %convert_element_type3A, %cond3A : i32
      scf.if %cond3A_338 {
        %dma_wait3A_406 = arith.constant 0 : i32
        %dma_wait3A_407 = arith.constant 0 : i32
        %dma_wait3A_408 = tpu.memref_slice %arg22[%dma_wait3A_406, %dma_wait3A_407] : memref<10000x48xf32, #tpu.memory_space<vmem_shared>> -> memref<10000x48xf32, #tpu.memory_space<vmem_shared>>
        tpu.wait_indirect_dma semaphore(%arg30 : memref<!tpu.dma_semaphore, #tpu.memory_space<semaphore_mem>>) src(%arg21 : memref<96x48xf32, #tpu.memory_space<vmem>>) dst(%dma_wait3A_408 : memref<10000x48xf32, #tpu.memory_space<vmem_shared>>)
      } else {
      }
      %add3A_339 = arith.constant 3 : i32
      %add3A_340 = arith.addi %add3A_330, %add3A_339 : i32
      %lt3A = arith.constant 104 : i32
      %lt3A_341 = arith.cmpi slt, %add3A_340, %lt3A : i32
      %convert_element_type3A_342 = arith.extui %lt3A_341 : i1 to i32
      %cond3A_343 = arith.constant 0 : i32
      %cond3A_344 = arith.cmpi ne, %convert_element_type3A_342, %cond3A_343 : i32
      scf.if %cond3A_344 {
        %add3A_406 = arith.constant 3 : i32
        %add3A_407 = arith.addi %add3A_330, %add3A_406 : i32
        %get3A_408 = arith.index_cast %add3A_407 : i32 to index
        %get3A_409 = arith.constant 0 : index
        %get3A_410 = tpu.vector_load %arg6[%get3A_408, %get3A_409] {strides = array<i32>} : memref<104x96xi32, #tpu.memory_space<vmem>>, vector<16xi32>,
        %and3A_411 = arith.constant 65535 : i32
        %and3A_412 = vector.broadcast %and3A_411 : i32 to vector<16xi32>
        %and3A_413 = arith.andi %get3A_410, %and3A_412 : vector<16xi32>
        %swap3A_414 = arith.constant 0 : index
        %swap3A_415 = tpu.vector_load %arg11[%swap3A_414] {strides = array<i32>} : memref<96xi32, #tpu.memory_space<vmem>>, vector<16xi32>,
        tpu.vector_store %arg11[%swap3A_414], %and3A_413 {strides = array<i32>} : memref<96xi32, #tpu.memory_space<vmem>>, vector<16xi32>,
        %shift_right_logical3A_416 = arith.constant 16 : i32
        %shift_right_logical3A_417 = vector.broadcast %shift_right_logical3A_416 : i32 to vector<16xi32>
        %shift_right_logical3A_418 = arith.shrui %get3A_410, %shift_right_logical3A_417 : vector<16xi32>
        %swap3A_419 = arith.constant 0 : index
        %swap3A_420 = tpu.vector_load %arg15[%swap3A_419] {strides = array<i32>} : memref<96xi32, #tpu.memory_space<vmem>>, vector<16xi32>,
        tpu.vector_store %arg15[%swap3A_419], %shift_right_logical3A_418 {strides = array<i32>} : memref<96xi32, #tpu.memory_space<vmem>>, vector<16xi32>,
        %get3A_421 = arith.index_cast %add3A_407 : i32 to index
        %get3A_422 = arith.constant 16 : index
        %get3A_423 = tpu.vector_load %arg6[%get3A_421, %get3A_422] {strides = array<i32>} : memref<104x96xi32, #tpu.memory_space<vmem>>, vector<16xi32>,
        %and3A_424 = arith.constant 65535 : i32
        %and3A_425 = vector.broadcast %and3A_424 : i32 to vector<16xi32>
        %and3A_426 = arith.andi %get3A_423, %and3A_425 : vector<16xi32>
        %swap3A_427 = arith.constant 16 : index
        %swap3A_428 = tpu.vector_load %arg11[%swap3A_427] {strides = array<i32>} : memref<96xi32, #tpu.memory_space<vmem>>, vector<16xi32>,
        tpu.vector_store %arg11[%swap3A_427], %and3A_426 {strides = array<i32>} : memref<96xi32, #tpu.memory_space<vmem>>, vector<16xi32>,
        %shift_right_logical3A_429 = arith.constant 16 : i32
        %shift_right_logical3A_430 = vector.broadcast %shift_right_logical3A_429 : i32 to vector<16xi32>
        %shift_right_logical3A_431 = arith.shrui %get3A_423, %shift_right_logical3A_430 : vector<16xi32>
        %swap3A_432 = arith.constant 16 : index
        %swap3A_433 = tpu.vector_load %arg15[%swap3A_432] {strides = array<i32>} : memref<96xi32, #tpu.memory_space<vmem>>, vector<16xi32>,
        tpu.vector_store %arg15[%swap3A_432], %shift_right_logical3A_431 {strides = array<i32>} : memref<96xi32, #tpu.memory_space<vmem>>, vector<16xi32>,
        %get3A_434 = arith.index_cast %add3A_407 : i32 to index
        %get3A_435 = arith.constant 32 : index
        %get3A_436 = tpu.vector_load %arg6[%get3A_434, %get3A_435] {strides = array<i32>} : memref<104x96xi32, #tpu.memory_space<vmem>>, vector<16xi32>,
        %and3A_437 = arith.constant 65535 : i32
        %and3A_438 = vector.broadcast %and3A_437 : i32 to vector<16xi32>
        %and3A_439 = arith.andi %get3A_436, %and3A_438 : vector<16xi32>
        %swap3A_440 = arith.constant 32 : index
        %swap3A_441 = tpu.vector_load %arg11[%swap3A_440] {strides = array<i32>} : memref<96xi32, #tpu.memory_space<vmem>>, vector<16xi32>,
        tpu.vector_store %arg11[%swap3A_440], %and3A_439 {strides = array<i32>} : memref<96xi32, #tpu.memory_space<vmem>>, vector<16xi32>,
        %shift_right_logical3A_442 = arith.constant 16 : i32
        %shift_right_logical3A_443 = vector.broadcast %shift_right_logical3A_442 : i32 to vector<16xi32>
        %shift_right_logical3A_444 = arith.shrui %get3A_436, %shift_right_logical3A_443 : vector<16xi32>
        %swap3A_445 = arith.constant 32 : index
        %swap3A_446 = tpu.vector_load %arg15[%swap3A_445] {strides = array<i32>} : memref<96xi32, #tpu.memory_space<vmem>>, vector<16xi32>,
        tpu.vector_store %arg15[%swap3A_445], %shift_right_logical3A_444 {strides = array<i32>} : memref<96xi32, #tpu.memory_space<vmem>>, vector<16xi32>,
        %get3A_447 = arith.index_cast %add3A_407 : i32 to index
        %get3A_448 = arith.constant 48 : index
        %get3A_449 = tpu.vector_load %arg6[%get3A_447, %get3A_448] {strides = array<i32>} : memref<104x96xi32, #tpu.memory_space<vmem>>, vector<16xi32>,
        %and3A_450 = arith.constant 65535 : i32
        %and3A_451 = vector.broadcast %and3A_450 : i32 to vector<16xi32>
        %and3A_452 = arith.andi %get3A_449, %and3A_451 : vector<16xi32>
        %swap3A_453 = arith.constant 48 : index
        %swap3A_454 = tpu.vector_load %arg11[%swap3A_453] {strides = array<i32>} : memref<96xi32, #tpu.memory_space<vmem>>, vector<16xi32>,
        tpu.vector_store %arg11[%swap3A_453], %and3A_452 {strides = array<i32>} : memref<96xi32, #tpu.memory_space<vmem>>, vector<16xi32>,
        %shift_right_logical3A_455 = arith.constant 16 : i32
        %shift_right_logical3A_456 = vector.broadcast %shift_right_logical3A_455 : i32 to vector<16xi32>
        %shift_right_logical3A_457 = arith.shrui %get3A_449, %shift_right_logical3A_456 : vector<16xi32>
        %swap3A_458 = arith.constant 48 : index
        %swap3A_459 = tpu.vector_load %arg15[%swap3A_458] {strides = array<i32>} : memref<96xi32, #tpu.memory_space<vmem>>, vector<16xi32>,
        tpu.vector_store %arg15[%swap3A_458], %shift_right_logical3A_457 {strides = array<i32>} : memref<96xi32, #tpu.memory_space<vmem>>, vector<16xi32>,
        %get3A_460 = arith.index_cast %add3A_407 : i32 to index
        %get3A_461 = arith.constant 64 : index
        %get3A_462 = tpu.vector_load %arg6[%get3A_460, %get3A_461] {strides = array<i32>} : memref<104x96xi32, #tpu.memory_space<vmem>>, vector<16xi32>,
        %and3A_463 = arith.constant 65535 : i32
        %and3A_464 = vector.broadcast %and3A_463 : i32 to vector<16xi32>
        %and3A_465 = arith.andi %get3A_462, %and3A_464 : vector<16xi32>
        %swap3A_466 = arith.constant 64 : index
        %swap3A_467 = tpu.vector_load %arg11[%swap3A_466] {strides = array<i32>} : memref<96xi32, #tpu.memory_space<vmem>>, vector<16xi32>,
        tpu.vector_store %arg11[%swap3A_466], %and3A_465 {strides = array<i32>} : memref<96xi32, #tpu.memory_space<vmem>>, vector<16xi32>,
        %shift_right_logical3A_468 = arith.constant 16 : i32
        %shift_right_logical3A_469 = vector.broadcast %shift_right_logical3A_468 : i32 to vector<16xi32>
        %shift_right_logical3A_470 = arith.shrui %get3A_462, %shift_right_logical3A_469 : vector<16xi32>
        %swap3A_471 = arith.constant 64 : index
        %swap3A_472 = tpu.vector_load %arg15[%swap3A_471] {strides = array<i32>} : memref<96xi32, #tpu.memory_space<vmem>>, vector<16xi32>,
        tpu.vector_store %arg15[%swap3A_471], %shift_right_logical3A_470 {strides = array<i32>} : memref<96xi32, #tpu.memory_space<vmem>>, vector<16xi32>,
        %get3A_473 = arith.index_cast %add3A_407 : i32 to index
        %get3A_474 = arith.constant 80 : index
        %get3A_475 = tpu.vector_load %arg6[%get3A_473, %get3A_474] {strides = array<i32>} : memref<104x96xi32, #tpu.memory_space<vmem>>, vector<16xi32>,
        %and3A_476 = arith.constant 65535 : i32
        %and3A_477 = vector.broadcast %and3A_476 : i32 to vector<16xi32>
        %and3A_478 = arith.andi %get3A_475, %and3A_477 : vector<16xi32>
        %swap3A_479 = arith.constant 80 : index
        %swap3A_480 = tpu.vector_load %arg11[%swap3A_479] {strides = array<i32>} : memref<96xi32, #tpu.memory_space<vmem>>, vector<16xi32>,
        tpu.vector_store %arg11[%swap3A_479], %and3A_478 {strides = array<i32>} : memref<96xi32, #tpu.memory_space<vmem>>, vector<16xi32>,
        %shift_right_logical3A_481 = arith.constant 16 : i32
        %shift_right_logical3A_482 = vector.broadcast %shift_right_logical3A_481 : i32 to vector<16xi32>
        %shift_right_logical3A_483 = arith.shrui %get3A_475, %shift_right_logical3A_482 : vector<16xi32>
        %swap3A_484 = arith.constant 80 : index
        %swap3A_485 = tpu.vector_load %arg15[%swap3A_484] {strides = array<i32>} : memref<96xi32, #tpu.memory_space<vmem>>, vector<16xi32>,
        tpu.vector_store %arg15[%swap3A_484], %shift_right_logical3A_483 {strides = array<i32>} : memref<96xi32, #tpu.memory_space<vmem>>, vector<16xi32>,
        %dma_start3A_486 = arith.constant 0 : i32
        %dma_start3A_487 = arith.constant 0 : i32
        %dma_start3A_488 = tpu.memref_slice %arg2[%dma_start3A_486, %dma_start3A_487] : memref<10000x48xf32, #tpu.memory_space<hbm>> -> memref<10000x48xf32, #tpu.memory_space<hbm>>
        tpu.enqueue_indirect_dma source(%dma_start3A_488 : memref<10000x48xf32, #tpu.memory_space<hbm>>) target(%arg21 : memref<96x48xf32, #tpu.memory_space<vmem>>) offsets(%arg11 : memref<96xi32, #tpu.memory_space<vmem>>) semaphore(%arg26 : memref<!tpu.dma_semaphore, #tpu.memory_space<semaphore_mem>>)
      } else {
      }
      %mul3A_345 = arith.constant 4 : i32
      %mul3A_346 = arith.muli %scan3A_325, %mul3A_345 : i32
      %add3A_347 = arith.constant 1 : i32
      %add3A_348 = arith.addi %mul3A_346, %add3A_347 : i32
      %dma_wait3A_349 = arith.constant 0 : i32
      %dma_wait3A_350 = arith.constant 0 : i32
      %dma_wait3A_351 = tpu.memref_slice %arg2[%dma_wait3A_349, %dma_wait3A_350] : memref<10000x48xf32, #tpu.memory_space<hbm>> -> memref<10000x48xf32, #tpu.memory_space<hbm>>
      tpu.wait_indirect_dma semaphore(%arg24 : memref<!tpu.dma_semaphore, #tpu.memory_space<semaphore_mem>>) src(%dma_wait3A_351 : memref<10000x48xf32, #tpu.memory_space<hbm>>) dst(%arg19 : memref<96x48xf32, #tpu.memory_space<vmem>>)
      %dma_start3A_352 = arith.constant 0 : i32
      %dma_start3A_353 = arith.constant 0 : i32
      %dma_start3A_354 = tpu.memref_slice %arg22[%dma_start3A_352, %dma_start3A_353] : memref<10000x48xf32, #tpu.memory_space<vmem_shared>> -> memref<10000x48xf32, #tpu.memory_space<vmem_shared>>
      tpu.enqueue_indirect_dma source(%arg19 : memref<96x48xf32, #tpu.memory_space<vmem>>) target(%dma_start3A_354 : memref<10000x48xf32, #tpu.memory_space<vmem_shared>>) offsets(%arg13 : memref<96xi32, #tpu.memory_space<vmem>>) semaphore(%arg28 : memref<!tpu.dma_semaphore, #tpu.memory_space<semaphore_mem>>) {add = true}
      %dma_wait3A_355 = arith.constant 0 : i32
      %dma_wait3A_356 = arith.constant 0 : i32
      %dma_wait3A_357 = tpu.memref_slice %arg22[%dma_wait3A_355, %dma_wait3A_356] : memref<10000x48xf32, #tpu.memory_space<vmem_shared>> -> memref<10000x48xf32, #tpu.memory_space<vmem_shared>>
      tpu.wait_indirect_dma semaphore(%arg27 : memref<!tpu.dma_semaphore, #tpu.memory_space<semaphore_mem>>) src(%arg18 : memref<96x48xf32, #tpu.memory_space<vmem>>) dst(%dma_wait3A_357 : memref<10000x48xf32, #tpu.memory_space<vmem_shared>>)
      %add3A_358 = arith.constant 3 : i32
      %add3A_359 = arith.addi %add3A_348, %add3A_358 : i32
      %lt3A_360 = arith.constant 104 : i32
      %lt3A_361 = arith.cmpi slt, %add3A_359, %lt3A_360 : i32
      %convert_element_type3A_362 = arith.extui %lt3A_361 : i1 to i32
      %cond3A_363 = arith.constant 0 : i32
      %cond3A_364 = arith.cmpi ne, %convert_element_type3A_362, %cond3A_363 : i32
      scf.if %cond3A_364 {
        %add3A_406 = arith.constant 3 : i32
        %add3A_407 = arith.addi %add3A_348, %add3A_406 : i32
        %get3A_408 = arith.index_cast %add3A_407 : i32 to index
        %get3A_409 = arith.constant 0 : index
        %get3A_410 = tpu.vector_load %arg6[%get3A_408, %get3A_409] {strides = array<i32>} : memref<104x96xi32, #tpu.memory_space<vmem>>, vector<16xi32>,
        %and3A_411 = arith.constant 65535 : i32
        %and3A_412 = vector.broadcast %and3A_411 : i32 to vector<16xi32>
        %and3A_413 = arith.andi %get3A_410, %and3A_412 : vector<16xi32>
        %swap3A_414 = arith.constant 0 : index
        %swap3A_415 = tpu.vector_load %arg8[%swap3A_414] {strides = array<i32>} : memref<96xi32, #tpu.memory_space<vmem>>, vector<16xi32>,
        tpu.vector_store %arg8[%swap3A_414], %and3A_413 {strides = array<i32>} : memref<96xi32, #tpu.memory_space<vmem>>, vector<16xi32>,
        %shift_right_logical3A_416 = arith.constant 16 : i32
        %shift_right_logical3A_417 = vector.broadcast %shift_right_logical3A_416 : i32 to vector<16xi32>
        %shift_right_logical3A_418 = arith.shrui %get3A_410, %shift_right_logical3A_417 : vector<16xi32>
        %swap3A_419 = arith.constant 0 : index
        %swap3A_420 = tpu.vector_load %arg12[%swap3A_419] {strides = array<i32>} : memref<96xi32, #tpu.memory_space<vmem>>, vector<16xi32>,
        tpu.vector_store %arg12[%swap3A_419], %shift_right_logical3A_418 {strides = array<i32>} : memref<96xi32, #tpu.memory_space<vmem>>, vector<16xi32>,
        %get3A_421 = arith.index_cast %add3A_407 : i32 to index
        %get3A_422 = arith.constant 16 : index
        %get3A_423 = tpu.vector_load %arg6[%get3A_421, %get3A_422] {strides = array<i32>} : memref<104x96xi32, #tpu.memory_space<vmem>>, vector<16xi32>,
        %and3A_424 = arith.constant 65535 : i32
        %and3A_425 = vector.broadcast %and3A_424 : i32 to vector<16xi32>
        %and3A_426 = arith.andi %get3A_423, %and3A_425 : vector<16xi32>
        %swap3A_427 = arith.constant 16 : index
        %swap3A_428 = tpu.vector_load %arg8[%swap3A_427] {strides = array<i32>} : memref<96xi32, #tpu.memory_space<vmem>>, vector<16xi32>,
        tpu.vector_store %arg8[%swap3A_427], %and3A_426 {strides = array<i32>} : memref<96xi32, #tpu.memory_space<vmem>>, vector<16xi32>,
        %shift_right_logical3A_429 = arith.constant 16 : i32
        %shift_right_logical3A_430 = vector.broadcast %shift_right_logical3A_429 : i32 to vector<16xi32>
        %shift_right_logical3A_431 = arith.shrui %get3A_423, %shift_right_logical3A_430 : vector<16xi32>
        %swap3A_432 = arith.constant 16 : index
        %swap3A_433 = tpu.vector_load %arg12[%swap3A_432] {strides = array<i32>} : memref<96xi32, #tpu.memory_space<vmem>>, vector<16xi32>,
        tpu.vector_store %arg12[%swap3A_432], %shift_right_logical3A_431 {strides = array<i32>} : memref<96xi32, #tpu.memory_space<vmem>>, vector<16xi32>,
        %get3A_434 = arith.index_cast %add3A_407 : i32 to index
        %get3A_435 = arith.constant 32 : index
        %get3A_436 = tpu.vector_load %arg6[%get3A_434, %get3A_435] {strides = array<i32>} : memref<104x96xi32, #tpu.memory_space<vmem>>, vector<16xi32>,
        %and3A_437 = arith.constant 65535 : i32
        %and3A_438 = vector.broadcast %and3A_437 : i32 to vector<16xi32>
        %and3A_439 = arith.andi %get3A_436, %and3A_438 : vector<16xi32>
        %swap3A_440 = arith.constant 32 : index
        %swap3A_441 = tpu.vector_load %arg8[%swap3A_440] {strides = array<i32>} : memref<96xi32, #tpu.memory_space<vmem>>, vector<16xi32>,
        tpu.vector_store %arg8[%swap3A_440], %and3A_439 {strides = array<i32>} : memref<96xi32, #tpu.memory_space<vmem>>, vector<16xi32>,
        %shift_right_logical3A_442 = arith.constant 16 : i32
        %shift_right_logical3A_443 = vector.broadcast %shift_right_logical3A_442 : i32 to vector<16xi32>
        %shift_right_logical3A_444 = arith.shrui %get3A_436, %shift_right_logical3A_443 : vector<16xi32>
        %swap3A_445 = arith.constant 32 : index
        %swap3A_446 = tpu.vector_load %arg12[%swap3A_445] {strides = array<i32>} : memref<96xi32, #tpu.memory_space<vmem>>, vector<16xi32>,
        tpu.vector_store %arg12[%swap3A_445], %shift_right_logical3A_444 {strides = array<i32>} : memref<96xi32, #tpu.memory_space<vmem>>, vector<16xi32>,
        %get3A_447 = arith.index_cast %add3A_407 : i32 to index
        %get3A_448 = arith.constant 48 : index
        %get3A_449 = tpu.vector_load %arg6[%get3A_447, %get3A_448] {strides = array<i32>} : memref<104x96xi32, #tpu.memory_space<vmem>>, vector<16xi32>,
        %and3A_450 = arith.constant 65535 : i32
        %and3A_451 = vector.broadcast %and3A_450 : i32 to vector<16xi32>
        %and3A_452 = arith.andi %get3A_449, %and3A_451 : vector<16xi32>
        %swap3A_453 = arith.constant 48 : index
        %swap3A_454 = tpu.vector_load %arg8[%swap3A_453] {strides = array<i32>} : memref<96xi32, #tpu.memory_space<vmem>>, vector<16xi32>,
        tpu.vector_store %arg8[%swap3A_453], %and3A_452 {strides = array<i32>} : memref<96xi32, #tpu.memory_space<vmem>>, vector<16xi32>,
        %shift_right_logical3A_455 = arith.constant 16 : i32
        %shift_right_logical3A_456 = vector.broadcast %shift_right_logical3A_455 : i32 to vector<16xi32>
        %shift_right_logical3A_457 = arith.shrui %get3A_449, %shift_right_logical3A_456 : vector<16xi32>
        %swap3A_458 = arith.constant 48 : index
        %swap3A_459 = tpu.vector_load %arg12[%swap3A_458] {strides = array<i32>} : memref<96xi32, #tpu.memory_space<vmem>>, vector<16xi32>,
        tpu.vector_store %arg12[%swap3A_458], %shift_right_logical3A_457 {strides = array<i32>} : memref<96xi32, #tpu.memory_space<vmem>>, vector<16xi32>,
        %get3A_460 = arith.index_cast %add3A_407 : i32 to index
        %get3A_461 = arith.constant 64 : index
        %get3A_462 = tpu.vector_load %arg6[%get3A_460, %get3A_461] {strides = array<i32>} : memref<104x96xi32, #tpu.memory_space<vmem>>, vector<16xi32>,
        %and3A_463 = arith.constant 65535 : i32
        %and3A_464 = vector.broadcast %and3A_463 : i32 to vector<16xi32>
        %and3A_465 = arith.andi %get3A_462, %and3A_464 : vector<16xi32>
        %swap3A_466 = arith.constant 64 : index
        %swap3A_467 = tpu.vector_load %arg8[%swap3A_466] {strides = array<i32>} : memref<96xi32, #tpu.memory_space<vmem>>, vector<16xi32>,
        tpu.vector_store %arg8[%swap3A_466], %and3A_465 {strides = array<i32>} : memref<96xi32, #tpu.memory_space<vmem>>, vector<16xi32>,
        %shift_right_logical3A_468 = arith.constant 16 : i32
        %shift_right_logical3A_469 = vector.broadcast %shift_right_logical3A_468 : i32 to vector<16xi32>
        %shift_right_logical3A_470 = arith.shrui %get3A_462, %shift_right_logical3A_469 : vector<16xi32>
        %swap3A_471 = arith.constant 64 : index
        %swap3A_472 = tpu.vector_load %arg12[%swap3A_471] {strides = array<i32>} : memref<96xi32, #tpu.memory_space<vmem>>, vector<16xi32>,
        tpu.vector_store %arg12[%swap3A_471], %shift_right_logical3A_470 {strides = array<i32>} : memref<96xi32, #tpu.memory_space<vmem>>, vector<16xi32>,
        %get3A_473 = arith.index_cast %add3A_407 : i32 to index
        %get3A_474 = arith.constant 80 : index
        %get3A_475 = tpu.vector_load %arg6[%get3A_473, %get3A_474] {strides = array<i32>} : memref<104x96xi32, #tpu.memory_space<vmem>>, vector<16xi32>,
        %and3A_476 = arith.constant 65535 : i32
        %and3A_477 = vector.broadcast %and3A_476 : i32 to vector<16xi32>
        %and3A_478 = arith.andi %get3A_475, %and3A_477 : vector<16xi32>
        %swap3A_479 = arith.constant 80 : index
        %swap3A_480 = tpu.vector_load %arg8[%swap3A_479] {strides = array<i32>} : memref<96xi32, #tpu.memory_space<vmem>>, vector<16xi32>,
        tpu.vector_store %arg8[%swap3A_479], %and3A_478 {strides = array<i32>} : memref<96xi32, #tpu.memory_space<vmem>>, vector<16xi32>,
        %shift_right_logical3A_481 = arith.constant 16 : i32
        %shift_right_logical3A_482 = vector.broadcast %shift_right_logical3A_481 : i32 to vector<16xi32>
        %shift_right_logical3A_483 = arith.shrui %get3A_475, %shift_right_logical3A_482 : vector<16xi32>
        %swap3A_484 = arith.constant 80 : index
        %swap3A_485 = tpu.vector_load %arg12[%swap3A_484] {strides = array<i32>} : memref<96xi32, #tpu.memory_space<vmem>>, vector<16xi32>,
        tpu.vector_store %arg12[%swap3A_484], %shift_right_logical3A_483 {strides = array<i32>} : memref<96xi32, #tpu.memory_space<vmem>>, vector<16xi32>,
        %dma_start3A_486 = arith.constant 0 : i32
        %dma_start3A_487 = arith.constant 0 : i32
        %dma_start3A_488 = tpu.memref_slice %arg2[%dma_start3A_486, %dma_start3A_487] : memref<10000x48xf32, #tpu.memory_space<hbm>> -> memref<10000x48xf32, #tpu.memory_space<hbm>>
        tpu.enqueue_indirect_dma source(%dma_start3A_488 : memref<10000x48xf32, #tpu.memory_space<hbm>>) target(%arg18 : memref<96x48xf32, #tpu.memory_space<vmem>>) offsets(%arg8 : memref<96xi32, #tpu.memory_space<vmem>>) semaphore(%arg23 : memref<!tpu.dma_semaphore, #tpu.memory_space<semaphore_mem>>)
      } else {
      }
      %mul3A_365 = arith.constant 4 : i32
      %mul3A_366 = arith.muli %scan3A_325, %mul3A_365 : i32
      %add3A_367 = arith.constant 2 : i32
      %add3A_368 = arith.addi %mul3A_366, %add3A_367 : i32
      %dma_wait3A_369 = arith.constant 0 : i32
      %dma_wait3A_370 = arith.constant 0 : i32
      %dma_wait3A_371 = tpu.memref_slice %arg2[%dma_wait3A_369, %dma_wait3A_370] : memref<10000x48xf32, #tpu.memory_space<hbm>> -> memref<10000x48xf32, #tpu.memory_space<hbm>>
      tpu.wait_indirect_dma semaphore(%arg25 : memref<!tpu.dma_semaphore, #tpu.memory_space<semaphore_mem>>) src(%dma_wait3A_371 : memref<10000x48xf32, #tpu.memory_space<hbm>>) dst(%arg20 : memref<96x48xf32, #tpu.memory_space<vmem>>)
      %dma_start3A_372 = arith.constant 0 : i32
      %dma_start3A_373 = arith.constant 0 : i32
      %dma_start3A_374 = tpu.memref_slice %arg22[%dma_start3A_372, %dma_start3A_373] : memref<10000x48xf32, #tpu.memory_space<vmem_shared>> -> memref<10000x48xf32, #tpu.memory_space<vmem_shared>>
      tpu.enqueue_indirect_dma source(%arg20 : memref<96x48xf32, #tpu.memory_space<vmem>>) target(%dma_start3A_374 : memref<10000x48xf32, #tpu.memory_space<vmem_shared>>) offsets(%arg14 : memref<96xi32, #tpu.memory_space<vmem>>) semaphore(%arg29 : memref<!tpu.dma_semaphore, #tpu.memory_space<semaphore_mem>>) {add = true}
      %dma_wait3A_375 = arith.constant 0 : i32
      %dma_wait3A_376 = arith.constant 0 : i32
      %dma_wait3A_377 = tpu.memref_slice %arg22[%dma_wait3A_375, %dma_wait3A_376] : memref<10000x48xf32, #tpu.memory_space<vmem_shared>> -> memref<10000x48xf32, #tpu.memory_space<vmem_shared>>
      tpu.wait_indirect_dma semaphore(%arg28 : memref<!tpu.dma_semaphore, #tpu.memory_space<semaphore_mem>>) src(%arg19 : memref<96x48xf32, #tpu.memory_space<vmem>>) dst(%dma_wait3A_377 : memref<10000x48xf32, #tpu.memory_space<vmem_shared>>)
      %add3A_378 = arith.constant 3 : i32
      %add3A_379 = arith.addi %add3A_368, %add3A_378 : i32
      %lt3A_380 = arith.constant 104 : i32
      %lt3A_381 = arith.cmpi slt, %add3A_379, %lt3A_380 : i32
      %convert_element_type3A_382 = arith.extui %lt3A_381 : i1 to i32
      %cond3A_383 = arith.constant 0 : i32
      %cond3A_384 = arith.cmpi ne, %convert_element_type3A_382, %cond3A_383 : i32
      scf.if %cond3A_384 {
        %add3A_406 = arith.constant 3 : i32
        %add3A_407 = arith.addi %add3A_368, %add3A_406 : i32
        %get3A_408 = arith.index_cast %add3A_407 : i32 to index
        %get3A_409 = arith.constant 0 : index
        %get3A_410 = tpu.vector_load %arg6[%get3A_408, %get3A_409] {strides = array<i32>} : memref<104x96xi32, #tpu.memory_space<vmem>>, vector<16xi32>,
        %and3A_411 = arith.constant 65535 : i32
        %and3A_412 = vector.broadcast %and3A_411 : i32 to vector<16xi32>
        %and3A_413 = arith.andi %get3A_410, %and3A_412 : vector<16xi32>
        %swap3A_414 = arith.constant 0 : index
        %swap3A_415 = tpu.vector_load %arg9[%swap3A_414] {strides = array<i32>} : memref<96xi32, #tpu.memory_space<vmem>>, vector<16xi32>,
        tpu.vector_store %arg9[%swap3A_414], %and3A_413 {strides = array<i32>} : memref<96xi32, #tpu.memory_space<vmem>>, vector<16xi32>,
        %shift_right_logical3A_416 = arith.constant 16 : i32
        %shift_right_logical3A_417 = vector.broadcast %shift_right_logical3A_416 : i32 to vector<16xi32>
        %shift_right_logical3A_418 = arith.shrui %get3A_410, %shift_right_logical3A_417 : vector<16xi32>
        %swap3A_419 = arith.constant 0 : index
        %swap3A_420 = tpu.vector_load %arg13[%swap3A_419] {strides = array<i32>} : memref<96xi32, #tpu.memory_space<vmem>>, vector<16xi32>,
        tpu.vector_store %arg13[%swap3A_419], %shift_right_logical3A_418 {strides = array<i32>} : memref<96xi32, #tpu.memory_space<vmem>>, vector<16xi32>,
        %get3A_421 = arith.index_cast %add3A_407 : i32 to index
        %get3A_422 = arith.constant 16 : index
        %get3A_423 = tpu.vector_load %arg6[%get3A_421, %get3A_422] {strides = array<i32>} : memref<104x96xi32, #tpu.memory_space<vmem>>, vector<16xi32>,
        %and3A_424 = arith.constant 65535 : i32
        %and3A_425 = vector.broadcast %and3A_424 : i32 to vector<16xi32>
        %and3A_426 = arith.andi %get3A_423, %and3A_425 : vector<16xi32>
        %swap3A_427 = arith.constant 16 : index
        %swap3A_428 = tpu.vector_load %arg9[%swap3A_427] {strides = array<i32>} : memref<96xi32, #tpu.memory_space<vmem>>, vector<16xi32>,
        tpu.vector_store %arg9[%swap3A_427], %and3A_426 {strides = array<i32>} : memref<96xi32, #tpu.memory_space<vmem>>, vector<16xi32>,
        %shift_right_logical3A_429 = arith.constant 16 : i32
        %shift_right_logical3A_430 = vector.broadcast %shift_right_logical3A_429 : i32 to vector<16xi32>
        %shift_right_logical3A_431 = arith.shrui %get3A_423, %shift_right_logical3A_430 : vector<16xi32>
        %swap3A_432 = arith.constant 16 : index
        %swap3A_433 = tpu.vector_load %arg13[%swap3A_432] {strides = array<i32>} : memref<96xi32, #tpu.memory_space<vmem>>, vector<16xi32>,
        tpu.vector_store %arg13[%swap3A_432], %shift_right_logical3A_431 {strides = array<i32>} : memref<96xi32, #tpu.memory_space<vmem>>, vector<16xi32>,
        %get3A_434 = arith.index_cast %add3A_407 : i32 to index
        %get3A_435 = arith.constant 32 : index
        %get3A_436 = tpu.vector_load %arg6[%get3A_434, %get3A_435] {strides = array<i32>} : memref<104x96xi32, #tpu.memory_space<vmem>>, vector<16xi32>,
        %and3A_437 = arith.constant 65535 : i32
        %and3A_438 = vector.broadcast %and3A_437 : i32 to vector<16xi32>
        %and3A_439 = arith.andi %get3A_436, %and3A_438 : vector<16xi32>
        %swap3A_440 = arith.constant 32 : index
        %swap3A_441 = tpu.vector_load %arg9[%swap3A_440] {strides = array<i32>} : memref<96xi32, #tpu.memory_space<vmem>>, vector<16xi32>,
        tpu.vector_store %arg9[%swap3A_440], %and3A_439 {strides = array<i32>} : memref<96xi32, #tpu.memory_space<vmem>>, vector<16xi32>,
        %shift_right_logical3A_442 = arith.constant 16 : i32
        %shift_right_logical3A_443 = vector.broadcast %shift_right_logical3A_442 : i32 to vector<16xi32>
        %shift_right_logical3A_444 = arith.shrui %get3A_436, %shift_right_logical3A_443 : vector<16xi32>
        %swap3A_445 = arith.constant 32 : index
        %swap3A_446 = tpu.vector_load %arg13[%swap3A_445] {strides = array<i32>} : memref<96xi32, #tpu.memory_space<vmem>>, vector<16xi32>,
        tpu.vector_store %arg13[%swap3A_445], %shift_right_logical3A_444 {strides = array<i32>} : memref<96xi32, #tpu.memory_space<vmem>>, vector<16xi32>,
        %get3A_447 = arith.index_cast %add3A_407 : i32 to index
        %get3A_448 = arith.constant 48 : index
        %get3A_449 = tpu.vector_load %arg6[%get3A_447, %get3A_448] {strides = array<i32>} : memref<104x96xi32, #tpu.memory_space<vmem>>, vector<16xi32>,
        %and3A_450 = arith.constant 65535 : i32
        %and3A_451 = vector.broadcast %and3A_450 : i32 to vector<16xi32>
        %and3A_452 = arith.andi %get3A_449, %and3A_451 : vector<16xi32>
        %swap3A_453 = arith.constant 48 : index
        %swap3A_454 = tpu.vector_load %arg9[%swap3A_453] {strides = array<i32>} : memref<96xi32, #tpu.memory_space<vmem>>, vector<16xi32>,
        tpu.vector_store %arg9[%swap3A_453], %and3A_452 {strides = array<i32>} : memref<96xi32, #tpu.memory_space<vmem>>, vector<16xi32>,
        %shift_right_logical3A_455 = arith.constant 16 : i32
        %shift_right_logical3A_456 = vector.broadcast %shift_right_logical3A_455 : i32 to vector<16xi32>
        %shift_right_logical3A_457 = arith.shrui %get3A_449, %shift_right_logical3A_456 : vector<16xi32>
        %swap3A_458 = arith.constant 48 : index
        %swap3A_459 = tpu.vector_load %arg13[%swap3A_458] {strides = array<i32>} : memref<96xi32, #tpu.memory_space<vmem>>, vector<16xi32>,
        tpu.vector_store %arg13[%swap3A_458], %shift_right_logical3A_457 {strides = array<i32>} : memref<96xi32, #tpu.memory_space<vmem>>, vector<16xi32>,
        %get3A_460 = arith.index_cast %add3A_407 : i32 to index
        %get3A_461 = arith.constant 64 : index
        %get3A_462 = tpu.vector_load %arg6[%get3A_460, %get3A_461] {strides = array<i32>} : memref<104x96xi32, #tpu.memory_space<vmem>>, vector<16xi32>,
        %and3A_463 = arith.constant 65535 : i32
        %and3A_464 = vector.broadcast %and3A_463 : i32 to vector<16xi32>
        %and3A_465 = arith.andi %get3A_462, %and3A_464 : vector<16xi32>
        %swap3A_466 = arith.constant 64 : index
        %swap3A_467 = tpu.vector_load %arg9[%swap3A_466] {strides = array<i32>} : memref<96xi32, #tpu.memory_space<vmem>>, vector<16xi32>,
        tpu.vector_store %arg9[%swap3A_466], %and3A_465 {strides = array<i32>} : memref<96xi32, #tpu.memory_space<vmem>>, vector<16xi32>,
        %shift_right_logical3A_468 = arith.constant 16 : i32
        %shift_right_logical3A_469 = vector.broadcast %shift_right_logical3A_468 : i32 to vector<16xi32>
        %shift_right_logical3A_470 = arith.shrui %get3A_462, %shift_right_logical3A_469 : vector<16xi32>
        %swap3A_471 = arith.constant 64 : index
        %swap3A_472 = tpu.vector_load %arg13[%swap3A_471] {strides = array<i32>} : memref<96xi32, #tpu.memory_space<vmem>>, vector<16xi32>,
        tpu.vector_store %arg13[%swap3A_471], %shift_right_logical3A_470 {strides = array<i32>} : memref<96xi32, #tpu.memory_space<vmem>>, vector<16xi32>,
        %get3A_473 = arith.index_cast %add3A_407 : i32 to index
        %get3A_474 = arith.constant 80 : index
        %get3A_475 = tpu.vector_load %arg6[%get3A_473, %get3A_474] {strides = array<i32>} : memref<104x96xi32, #tpu.memory_space<vmem>>, vector<16xi32>,
        %and3A_476 = arith.constant 65535 : i32
        %and3A_477 = vector.broadcast %and3A_476 : i32 to vector<16xi32>
        %and3A_478 = arith.andi %get3A_475, %and3A_477 : vector<16xi32>
        %swap3A_479 = arith.constant 80 : index
        %swap3A_480 = tpu.vector_load %arg9[%swap3A_479] {strides = array<i32>} : memref<96xi32, #tpu.memory_space<vmem>>, vector<16xi32>,
        tpu.vector_store %arg9[%swap3A_479], %and3A_478 {strides = array<i32>} : memref<96xi32, #tpu.memory_space<vmem>>, vector<16xi32>,
        %shift_right_logical3A_481 = arith.constant 16 : i32
        %shift_right_logical3A_482 = vector.broadcast %shift_right_logical3A_481 : i32 to vector<16xi32>
        %shift_right_logical3A_483 = arith.shrui %get3A_475, %shift_right_logical3A_482 : vector<16xi32>
        %swap3A_484 = arith.constant 80 : index
        %swap3A_485 = tpu.vector_load %arg13[%swap3A_484] {strides = array<i32>} : memref<96xi32, #tpu.memory_space<vmem>>, vector<16xi32>,
        tpu.vector_store %arg13[%swap3A_484], %shift_right_logical3A_483 {strides = array<i32>} : memref<96xi32, #tpu.memory_space<vmem>>, vector<16xi32>,
        %dma_start3A_486 = arith.constant 0 : i32
        %dma_start3A_487 = arith.constant 0 : i32
        %dma_start3A_488 = tpu.memref_slice %arg2[%dma_start3A_486, %dma_start3A_487] : memref<10000x48xf32, #tpu.memory_space<hbm>> -> memref<10000x48xf32, #tpu.memory_space<hbm>>
        tpu.enqueue_indirect_dma source(%dma_start3A_488 : memref<10000x48xf32, #tpu.memory_space<hbm>>) target(%arg19 : memref<96x48xf32, #tpu.memory_space<vmem>>) offsets(%arg9 : memref<96xi32, #tpu.memory_space<vmem>>) semaphore(%arg24 : memref<!tpu.dma_semaphore, #tpu.memory_space<semaphore_mem>>)
      } else {
      }
      %mul3A_385 = arith.constant 4 : i32
      %mul3A_386 = arith.muli %scan3A_325, %mul3A_385 : i32
      %add3A_387 = arith.constant 3 : i32
      %add3A_388 = arith.addi %mul3A_386, %add3A_387 : i32
      %dma_wait3A_389 = arith.constant 0 : i32
      %dma_wait3A_390 = arith.constant 0 : i32
      %dma_wait3A_391 = tpu.memref_slice %arg2[%dma_wait3A_389, %dma_wait3A_390] : memref<10000x48xf32, #tpu.memory_space<hbm>> -> memref<10000x48xf32, #tpu.memory_space<hbm>>
      tpu.wait_indirect_dma semaphore(%arg26 : memref<!tpu.dma_semaphore, #tpu.memory_space<semaphore_mem>>) src(%dma_wait3A_391 : memref<10000x48xf32, #tpu.memory_space<hbm>>) dst(%arg21 : memref<96x48xf32, #tpu.memory_space<vmem>>)
      %dma_start3A_392 = arith.constant 0 : i32
      %dma_start3A_393 = arith.constant 0 : i32
      %dma_start3A_394 = tpu.memref_slice %arg22[%dma_start3A_392, %dma_start3A_393] : memref<10000x48xf32, #tpu.memory_space<vmem_shared>> -> memref<10000x48xf32, #tpu.memory_space<vmem_shared>>
      tpu.enqueue_indirect_dma source(%arg21 : memref<96x48xf32, #tpu.memory_space<vmem>>) target(%dma_start3A_394 : memref<10000x48xf32, #tpu.memory_space<vmem_shared>>) offsets(%arg15 : memref<96xi32, #tpu.memory_space<vmem>>) semaphore(%arg30 : memref<!tpu.dma_semaphore, #tpu.memory_space<semaphore_mem>>) {add = true}
      %dma_wait3A_395 = arith.constant 0 : i32
      %dma_wait3A_396 = arith.constant 0 : i32
      %dma_wait3A_397 = tpu.memref_slice %arg22[%dma_wait3A_395, %dma_wait3A_396] : memref<10000x48xf32, #tpu.memory_space<vmem_shared>> -> memref<10000x48xf32, #tpu.memory_space<vmem_shared>>
      tpu.wait_indirect_dma semaphore(%arg29 : memref<!tpu.dma_semaphore, #tpu.memory_space<semaphore_mem>>) src(%arg20 : memref<96x48xf32, #tpu.memory_space<vmem>>) dst(%dma_wait3A_397 : memref<10000x48xf32, #tpu.memory_space<vmem_shared>>)
      %add3A_398 = arith.constant 3 : i32
      %add3A_399 = arith.addi %add3A_388, %add3A_398 : i32
      %lt3A_400 = arith.constant 104 : i32
      %lt3A_401 = arith.cmpi slt, %add3A_399, %lt3A_400 : i32
      %convert_element_type3A_402 = arith.extui %lt3A_401 : i1 to i32
      %cond3A_403 = arith.constant 0 : i32
      %cond3A_404 = arith.cmpi ne, %convert_element_type3A_402, %cond3A_403 : i32
      scf.if %cond3A_404 {
        %add3A_406 = arith.constant 3 : i32
        %add3A_407 = arith.addi %add3A_388, %add3A_406 : i32
        %get3A_408 = arith.index_cast %add3A_407 : i32 to index
        %get3A_409 = arith.constant 0 : index
        %get3A_410 = tpu.vector_load %arg6[%get3A_408, %get3A_409] {strides = array<i32>} : memref<104x96xi32, #tpu.memory_space<vmem>>, vector<16xi32>,
        %and3A_411 = arith.constant 65535 : i32
        %and3A_412 = vector.broadcast %and3A_411 : i32 to vector<16xi32>
        %and3A_413 = arith.andi %get3A_410, %and3A_412 : vector<16xi32>
        %swap3A_414 = arith.constant 0 : index
        %swap3A_415 = tpu.vector_load %arg10[%swap3A_414] {strides = array<i32>} : memref<96xi32, #tpu.memory_space<vmem>>, vector<16xi32>,
        tpu.vector_store %arg10[%swap3A_414], %and3A_413 {strides = array<i32>} : memref<96xi32, #tpu.memory_space<vmem>>, vector<16xi32>,
        %shift_right_logical3A_416 = arith.constant 16 : i32
        %shift_right_logical3A_417 = vector.broadcast %shift_right_logical3A_416 : i32 to vector<16xi32>
        %shift_right_logical3A_418 = arith.shrui %get3A_410, %shift_right_logical3A_417 : vector<16xi32>
        %swap3A_419 = arith.constant 0 : index
        %swap3A_420 = tpu.vector_load %arg14[%swap3A_419] {strides = array<i32>} : memref<96xi32, #tpu.memory_space<vmem>>, vector<16xi32>,
        tpu.vector_store %arg14[%swap3A_419], %shift_right_logical3A_418 {strides = array<i32>} : memref<96xi32, #tpu.memory_space<vmem>>, vector<16xi32>,
        %get3A_421 = arith.index_cast %add3A_407 : i32 to index
        %get3A_422 = arith.constant 16 : index
        %get3A_423 = tpu.vector_load %arg6[%get3A_421, %get3A_422] {strides = array<i32>} : memref<104x96xi32, #tpu.memory_space<vmem>>, vector<16xi32>,
        %and3A_424 = arith.constant 65535 : i32
        %and3A_425 = vector.broadcast %and3A_424 : i32 to vector<16xi32>
        %and3A_426 = arith.andi %get3A_423, %and3A_425 : vector<16xi32>
        %swap3A_427 = arith.constant 16 : index
        %swap3A_428 = tpu.vector_load %arg10[%swap3A_427] {strides = array<i32>} : memref<96xi32, #tpu.memory_space<vmem>>, vector<16xi32>,
        tpu.vector_store %arg10[%swap3A_427], %and3A_426 {strides = array<i32>} : memref<96xi32, #tpu.memory_space<vmem>>, vector<16xi32>,
        %shift_right_logical3A_429 = arith.constant 16 : i32
        %shift_right_logical3A_430 = vector.broadcast %shift_right_logical3A_429 : i32 to vector<16xi32>
        %shift_right_logical3A_431 = arith.shrui %get3A_423, %shift_right_logical3A_430 : vector<16xi32>
        %swap3A_432 = arith.constant 16 : index
        %swap3A_433 = tpu.vector_load %arg14[%swap3A_432] {strides = array<i32>} : memref<96xi32, #tpu.memory_space<vmem>>, vector<16xi32>,
        tpu.vector_store %arg14[%swap3A_432], %shift_right_logical3A_431 {strides = array<i32>} : memref<96xi32, #tpu.memory_space<vmem>>, vector<16xi32>,
        %get3A_434 = arith.index_cast %add3A_407 : i32 to index
        %get3A_435 = arith.constant 32 : index
        %get3A_436 = tpu.vector_load %arg6[%get3A_434, %get3A_435] {strides = array<i32>} : memref<104x96xi32, #tpu.memory_space<vmem>>, vector<16xi32>,
        %and3A_437 = arith.constant 65535 : i32
        %and3A_438 = vector.broadcast %and3A_437 : i32 to vector<16xi32>
        %and3A_439 = arith.andi %get3A_436, %and3A_438 : vector<16xi32>
        %swap3A_440 = arith.constant 32 : index
        %swap3A_441 = tpu.vector_load %arg10[%swap3A_440] {strides = array<i32>} : memref<96xi32, #tpu.memory_space<vmem>>, vector<16xi32>,
        tpu.vector_store %arg10[%swap3A_440], %and3A_439 {strides = array<i32>} : memref<96xi32, #tpu.memory_space<vmem>>, vector<16xi32>,
        %shift_right_logical3A_442 = arith.constant 16 : i32
        %shift_right_logical3A_443 = vector.broadcast %shift_right_logical3A_442 : i32 to vector<16xi32>
        %shift_right_logical3A_444 = arith.shrui %get3A_436, %shift_right_logical3A_443 : vector<16xi32>
        %swap3A_445 = arith.constant 32 : index
        %swap3A_446 = tpu.vector_load %arg14[%swap3A_445] {strides = array<i32>} : memref<96xi32, #tpu.memory_space<vmem>>, vector<16xi32>,
        tpu.vector_store %arg14[%swap3A_445], %shift_right_logical3A_444 {strides = array<i32>} : memref<96xi32, #tpu.memory_space<vmem>>, vector<16xi32>,
        %get3A_447 = arith.index_cast %add3A_407 : i32 to index
        %get3A_448 = arith.constant 48 : index
        %get3A_449 = tpu.vector_load %arg6[%get3A_447, %get3A_448] {strides = array<i32>} : memref<104x96xi32, #tpu.memory_space<vmem>>, vector<16xi32>,
        %and3A_450 = arith.constant 65535 : i32
        %and3A_451 = vector.broadcast %and3A_450 : i32 to vector<16xi32>
        %and3A_452 = arith.andi %get3A_449, %and3A_451 : vector<16xi32>
        %swap3A_453 = arith.constant 48 : index
        %swap3A_454 = tpu.vector_load %arg10[%swap3A_453] {strides = array<i32>} : memref<96xi32, #tpu.memory_space<vmem>>, vector<16xi32>,
        tpu.vector_store %arg10[%swap3A_453], %and3A_452 {strides = array<i32>} : memref<96xi32, #tpu.memory_space<vmem>>, vector<16xi32>,
        %shift_right_logical3A_455 = arith.constant 16 : i32
        %shift_right_logical3A_456 = vector.broadcast %shift_right_logical3A_455 : i32 to vector<16xi32>
        %shift_right_logical3A_457 = arith.shrui %get3A_449, %shift_right_logical3A_456 : vector<16xi32>
        %swap3A_458 = arith.constant 48 : index
        %swap3A_459 = tpu.vector_load %arg14[%swap3A_458] {strides = array<i32>} : memref<96xi32, #tpu.memory_space<vmem>>, vector<16xi32>,
        tpu.vector_store %arg14[%swap3A_458], %shift_right_logical3A_457 {strides = array<i32>} : memref<96xi32, #tpu.memory_space<vmem>>, vector<16xi32>,
        %get3A_460 = arith.index_cast %add3A_407 : i32 to index
        %get3A_461 = arith.constant 64 : index
        %get3A_462 = tpu.vector_load %arg6[%get3A_460, %get3A_461] {strides = array<i32>} : memref<104x96xi32, #tpu.memory_space<vmem>>, vector<16xi32>,
        %and3A_463 = arith.constant 65535 : i32
        %and3A_464 = vector.broadcast %and3A_463 : i32 to vector<16xi32>
        %and3A_465 = arith.andi %get3A_462, %and3A_464 : vector<16xi32>
        %swap3A_466 = arith.constant 64 : index
        %swap3A_467 = tpu.vector_load %arg10[%swap3A_466] {strides = array<i32>} : memref<96xi32, #tpu.memory_space<vmem>>, vector<16xi32>,
        tpu.vector_store %arg10[%swap3A_466], %and3A_465 {strides = array<i32>} : memref<96xi32, #tpu.memory_space<vmem>>, vector<16xi32>,
        %shift_right_logical3A_468 = arith.constant 16 : i32
        %shift_right_logical3A_469 = vector.broadcast %shift_right_logical3A_468 : i32 to vector<16xi32>
        %shift_right_logical3A_470 = arith.shrui %get3A_462, %shift_right_logical3A_469 : vector<16xi32>
        %swap3A_471 = arith.constant 64 : index
        %swap3A_472 = tpu.vector_load %arg14[%swap3A_471] {strides = array<i32>} : memref<96xi32, #tpu.memory_space<vmem>>, vector<16xi32>,
        tpu.vector_store %arg14[%swap3A_471], %shift_right_logical3A_470 {strides = array<i32>} : memref<96xi32, #tpu.memory_space<vmem>>, vector<16xi32>,
        %get3A_473 = arith.index_cast %add3A_407 : i32 to index
        %get3A_474 = arith.constant 80 : index
        %get3A_475 = tpu.vector_load %arg6[%get3A_473, %get3A_474] {strides = array<i32>} : memref<104x96xi32, #tpu.memory_space<vmem>>, vector<16xi32>,
        %and3A_476 = arith.constant 65535 : i32
        %and3A_477 = vector.broadcast %and3A_476 : i32 to vector<16xi32>
        %and3A_478 = arith.andi %get3A_475, %and3A_477 : vector<16xi32>
        %swap3A_479 = arith.constant 80 : index
        %swap3A_480 = tpu.vector_load %arg10[%swap3A_479] {strides = array<i32>} : memref<96xi32, #tpu.memory_space<vmem>>, vector<16xi32>,
        tpu.vector_store %arg10[%swap3A_479], %and3A_478 {strides = array<i32>} : memref<96xi32, #tpu.memory_space<vmem>>, vector<16xi32>,
        %shift_right_logical3A_481 = arith.constant 16 : i32
        %shift_right_logical3A_482 = vector.broadcast %shift_right_logical3A_481 : i32 to vector<16xi32>
        %shift_right_logical3A_483 = arith.shrui %get3A_475, %shift_right_logical3A_482 : vector<16xi32>
        %swap3A_484 = arith.constant 80 : index
        %swap3A_485 = tpu.vector_load %arg14[%swap3A_484] {strides = array<i32>} : memref<96xi32, #tpu.memory_space<vmem>>, vector<16xi32>,
        tpu.vector_store %arg14[%swap3A_484], %shift_right_logical3A_483 {strides = array<i32>} : memref<96xi32, #tpu.memory_space<vmem>>, vector<16xi32>,
        %dma_start3A_486 = arith.constant 0 : i32
        %dma_start3A_487 = arith.constant 0 : i32
        %dma_start3A_488 = tpu.memref_slice %arg2[%dma_start3A_486, %dma_start3A_487] : memref<10000x48xf32, #tpu.memory_space<hbm>> -> memref<10000x48xf32, #tpu.memory_space<hbm>>
        tpu.enqueue_indirect_dma source(%dma_start3A_488 : memref<10000x48xf32, #tpu.memory_space<hbm>>) target(%arg20 : memref<96x48xf32, #tpu.memory_space<vmem>>) offsets(%arg10 : memref<96xi32, #tpu.memory_space<vmem>>) semaphore(%arg25 : memref<!tpu.dma_semaphore, #tpu.memory_space<semaphore_mem>>)
      } else {
      }
      %scan3A_405 = arith.constant 0 : i32
      scf.yield %scan3A_405 : i32
    }
    %scan3A_281 = arith.constant 26 : i32
    %dma_wait3A = arith.constant 0 : i32
    %dma_wait3A_282 = arith.constant 0 : i32
    %dma_wait3A_283 = tpu.memref_slice %arg22[%dma_wait3A, %dma_wait3A_282] : memref<10000x48xf32, #tpu.memory_space<vmem_shared>> -> memref<10000x48xf32, #tpu.memory_space<vmem_shared>>
    tpu.wait_indirect_dma semaphore(%arg30 : memref<!tpu.dma_semaphore, #tpu.memory_space<semaphore_mem>>) src(%arg21 : memref<96x48xf32, #tpu.memory_space<vmem>>) dst(%dma_wait3A_283 : memref<10000x48xf32, #tpu.memory_space<vmem_shared>>)
    %get3A_284 = arith.constant 0 : index
    %get3A_285 = tpu.vector_load %arg7[%get3A_284] {strides = array<i32>} : memref<16xi32, #tpu.memory_space<vmem>>, vector<16xi32>,
    %and3A_286 = arith.constant 65535 : i32
    %and3A_287 = vector.broadcast %and3A_286 : i32 to vector<16xi32>
    %and3A_288 = arith.andi %get3A_285, %and3A_287 : vector<16xi32>
    %swap3A_289 = arith.constant 0 : index
    %swap3A_290 = tpu.vector_load %arg16[%swap3A_289] {strides = array<i32>} : memref<16xi32, #tpu.memory_space<vmem>>, vector<16xi32>,
    tpu.vector_store %arg16[%swap3A_289], %and3A_288 {strides = array<i32>} : memref<16xi32, #tpu.memory_space<vmem>>, vector<16xi32>,
    %shift_right_logical3A_291 = arith.constant 16 : i32
    %shift_right_logical3A_292 = vector.broadcast %shift_right_logical3A_291 : i32 to vector<16xi32>
    %shift_right_logical3A_293 = arith.shrui %get3A_285, %shift_right_logical3A_292 : vector<16xi32>
    %swap3A_294 = arith.constant 0 : index
    %swap3A_295 = tpu.vector_load %arg17[%swap3A_294] {strides = array<i32>} : memref<16xi32, #tpu.memory_space<vmem>>, vector<16xi32>,
    tpu.vector_store %arg17[%swap3A_294], %shift_right_logical3A_293 {strides = array<i32>} : memref<16xi32, #tpu.memory_space<vmem>>, vector<16xi32>,
    %dma_start3A_296 = arith.constant 0 : i32
    %dma_start3A_297 = arith.constant 0 : i32
    %dma_start3A_298 = tpu.memref_slice %arg18[%dma_start3A_296, %dma_start3A_297] : memref<96x48xf32, #tpu.memory_space<vmem>> -> memref<16x48xf32, #tpu.memory_space<vmem>>
    %dma_start3A_299 = arith.constant 0 : i32
    %dma_start3A_300 = arith.constant 0 : i32
    %dma_start3A_301 = tpu.memref_slice %arg2[%dma_start3A_299, %dma_start3A_300] : memref<10000x48xf32, #tpu.memory_space<hbm>> -> memref<10000x48xf32, #tpu.memory_space<hbm>>
    tpu.enqueue_indirect_dma source(%dma_start3A_301 : memref<10000x48xf32, #tpu.memory_space<hbm>>) target(%dma_start3A_298 : memref<16x48xf32, #tpu.memory_space<vmem>>) offsets(%arg16 : memref<16xi32, #tpu.memory_space<vmem>>) semaphore(%arg23 : memref<!tpu.dma_semaphore, #tpu.memory_space<semaphore_mem>>)
    %dma_wait3A_302 = arith.constant 0 : i32
    %dma_wait3A_303 = arith.constant 0 : i32
    %dma_wait3A_304 = tpu.memref_slice %arg18[%dma_wait3A_302, %dma_wait3A_303] : memref<96x48xf32, #tpu.memory_space<vmem>> -> memref<16x48xf32, #tpu.memory_space<vmem>>
    %dma_wait3A_305 = arith.constant 0 : i32
    %dma_wait3A_306 = arith.constant 0 : i32
    %dma_wait3A_307 = tpu.memref_slice %arg2[%dma_wait3A_305, %dma_wait3A_306] : memref<10000x48xf32, #tpu.memory_space<hbm>> -> memref<10000x48xf32, #tpu.memory_space<hbm>>
    tpu.wait_indirect_dma semaphore(%arg23 : memref<!tpu.dma_semaphore, #tpu.memory_space<semaphore_mem>>) src(%dma_wait3A_307 : memref<10000x48xf32, #tpu.memory_space<hbm>>) dst(%dma_wait3A_304 : memref<16x48xf32, #tpu.memory_space<vmem>>)
    %dma_start3A_308 = arith.constant 0 : i32
    %dma_start3A_309 = arith.constant 0 : i32
    %dma_start3A_310 = tpu.memref_slice %arg18[%dma_start3A_308, %dma_start3A_309] : memref<96x48xf32, #tpu.memory_space<vmem>> -> memref<16x48xf32, #tpu.memory_space<vmem>>
    %dma_start3A_311 = arith.constant 0 : i32
    %dma_start3A_312 = arith.constant 0 : i32
    %dma_start3A_313 = tpu.memref_slice %arg22[%dma_start3A_311, %dma_start3A_312] : memref<10000x48xf32, #tpu.memory_space<vmem_shared>> -> memref<10000x48xf32, #tpu.memory_space<vmem_shared>>
    tpu.enqueue_indirect_dma source(%dma_start3A_310 : memref<16x48xf32, #tpu.memory_space<vmem>>) target(%dma_start3A_313 : memref<10000x48xf32, #tpu.memory_space<vmem_shared>>) offsets(%arg17 : memref<16xi32, #tpu.memory_space<vmem>>) semaphore(%arg27 : memref<!tpu.dma_semaphore, #tpu.memory_space<semaphore_mem>>) {add = true}
    %dma_wait3A_314 = arith.constant 0 : i32
    %dma_wait3A_315 = arith.constant 0 : i32
    %dma_wait3A_316 = tpu.memref_slice %arg18[%dma_wait3A_314, %dma_wait3A_315] : memref<96x48xf32, #tpu.memory_space<vmem>> -> memref<16x48xf32, #tpu.memory_space<vmem>>
    %dma_wait3A_317 = arith.constant 0 : i32
    %dma_wait3A_318 = arith.constant 0 : i32
    %dma_wait3A_319 = tpu.memref_slice %arg22[%dma_wait3A_317, %dma_wait3A_318] : memref<10000x48xf32, #tpu.memory_space<vmem_shared>> -> memref<10000x48xf32, #tpu.memory_space<vmem_shared>>
    tpu.wait_indirect_dma semaphore(%arg27 : memref<!tpu.dma_semaphore, #tpu.memory_space<semaphore_mem>>) src(%dma_wait3A_316 : memref<16x48xf32, #tpu.memory_space<vmem>>) dst(%dma_wait3A_319 : memref<10000x48xf32, #tpu.memory_space<vmem_shared>>)
    %barrier3A_320 = arith.constant 0 : index
    tpu.barrier barrier_id(%barrier3A_320)
    %mul3A_321 = arith.constant 625 : i32
    %mul3A_322 = arith.muli %arg1, %mul3A_321 : i32
    %mul3A_323 = arith.constant 625 : i32
    %mul3A_324 = arith.muli %arg1, %mul3A_323 : i32
    "tpu.region"() ({
      %run_scoped3A = tpu.sem_alloc : memref<!tpu.dma_semaphore, #tpu.memory_space<semaphore_mem>>
      %dma_start3A_325 = arith.constant 0 : i32
      %dma_start3A_326 = tpu.memref_slice %arg5[%arg0, %mul3A_324, %dma_start3A_325] : memref<2x10000x48xf32, #tpu.memory_space<hbm>> -> memref<1x625x48xf32, #tpu.memory_space<hbm>>
      %dma_start3A_327 = tpu.memref_squeeze %dma_start3A_326 : memref<1x625x48xf32, #tpu.memory_space<hbm>> -> memref<625x48xf32, #tpu.memory_space<hbm>>
      %dma_start3A_328 = arith.constant 0 : i32
      %dma_start3A_329 = tpu.memref_slice %arg22[%mul3A_322, %dma_start3A_328] : memref<10000x48xf32, #tpu.memory_space<vmem_shared>> -> memref<625x48xf32, #tpu.memory_space<vmem_shared>>
      tpu.enqueue_dma source(%dma_start3A_329 : memref<625x48xf32, #tpu.memory_space<vmem_shared>>) target(%dma_start3A_327 : memref<625x48xf32, #tpu.memory_space<hbm>>) target_semaphore(%run_scoped3A : memref<!tpu.dma_semaphore, #tpu.memory_space<semaphore_mem>>)
      %dma_wait3A_330 = arith.constant 0 : i32
      %dma_wait3A_331 = tpu.memref_slice %arg5[%arg0, %mul3A_324, %dma_wait3A_330] : memref<2x10000x48xf32, #tpu.memory_space<hbm>> -> memref<1x625x48xf32, #tpu.memory_space<hbm>>
      %dma_wait3A_332 = tpu.memref_squeeze %dma_wait3A_331 : memref<1x625x48xf32, #tpu.memory_space<hbm>> -> memref<625x48xf32, #tpu.memory_space<hbm>>
      %dma_wait3A_333 = arith.constant 0 : i32
      %dma_wait3A_334 = tpu.memref_slice %arg22[%mul3A_322, %dma_wait3A_333] : memref<10000x48xf32, #tpu.memory_space<vmem_shared>> -> memref<625x48xf32, #tpu.memory_space<vmem_shared>>
      tpu.wait_dma2 semaphore(%run_scoped3A : memref<!tpu.dma_semaphore, #tpu.memory_space<semaphore_mem>>) src(%dma_wait3A_334 : memref<625x48xf32, #tpu.memory_space<vmem_shared>>) dst(%dma_wait3A_332 : memref<625x48xf32, #tpu.memory_space<hbm>>)
      tpu.yield
    }) : () -> ()
    return
  }
}

#map = affine_map<(d0, d1) -> (0)>
#map1 = affine_map<(d0, d1) -> (0, 0, 0)>
module attributes {stable_mosaic.version = 14 : i64} {
  func.func @_deg_body(%arg0: i32, %arg1: i32, %arg2: memref<320000xi32, #tpu.memory_space<hbm>>, %arg3: memref<10x32x1000xf32, #tpu.memory_space<hbm>>, %arg4: memref<10000xi32, #tpu.memory_space<vmem>>, %arg5: memref<10000xf32, #tpu.memory_space<vmem>>) attributes {dimension_semantics = [#tpu.dimension_semantics<core_parallel>, #tpu.dimension_semantics<subcore_parallel>], iteration_bounds = array<i64: 2, 16>, scalar_prefetch = 0 : i64, scratch_operands = 2 : i64, tpu.core_type = #tpu.core_type<sc_vector_subcore>, window_params = [{transform_indices = #map}, {transform_indices = #map1}]} {
    %mul3A = arith.constant 2 : i32
    %mul3A_0 = arith.muli %arg1, %mul3A : i32
    %add3A = arith.addi %mul3A_0, %arg0 : i32
    %mul3A_1 = arith.constant 10000 : i32
    %mul3A_2 = arith.muli %add3A, %mul3A_1 : i32
    %multiple_of3A = tpu.assume_multiple %mul3A_2, 8 : i32
    "tpu.region"() ({
      %run_scoped3A = tpu.sem_alloc : memref<!tpu.dma_semaphore, #tpu.memory_space<semaphore_mem>>
      %dma_start3A = tpu.memref_slice %arg2[%multiple_of3A] : memref<320000xi32, #tpu.memory_space<hbm>> -> memref<10000xi32, #tpu.memory_space<hbm>>
      %dma_start3A_26 = tpu.memref_slice %arg2[%multiple_of3A] : memref<320000xi32, #tpu.memory_space<hbm>> -> memref<10000xi32, #tpu.memory_space<hbm>>
      tpu.enqueue_dma source(%dma_start3A_26 : memref<10000xi32, #tpu.memory_space<hbm>>) target(%arg4 : memref<10000xi32, #tpu.memory_space<vmem>>) target_semaphore(%run_scoped3A : memref<!tpu.dma_semaphore, #tpu.memory_space<semaphore_mem>>)
      %dma_wait3A = tpu.memref_slice %arg2[%multiple_of3A] : memref<320000xi32, #tpu.memory_space<hbm>> -> memref<10000xi32, #tpu.memory_space<hbm>>
      %dma_wait3A_27 = tpu.memref_slice %arg2[%multiple_of3A] : memref<320000xi32, #tpu.memory_space<hbm>> -> memref<10000xi32, #tpu.memory_space<hbm>>
      tpu.wait_dma2 semaphore(%run_scoped3A : memref<!tpu.dma_semaphore, #tpu.memory_space<semaphore_mem>>) src(%dma_wait3A_27 : memref<10000xi32, #tpu.memory_space<hbm>>) dst(%arg4 : memref<10000xi32, #tpu.memory_space<vmem>>)
      tpu.yield
    }) : () -> ()
    %broadcast_in_dim3A = arith.constant 0.000000e+00 : f32
    %broadcast_in_dim3A_3 = vector.broadcast %broadcast_in_dim3A : f32 to vector<16xf32>
    %scan3A = arith.constant 0 : i32
    %scan3A_4 = arith.constant 0 : i32
    %scan3A_5 = arith.constant 625 : i32
    %scan3A_6 = arith.addi %scan3A_4, %scan3A_5 : i32
    %scan3A_7 = arith.constant 1 : i32
    %scan3A_8 = scf.for %scan3A_26 = %scan3A_4 to %scan3A_6 step %scan3A_7 iter_args(%scan3A_27 = %scan3A) -> (i32)  : i32 {
      %mul3A_28 = arith.constant 16 : i32
      %mul3A_29 = arith.muli %scan3A_26, %mul3A_28 : i32
      %swap3A = arith.index_cast %mul3A_29 : i32 to index
      %swap3A_30 = tpu.vector_load %arg5[%swap3A] {strides = array<i32>} : memref<10000xf32, #tpu.memory_space<vmem>>, vector<16xf32>,
      tpu.vector_store %arg5[%swap3A], %broadcast_in_dim3A_3 {strides = array<i32>} : memref<10000xf32, #tpu.memory_space<vmem>>, vector<16xf32>,
      %scan3A_31 = arith.constant 0 : i32
      scf.yield %scan3A_31 : i32
    }
    %scan3A_9 = arith.constant 625 : i32
    %broadcast_in_dim3A_10 = arith.constant 1.000000e+00 : f32
    %broadcast_in_dim3A_11 = vector.broadcast %broadcast_in_dim3A_10 : f32 to vector<16xf32>
    %scan3A_12 = arith.constant 0 : i32
    %scan3A_13 = arith.constant 0 : i32
    %scan3A_14 = arith.constant 625 : i32
    %scan3A_15 = arith.addi %scan3A_13, %scan3A_14 : i32
    %scan3A_16 = arith.constant 1 : i32
    %scan3A_17 = scf.for %scan3A_26 = %scan3A_13 to %scan3A_15 step %scan3A_16 iter_args(%scan3A_27 = %scan3A_12) -> (i32)  : i32 {
      %mul3A_28 = arith.constant 16 : i32
      %mul3A_29 = arith.muli %scan3A_26, %mul3A_28 : i32
      %get3A = arith.index_cast %mul3A_29 : i32 to index
      %get3A_30 = tpu.vector_load %arg4[%get3A] {strides = array<i32>} : memref<10000xi32, #tpu.memory_space<vmem>>, vector<16xi32>,
      tpu.vector_store_idx %arg5[%get3A_30], %broadcast_in_dim3A_11 {add = true} : memref<10000xf32, #tpu.memory_space<vmem>>[vector<16xi32>], vector<16xf32>,
      %scan3A_31 = arith.constant 0 : i32
      scf.yield %scan3A_31 : i32
    }
    %scan3A_18 = arith.constant 625 : i32
    %scan3A_19 = arith.constant 0 : i32
    %scan3A_20 = arith.constant 0 : i32
    %scan3A_21 = arith.constant 10 : i32
    %scan3A_22 = arith.addi %scan3A_20, %scan3A_21 : i32
    %scan3A_23 = arith.constant 1 : i32
    %scan3A_24 = scf.for %scan3A_26 = %scan3A_20 to %scan3A_22 step %scan3A_23 iter_args(%scan3A_27 = %scan3A_19) -> (i32)  : i32 {
      %mul3A_28 = arith.constant 1000 : i32
      %mul3A_29 = arith.muli %scan3A_26, %mul3A_28 : i32
      "tpu.region"() ({
        %run_scoped3A = tpu.sem_alloc : memref<!tpu.dma_semaphore, #tpu.memory_space<semaphore_mem>>
        %dma_start3A = tpu.memref_slice %arg5[%mul3A_29] : memref<10000xf32, #tpu.memory_space<vmem>> -> memref<1000xf32, #tpu.memory_space<vmem>>
        %dma_start3A_31 = arith.constant 0 : i32
        %dma_start3A_32 = tpu.memref_slice %arg3[%scan3A_26, %add3A, %dma_start3A_31] : memref<10x32x1000xf32, #tpu.memory_space<hbm>> -> memref<1x1x1000xf32, #tpu.memory_space<hbm>>
        %dma_start3A_33 = tpu.memref_squeeze %dma_start3A_32 : memref<1x1x1000xf32, #tpu.memory_space<hbm>> -> memref<1000xf32, #tpu.memory_space<hbm>>
        %dma_start3A_34 = arith.constant 0 : i32
        %dma_start3A_35 = tpu.memref_slice %arg3[%scan3A_26, %add3A, %dma_start3A_34] : memref<10x32x1000xf32, #tpu.memory_space<hbm>> -> memref<1x1x1000xf32, #tpu.memory_space<hbm>>
        %dma_start3A_36 = tpu.memref_squeeze %dma_start3A_35 : memref<1x1x1000xf32, #tpu.memory_space<hbm>> -> memref<1000xf32, #tpu.memory_space<hbm>>
        %dma_start3A_37 = tpu.memref_slice %arg5[%mul3A_29] : memref<10000xf32, #tpu.memory_space<vmem>> -> memref<1000xf32, #tpu.memory_space<vmem>>
        tpu.enqueue_dma source(%dma_start3A_37 : memref<1000xf32, #tpu.memory_space<vmem>>) target(%dma_start3A_36 : memref<1000xf32, #tpu.memory_space<hbm>>) target_semaphore(%run_scoped3A : memref<!tpu.dma_semaphore, #tpu.memory_space<semaphore_mem>>)
        %dma_wait3A = tpu.memref_slice %arg5[%mul3A_29] : memref<10000xf32, #tpu.memory_space<vmem>> -> memref<1000xf32, #tpu.memory_space<vmem>>
        %dma_wait3A_38 = arith.constant 0 : i32
        %dma_wait3A_39 = tpu.memref_slice %arg3[%scan3A_26, %add3A, %dma_wait3A_38] : memref<10x32x1000xf32, #tpu.memory_space<hbm>> -> memref<1x1x1000xf32, #tpu.memory_space<hbm>>
        %dma_wait3A_40 = tpu.memref_squeeze %dma_wait3A_39 : memref<1x1x1000xf32, #tpu.memory_space<hbm>> -> memref<1000xf32, #tpu.memory_space<hbm>>
        %dma_wait3A_41 = arith.constant 0 : i32
        %dma_wait3A_42 = tpu.memref_slice %arg3[%scan3A_26, %add3A, %dma_wait3A_41] : memref<10x32x1000xf32, #tpu.memory_space<hbm>> -> memref<1x1x1000xf32, #tpu.memory_space<hbm>>
        %dma_wait3A_43 = tpu.memref_squeeze %dma_wait3A_42 : memref<1x1x1000xf32, #tpu.memory_space<hbm>> -> memref<1000xf32, #tpu.memory_space<hbm>>
        %dma_wait3A_44 = tpu.memref_slice %arg5[%mul3A_29] : memref<10000xf32, #tpu.memory_space<vmem>> -> memref<1000xf32, #tpu.memory_space<vmem>>
        tpu.wait_dma2 semaphore(%run_scoped3A : memref<!tpu.dma_semaphore, #tpu.memory_space<semaphore_mem>>) src(%dma_wait3A_44 : memref<1000xf32, #tpu.memory_space<vmem>>) dst(%dma_wait3A_43 : memref<1000xf32, #tpu.memory_space<hbm>>)
        tpu.yield
      }) : () -> ()
      %scan3A_30 = arith.constant 0 : i32
      scf.yield %scan3A_30 : i32
    }
    %scan3A_25 = arith.constant 10 : i32
    return
  }
}

module attributes {stable_mosaic.version = 14 : i64} {
  func.func @_pre_body(%arg0: i32, %arg1: memref<1000x128xf32, #tpu.memory_space<vmem>>, %arg2: memref<128x128xf32, #tpu.memory_space<vmem>>, %arg3: memref<1x32x1000xf32, #tpu.memory_space<vmem>>, %arg4: memref<1000x128xf32, #tpu.memory_space<vmem>>) attributes {dimension_semantics = [#tpu.dimension_semantics<arbitrary>], iteration_bounds = array<i64: 10>, scalar_prefetch = 0 : i64, scratch_operands = 0 : i64, tpu.core_type = #tpu.core_type<tc>, window_params = [{transform_indices = @transform_0, window_bounds = array<i64: 1000, 128>}, {pipeline_mode = #tpu.pipeline_mode<synchronous>, transform_indices = @transform_1, window_bounds = array<i64: 128, 128>}, {transform_indices = @transform_2, window_bounds = array<i64: 1, 32, 1000>}, {transform_indices = @transform_3, window_bounds = array<i64: 1000, 128>}]} {
    %get3A = arith.constant 0 : index
    %get3A_0 = arith.constant 0 : index
    %get3A_1 = vector.load %arg1[%get3A, %get3A_0] : memref<1000x128xf32, #tpu.memory_space<vmem>>, vector<1000x128xf32>
    %get3A_2 = arith.constant 0 : index
    %get3A_3 = arith.constant 0 : index
    %get3A_4 = vector.load %arg2[%get3A_2, %get3A_3] : memref<128x128xf32, #tpu.memory_space<vmem>>, vector<128x128xf32>
    %dot_general3A = arith.constant dense<0.000000e+00> : vector<1000x128xf32>
    %dot_general3A_5 = tpu.matmul %get3A_1, %get3A_4, %dot_general3A {dimension_numbers = #tpu.dot_dimension_numbers<[1], [0], [0], [1], [0, 0, 1, 1], [], []>, transpose_lhs_hint = false} : vector<1000x128xf32>, vector<128x128xf32>, vector<1000x128xf32> -> vector<1000x128xf32>
    %get3A_6 = arith.constant 0 : index
    %get3A_7 = arith.constant 0 : index
    %get3A_8 = arith.constant 0 : index
    %get3A_9 = vector.load %arg3[%get3A_6, %get3A_7, %get3A_8] : memref<1x32x1000xf32, #tpu.memory_space<vmem>>, vector<1x32x1000xf32>
    %get3A_10 = vector.shape_cast %get3A_9 : vector<1x32x1000xf32> to vector<32x1000xf32>
    %reduce_sum3A = arith.constant dense<0.000000e+00> : vector<1000xf32>
    %reduce_sum3A_11 = vector.multi_reduction <add>, %get3A_10, %reduce_sum3A [0] : vector<32x1000xf32> to vector<1000xf32>
    %add3A = arith.constant 1.000000e+00 : f32
    %add3A_12 = vector.broadcast %add3A : f32 to vector<1000xf32>
    %add3A_13 = arith.addf %reduce_sum3A_11, %add3A_12 : vector<1000xf32>
    %rsqrt3A = math.rsqrt %add3A_13 : vector<1000xf32>
    %broadcast_in_dim3A = vector.shape_cast %rsqrt3A : vector<1000xf32> to vector<1000x1xf32>
    %mul3A = vector.broadcast %broadcast_in_dim3A : vector<1000x1xf32> to vector<1000x128xf32>
    %mul3A_14 = arith.mulf %dot_general3A_5, %mul3A : vector<1000x128xf32>
    %swap3A = arith.constant 0 : index
    %swap3A_15 = arith.constant 0 : index
    %swap3A_16 = vector.load %arg4[%swap3A, %swap3A_15] : memref<1000x128xf32, #tpu.memory_space<vmem>>, vector<1000x128xf32>
    tpu.vector_store %arg4[%swap3A, %swap3A_15], %mul3A_14 {strides = array<i32>} : memref<1000x128xf32, #tpu.memory_space<vmem>>, vector<1000x128xf32>,
    return
  }
  func.func @transform_0(%arg0: i32) -> (i32, i32) {
    %c0_i32 = arith.constant 0 : i32
    %c0_i32_0 = arith.constant 0 : i32
    return %arg0, %c0_i32 : i32, i32
  }
  func.func @transform_1(%arg0: i32) -> (i32, i32) {
    %c0_i32 = arith.constant 0 : i32
    %c0_i32_0 = arith.constant 0 : i32
    %c0_i32_1 = arith.constant 0 : i32
    return %c0_i32, %c0_i32_0 : i32, i32
  }
  func.func @transform_2(%arg0: i32) -> (i32, i32, i32) {
    %c0_i32 = arith.constant 0 : i32
    %c0_i32_0 = arith.constant 0 : i32
    %c0_i32_1 = arith.constant 0 : i32
    return %arg0, %c0_i32, %c0_i32_0 : i32, i32, i32
  }
  func.func @transform_3(%arg0: i32) -> (i32, i32) {
    %c0_i32 = arith.constant 0 : i32
    %c0_i32_0 = arith.constant 0 : i32
    return %arg0, %c0_i32 : i32, i32
  }
}

module attributes {stable_mosaic.version = 14 : i64} {
  func.func @_mid_body(%arg0: i32, %arg1: memref<2x1000x128xf32, #tpu.memory_space<vmem>>, %arg2: memref<1000x128xf32, #tpu.memory_space<vmem>>, %arg3: memref<1x32x1000xf32, #tpu.memory_space<vmem>>, %arg4: memref<1x128xf32, #tpu.memory_space<vmem>>, %arg5: memref<128x48xf32, #tpu.memory_space<vmem>>, %arg6: memref<1000x48xf32, #tpu.memory_space<vmem>>) attributes {dimension_semantics = [#tpu.dimension_semantics<arbitrary>], iteration_bounds = array<i64: 10>, scalar_prefetch = 0 : i64, scratch_operands = 0 : i64, tpu.core_type = #tpu.core_type<tc>, window_params = [{transform_indices = @transform_0, window_bounds = array<i64: 2, 1000, 128>}, {transform_indices = @transform_1, window_bounds = array<i64: 1000, 128>}, {transform_indices = @transform_2, window_bounds = array<i64: 1, 32, 1000>}, {pipeline_mode = #tpu.pipeline_mode<synchronous>, transform_indices = @transform_3, window_bounds = array<i64: 1, 128>}, {pipeline_mode = #tpu.pipeline_mode<synchronous>, transform_indices = @transform_4, window_bounds = array<i64: 128, 48>}, {transform_indices = @transform_5, window_bounds = array<i64: 1000, 48>}]} {
    %get3A = arith.constant 0 : index
    %get3A_0 = arith.constant 0 : index
    %get3A_1 = arith.constant 0 : index
    %get3A_2 = vector.load %arg3[%get3A, %get3A_0, %get3A_1] : memref<1x32x1000xf32, #tpu.memory_space<vmem>>, vector<1x32x1000xf32>
    %get3A_3 = vector.shape_cast %get3A_2 : vector<1x32x1000xf32> to vector<32x1000xf32>
    %reduce_sum3A = arith.constant dense<0.000000e+00> : vector<1000xf32>
    %reduce_sum3A_4 = vector.multi_reduction <add>, %get3A_3, %reduce_sum3A [0] : vector<32x1000xf32> to vector<1000xf32>
    %add3A = arith.constant 1.000000e+00 : f32
    %add3A_5 = vector.broadcast %add3A : f32 to vector<1000xf32>
    %add3A_6 = arith.addf %reduce_sum3A_4, %add3A_5 : vector<1000xf32>
    %rsqrt3A = math.rsqrt %add3A_6 : vector<1000xf32>
    %broadcast_in_dim3A = vector.shape_cast %rsqrt3A : vector<1000xf32> to vector<1000x1xf32>
    %get3A_7 = arith.constant 0 : index
    %get3A_8 = arith.constant 0 : index
    %get3A_9 = arith.constant 0 : index
    %get3A_10 = vector.load %arg1[%get3A_7, %get3A_8, %get3A_9] : memref<2x1000x128xf32, #tpu.memory_space<vmem>>, vector<1x1000x128xf32>
    %get3A_11 = vector.shape_cast %get3A_10 : vector<1x1000x128xf32> to vector<1000x128xf32>
    %get3A_12 = arith.constant 1 : index
    %get3A_13 = arith.constant 0 : index
    %get3A_14 = arith.constant 0 : index
    %get3A_15 = vector.load %arg1[%get3A_12, %get3A_13, %get3A_14] : memref<2x1000x128xf32, #tpu.memory_space<vmem>>, vector<1x1000x128xf32>
    %get3A_16 = vector.shape_cast %get3A_15 : vector<1x1000x128xf32> to vector<1000x128xf32>
    %add3A_17 = arith.addf %get3A_11, %get3A_16 : vector<1000x128xf32>
    %get3A_18 = arith.constant 0 : index
    %get3A_19 = arith.constant 0 : index
    %get3A_20 = vector.load %arg2[%get3A_18, %get3A_19] : memref<1000x128xf32, #tpu.memory_space<vmem>>, vector<1000x128xf32>
    %add3A_21 = arith.addf %add3A_17, %get3A_20 : vector<1000x128xf32>
    %mul3A = vector.broadcast %broadcast_in_dim3A : vector<1000x1xf32> to vector<1000x128xf32>
    %mul3A_22 = arith.mulf %add3A_21, %mul3A : vector<1000x128xf32>
    %get3A_23 = arith.constant 0 : index
    %get3A_24 = arith.constant 0 : index
    %get3A_25 = vector.load %arg4[%get3A_23, %get3A_24] : memref<1x128xf32, #tpu.memory_space<vmem>>, vector<1x128xf32>
    %add3A_26 = vector.broadcast %get3A_25 : vector<1x128xf32> to vector<1000x128xf32>
    %add3A_27 = arith.addf %mul3A_22, %add3A_26 : vector<1000x128xf32>
    %max3A = arith.constant 0.000000e+00 : f32
    %max3A_28 = vector.broadcast %max3A : f32 to vector<1000x128xf32>
    %max3A_29 = arith.maximumf %add3A_27, %max3A_28 : vector<1000x128xf32>
    %get3A_30 = arith.constant 0 : index
    %get3A_31 = arith.constant 0 : index
    %get3A_32 = vector.load %arg5[%get3A_30, %get3A_31] : memref<128x48xf32, #tpu.memory_space<vmem>>, vector<128x48xf32>
    %dot_general3A = arith.constant dense<0.000000e+00> : vector<1000x48xf32>
    %dot_general3A_33 = tpu.matmul %max3A_29, %get3A_32, %dot_general3A {dimension_numbers = #tpu.dot_dimension_numbers<[1], [0], [0], [1], [0, 0, 1, 1], [], []>, transpose_lhs_hint = false} : vector<1000x128xf32>, vector<128x48xf32>, vector<1000x48xf32> -> vector<1000x48xf32>
    %mul3A_34 = vector.broadcast %broadcast_in_dim3A : vector<1000x1xf32> to vector<1000x48xf32>
    %mul3A_35 = arith.mulf %dot_general3A_33, %mul3A_34 : vector<1000x48xf32>
    %swap3A = arith.constant 0 : index
    %swap3A_36 = arith.constant 0 : index
    %swap3A_37 = vector.load %arg6[%swap3A, %swap3A_36] : memref<1000x48xf32, #tpu.memory_space<vmem>>, vector<1000x48xf32>
    tpu.vector_store %arg6[%swap3A, %swap3A_36], %mul3A_35 {strides = array<i32>} : memref<1000x48xf32, #tpu.memory_space<vmem>>, vector<1000x48xf32>,
    return
  }
  func.func @transform_0(%arg0: i32) -> (i32, i32, i32) {
    %c0_i32 = arith.constant 0 : i32
    %c0_i32_0 = arith.constant 0 : i32
    %c0_i32_1 = arith.constant 0 : i32
    return %c0_i32, %arg0, %c0_i32_0 : i32, i32, i32
  }
  func.func @transform_1(%arg0: i32) -> (i32, i32) {
    %c0_i32 = arith.constant 0 : i32
    %c0_i32_0 = arith.constant 0 : i32
    return %arg0, %c0_i32 : i32, i32
  }
  func.func @transform_2(%arg0: i32) -> (i32, i32, i32) {
    %c0_i32 = arith.constant 0 : i32
    %c0_i32_0 = arith.constant 0 : i32
    %c0_i32_1 = arith.constant 0 : i32
    return %arg0, %c0_i32, %c0_i32_0 : i32, i32, i32
  }
  func.func @transform_3(%arg0: i32) -> (i32, i32) {
    %c0_i32 = arith.constant 0 : i32
    %c0_i32_0 = arith.constant 0 : i32
    %c0_i32_1 = arith.constant 0 : i32
    return %c0_i32, %c0_i32_0 : i32, i32
  }
  func.func @transform_4(%arg0: i32) -> (i32, i32) {
    %c0_i32 = arith.constant 0 : i32
    %c0_i32_0 = arith.constant 0 : i32
    %c0_i32_1 = arith.constant 0 : i32
    return %c0_i32, %c0_i32_0 : i32, i32
  }
  func.func @transform_5(%arg0: i32) -> (i32, i32) {
    %c0_i32 = arith.constant 0 : i32
    %c0_i32_0 = arith.constant 0 : i32
    return %arg0, %c0_i32 : i32, i32
  }
}

module attributes {stable_mosaic.version = 14 : i64} {
  func.func @_post_body(%arg0: i32, %arg1: memref<2x1000x48xf32, #tpu.memory_space<vmem>>, %arg2: memref<1000x48xf32, #tpu.memory_space<vmem>>, %arg3: memref<1x32x1000xf32, #tpu.memory_space<vmem>>, %arg4: memref<1x48xf32, #tpu.memory_space<vmem>>, %arg5: memref<1000x48xf32, #tpu.memory_space<vmem>>) attributes {dimension_semantics = [#tpu.dimension_semantics<arbitrary>], iteration_bounds = array<i64: 10>, scalar_prefetch = 0 : i64, scratch_operands = 0 : i64, tpu.core_type = #tpu.core_type<tc>, window_params = [{transform_indices = @transform_0, window_bounds = array<i64: 2, 1000, 48>}, {transform_indices = @transform_1, window_bounds = array<i64: 1000, 48>}, {transform_indices = @transform_2, window_bounds = array<i64: 1, 32, 1000>}, {pipeline_mode = #tpu.pipeline_mode<synchronous>, transform_indices = @transform_3, window_bounds = array<i64: 1, 48>}, {transform_indices = @transform_4, window_bounds = array<i64: 1000, 48>}]} {
    %get3A = arith.constant 0 : index
    %get3A_0 = arith.constant 0 : index
    %get3A_1 = arith.constant 0 : index
    %get3A_2 = vector.load %arg1[%get3A, %get3A_0, %get3A_1] : memref<2x1000x48xf32, #tpu.memory_space<vmem>>, vector<1x1000x48xf32>
    %get3A_3 = vector.shape_cast %get3A_2 : vector<1x1000x48xf32> to vector<1000x48xf32>
    %get3A_4 = arith.constant 1 : index
    %get3A_5 = arith.constant 0 : index
    %get3A_6 = arith.constant 0 : index
    %get3A_7 = vector.load %arg1[%get3A_4, %get3A_5, %get3A_6] : memref<2x1000x48xf32, #tpu.memory_space<vmem>>, vector<1x1000x48xf32>
    %get3A_8 = vector.shape_cast %get3A_7 : vector<1x1000x48xf32> to vector<1000x48xf32>
    %add3A = arith.addf %get3A_3, %get3A_8 : vector<1000x48xf32>
    %get3A_9 = arith.constant 0 : index
    %get3A_10 = arith.constant 0 : index
    %get3A_11 = vector.load %arg2[%get3A_9, %get3A_10] : memref<1000x48xf32, #tpu.memory_space<vmem>>, vector<1000x48xf32>
    %add3A_12 = arith.addf %add3A, %get3A_11 : vector<1000x48xf32>
    %get3A_13 = arith.constant 0 : index
    %get3A_14 = arith.constant 0 : index
    %get3A_15 = arith.constant 0 : index
    %get3A_16 = vector.load %arg3[%get3A_13, %get3A_14, %get3A_15] : memref<1x32x1000xf32, #tpu.memory_space<vmem>>, vector<1x32x1000xf32>
    %get3A_17 = vector.shape_cast %get3A_16 : vector<1x32x1000xf32> to vector<32x1000xf32>
    %reduce_sum3A = arith.constant dense<0.000000e+00> : vector<1000xf32>
    %reduce_sum3A_18 = vector.multi_reduction <add>, %get3A_17, %reduce_sum3A [0] : vector<32x1000xf32> to vector<1000xf32>
    %add3A_19 = arith.constant 1.000000e+00 : f32
    %add3A_20 = vector.broadcast %add3A_19 : f32 to vector<1000xf32>
    %add3A_21 = arith.addf %reduce_sum3A_18, %add3A_20 : vector<1000xf32>
    %rsqrt3A = math.rsqrt %add3A_21 : vector<1000xf32>
    %broadcast_in_dim3A = vector.shape_cast %rsqrt3A : vector<1000xf32> to vector<1000x1xf32>
    %mul3A = vector.broadcast %broadcast_in_dim3A : vector<1000x1xf32> to vector<1000x48xf32>
    %mul3A_22 = arith.mulf %add3A_12, %mul3A : vector<1000x48xf32>
    %get3A_23 = arith.constant 0 : index
    %get3A_24 = arith.constant 0 : index
    %get3A_25 = vector.load %arg4[%get3A_23, %get3A_24] : memref<1x48xf32, #tpu.memory_space<vmem>>, vector<1x48xf32>
    %add3A_26 = vector.broadcast %get3A_25 : vector<1x48xf32> to vector<1000x48xf32>
    %add3A_27 = arith.addf %mul3A_22, %add3A_26 : vector<1000x48xf32>
    %swap3A = arith.constant 0 : index
    %swap3A_28 = arith.constant 0 : index
    %swap3A_29 = vector.load %arg5[%swap3A, %swap3A_28] : memref<1000x48xf32, #tpu.memory_space<vmem>>, vector<1000x48xf32>
    tpu.vector_store %arg5[%swap3A, %swap3A_28], %add3A_27 {strides = array<i32>} : memref<1000x48xf32, #tpu.memory_space<vmem>>, vector<1000x48xf32>,
    return
  }
  func.func @transform_0(%arg0: i32) -> (i32, i32, i32) {
    %c0_i32 = arith.constant 0 : i32
    %c0_i32_0 = arith.constant 0 : i32
    %c0_i32_1 = arith.constant 0 : i32
    return %c0_i32, %arg0, %c0_i32_0 : i32, i32, i32
  }
  func.func @transform_1(%arg0: i32) -> (i32, i32) {
    %c0_i32 = arith.constant 0 : i32
    %c0_i32_0 = arith.constant 0 : i32
    return %arg0, %c0_i32 : i32, i32
  }
  func.func @transform_2(%arg0: i32) -> (i32, i32, i32) {
    %c0_i32 = arith.constant 0 : i32
    %c0_i32_0 = arith.constant 0 : i32
    %c0_i32_1 = arith.constant 0 : i32
    return %arg0, %c0_i32, %c0_i32_0 : i32, i32, i32
  }
  func.func @transform_3(%arg0: i32) -> (i32, i32) {
    %c0_i32 = arith.constant 0 : i32
    %c0_i32_0 = arith.constant 0 : i32
    %c0_i32_1 = arith.constant 0 : i32
    return %c0_i32, %c0_i32_0 : i32, i32
  }
  func.func @transform_4(%arg0: i32) -> (i32, i32) {
    %c0_i32 = arith.constant 0 : i32
    %c0_i32_0 = arith.constant 0 : i32
    return %arg0, %c0_i32 : i32, i32
  }
}

</mosaic_0001>

<sc_bundles>
// kernel: kernel.11.cloned.1.call-start
scs
__scs_entry_jumppad:
0x0: {  	(pc) =	sbr.rel $0x88, $3  }
0x1: {  	(tag) =	ssettag $0x0;
	lr =	simm.s32 $0x1  }
0x2: {  	[smem:$0x3F9B] =	sst lr;
	_ =	strace $0xD0000000  }
0x3: {  	_ = 	snop  }
0x4: {  	_ = 	snop  }
0x5: {  	_ = 	snop  }
0x6: {  	_ = 	snop  }
0x7: {  	_ = 	snop  }
__scs_overlays_trampoline_lowered:
0x8: {  	[smem:$0x3FAA] =	sst s0  }
0x9: {  	[smem:$0x3FAB] =	sst s1  }
0xa: {  	[smem:$0x3FAC] =	sst s2  }
0xb: {  	[smem:$0x3FAD] =	sst s3  }
0xc: {  	[smem:$0x3FAE] =	sst s4  }
0xd: {  	[smem:$0x3FAF] =	sst s5  }
0xe: {  	[smem:$0x3FB0] =	sst s6  }
0xf: {  	[smem:$0x3FB1] =	sst s7  }
0x10: {  	[smem:$0x3FB2] =	sst s8  }
0x11: {  	[smem:$0x3FB3] =	sst s9;
	s0 =	simm.s32 @!p0 $0x0  }
0x12: {  	s1 =	sld [smem:$0x3F99];
	s0 =	simm.s32 @p0 $0x1  }
0x13: {  	[smem:$0x3FB4] =	sst s0;
	s0 =	simm.s32 @!p1 $0x0  }
0x14: {  	s2 =	sld [smem:$0x3F98];
	s0 =	simm.s32 @p1 $0x1  }
0x15: {  	[smem:$0x3FB5] =	sst s0;
	s0 =	simm.s32 @!p2 $0x0  }
0x16: {  	s3 =	sld [smem:$0x3FDB];
	s0 =	simm.s32 @p2 $0x1  }
0x17: {  	s4 =	simm.s32 $0x1BF5;
	[smem:$0x3FB7] =	sst s0  }
0x18: {  	s0 =	sld [smem:$0x3F9A];
	_ =	swait.ge [sflag:s4], $0x0  }
0x19: {  	s7 =	sld [smem:$0x3F9B]  }
0x1a: {  	s8 =	sadd.s32 $0xFFFFE003, lr  }
0x1b: {  	s9 =	sadd.s32 $0xFFFFFEF7, lr;
	s5 =	simm.s32 $0xFFFFFFFF;
	p2 =	slt.u32 s8, $0xFFFFF086  }
0x1c: {  	p1 =	slt.u32 s9, $0xF7A;
	s5 =	simm.s32 @!p2 $0x0  }
0x1d: {  	s5 =	simm.s32 @p1 $0x1;
	p0 =	seq.s32 s7, s2  }
0x1e: {  	s7 =	smul.u32 @!p0 $0xF7A, s2;
	p2 =	seq.s32 @!p0 s5, $0x0  }
0x1f: {  	s9 =	smul.u32 $0xF7A, s1;
	s8 =	simm.s32 @!p0 $0x1BF5;
	p2 =	por !p2, p0  }
0x20: {  	[sflag:s8] =	ssyncset.s32 @!p0 $0xFFFFF086;
	s6 =	sadd.s32 @!p0 s3, s7;
	s7 =	simm.s32 @!p0 $0x108  }
0x21: {  	s3 =	sadd.s32 s3, s9;
	s6 =	sadd.s32 @!p0 $0x88, s6;
	s7 =	simm.s32 @p2 $0x1082  }
0x22: {  	[simem:s7], [sflag:s8] =	dma.local @!p0 [hbm:s6], $0xF7A  }
0x23: {  	s9 =	sor.u32 $0xD0000000, s2;
	s6 =	simm.s32 $0x108;
	_ =	swait.ge @!p0 [sflag:s8], $0x0  }
0x24: {  	s3 =	sadd.s32 $0x88, s3;
	s6 =	simm.s32 @!p1 $0x1082;
	[sflag:s4] =	ssyncset.s32 $0xFFFFF086  }
0x25: {  	[simem:s6], [sflag:s4] =	dma.local [hbm:s3], $0xF7A  }
0x26: {  	[smem:$0x3F9B] =	sst s1;
	(tag) =	ssettag s2;
	_ =	strace s9  }
0x27: {  	s1 =	sld [smem:$0x3FAB]  }
0x28: {  	s2 =	sld [smem:$0x3FAC]  }
0x29: {  	s4 =	sld [smem:$0x3FAE]  }
0x2a: {  	p0 =	seq.s32 s5, $0x0;
	s5 =	sld [smem:$0x3FAF]  }
0x2b: {  	s6 =	sld [smem:$0x3FB0]  }
0x2c: {  	s7 =	sld [smem:$0x3FB1]  }
0x2d: {  	s3 =	simm.s32 $0x108;
	s8 =	sld [smem:$0x3FB2]  }
0x2e: {  	s3 =	simm.s32 @!p0 $0x1082;
	s9 =	sld [smem:$0x3FB3]  }
0x2f: {  	lr =	sadd.s32 s0, s3;
	s0 =	sld [smem:$0x3FAA]  }
0x30: {  	s3 =	sld [smem:$0x3FAD]  }
0x31: {  	[smem:$0x3FB6] =	sst s10  }
0x32: {  	s10 =	sld [smem:$0x3FB4];
	_ =	sdelay $0x3  }
0x33: {  	p0 =	seq.s32 s10, $0x1;
	s10 =	sld [smem:$0x3FB6];
	_ =	sdelay $0x3  }
0x34: {  	[smem:$0x3FB6] =	sst s10  }
0x35: {  	s10 =	sld [smem:$0x3FB5];
	_ =	sdelay $0x3  }
0x36: {  	p1 =	seq.s32 s10, $0x1;
	s10 =	sld [smem:$0x3FB6];
	_ =	sdelay $0x3  }
0x37: {  	[smem:$0x3FB6] =	sst s10  }
0x38: {  	s10 =	sld [smem:$0x3FB7]  }
0x39: {  	_ = 	snop;
	(pc) =	sbr.ind lr, $3  }
0x3a: {  	_ = 	snop  }
0x3b: {  	_ = 	snop  }
0x3c: {  	p2 =	seq.s32 s10, $0x1;
	s10 =	sld [smem:$0x3FB6]  }
0x3d: {  	_ =	shalt  }
0x3e: {  	_ =	shalt  }
0x3f: {  	_ =	shalt  }
0x40: {  	_ =	shalt  }
0x41: {  	_ =	shalt  }
0x42: {  	_ =	shalt  }
0x43: {  	_ =	shalt  }
0x44: {  	_ =	shalt  }
0x45: {  	_ =	shalt  }
0x46: {  	_ =	shalt  }
0x47: {  	_ =	shalt  }
0x48: {  	_ =	shalt  }
0x49: {  	_ =	shalt  }
0x4a: {  	_ =	shalt  }
0x4b: {  	_ =	shalt  }
0x4c: {  	_ =	shalt  }
0x4d: {  	_ =	shalt  }
0x4e: {  	_ =	shalt  }
0x4f: {  	_ =	shalt  }
0x50: {  	_ =	shalt  }
0x51: {  	_ =	shalt  }
0x52: {  	_ =	shalt  }
0x53: {  	_ =	shalt  }
0x54: {  	_ =	shalt  }
0x55: {  	_ =	shalt  }
0x56: {  	_ =	shalt  }
0x57: {  	_ =	shalt  }
0x58: {  	_ =	shalt  }
0x59: {  	_ =	shalt  }
0x5a: {  	_ =	shalt  }
0x5b: {  	_ =	shalt  }
0x5c: {  	_ =	shalt  }
0x5d: {  	_ =	shalt  }
0x5e: {  	_ =	shalt  }
0x5f: {  	_ =	shalt  }
0x60: {  	_ =	shalt  }
0x61: {  	_ =	shalt  }
0x62: {  	_ =	shalt  }
0x63: {  	_ =	shalt  }
0x64: {  	_ =	shalt  }
0x65: {  	_ =	shalt  }
0x66: {  	_ =	shalt  }
0x67: {  	_ =	shalt  }
0x68: {  	_ =	shalt  }
0x69: {  	_ =	shalt  }
0x6a: {  	_ =	shalt  }
0x6b: {  	_ =	shalt  }
0x6c: {  	_ =	shalt  }
0x6d: {  	_ =	shalt  }
0x6e: {  	_ =	shalt  }
0x6f: {  	_ =	shalt  }
0x70: {  	_ =	shalt  }
0x71: {  	_ =	shalt  }
0x72: {  	_ =	shalt  }
0x73: {  	_ =	shalt  }
0x74: {  	_ =	shalt  }
0x75: {  	_ =	shalt  }
0x76: {  	_ =	shalt  }
0x77: {  	_ =	shalt  }
0x78: {  	_ =	shalt  }
0x79: {  	_ =	shalt  }
0x7a: {  	_ =	shalt  }
0x7b: {  	_ =	shalt  }
0x7c: {  	_ =	shalt  }
0x7d: {  	_ =	shalt  }
0x7e: {  	_ =	shalt  }
0x7f: {  	_ =	shalt  }
0x80: {  	_ =	shalt  }
0x81: {  	_ =	shalt  }
0x82: {  	_ =	shalt  }
0x83: {  	_ =	shalt  }
0x84: {  	_ =	shalt  }
0x85: {  	_ =	shalt  }
0x86: {  	_ =	shalt  }
0x87: {  	_ =	shalt  }
.Lfunc_end0:
.L_simem_size_0:
called_computation.1_lowered:
.L_overlay_start_0:
0x88: {  	s2 =	sld [smem:$0x3FD9]  }
0x89: {  	s3 =	sld [smem:$0x3FFE];
	_ =	sdelay $0x1  }
0x8a: {  	s1 =	srdreg.scid  }
0x8b: {  	s0 =	sand.u32 $0x1, s1  }
0x8c: {  	s16 =	sshll.u32 s0, $0xA;
	s2 =	sadd.s32 s3, s2  }
0x8d: {  	s2 =	sadd.s32 s2, s16  }
0x8e: {  	[smem:$0x3FC2] =	sst s2  }
0x8f: {  	_ = 	snop  }
0x90: {  	(tm) =	ssettm $0x1  }
0x91: {  	s17 =	sld [smem:$0x3FFB];
	_ =	sdelay $0x3  }
0x92: {  	_ =	strace s17  }
0x93: {  	s2 =	sld [smem:$0x3FFC];
	_ =	sdelay $0x3  }
0x94: {  	_ =	strace s2  }
0x95: {  	s2 =	sld [smem:$0x3FFD];
	_ =	sdelay $0x3  }
0x96: {  	_ =	strace s2  }
0x97: {  	_ =	strace $0x8FFFFFFF  }
0x98: {  	s18 =	sld [smem:$0x3FDB];
	_ =	sdelay $0x1  }
0x99: {  	s19 =	simm.s32 $_scs_section_size  }
0x9a: {  	s4 =	simm.s32 $_size__tile_overlayer_lowered;
	s5 =	simm.s32 $_tile_overlayer_lowered  }
0x9b: {  	s22 =	simm.s32 $0x1BFF;
	s21 =	sshll.u32 s5, $0x1;
	s2 =	sadd.s32 s19, s18  }
0x9c: {  	s6 =	simm.s32 $0x0;
	s20 =	sshll.u32 s4, $0x1;
	s4 =	sadd.s32 s21, s2  }
0x9d: {  	[timem:s6], [sflag:s22] =	dma.local [hbm:s4], s20  }
0x9e: {  	_ =	swait.ge [sflag:s22], s20  }
0x9f: {  	s3 =	ssub.s32 $0x0, s20;
	[sflag:s22] =	ssyncset.done $0x0  }
0xa0: {  	[sflag:s22] =	ssyncadd.s32 s3;
	_ =	sdelay $0x1  }
0xa1: {  	s23 =	simm.s32 $0x1B8B  }
0xa2: {  	_ =	swait.ge [sflag:s23], $0x1  }
0xa3: {  	[sflag:s23] =	ssyncset.done $0x0  }
0xa4: {  	s25 =	simm.s32 $0x1B8E;
	s24 =	sld [smem:$0x3FFE];
	[sflag:s23] =	ssyncadd.s32 $0xFFFFFFFF  }
0xa5: {  	s26 =	simm.s32 $execute0_lowered;
	[smem:$0x3FD2] =	sst s25  }
0xa6: {  	s4 =	sshll.u32 s26, $0x1;
	_ =	strace $0x80000049;
	[dreg:$0x1] =	wrdreg $0xFFFFFFFF  }
0xa7: {  	s28 =	simm.s32 $_size_execute0_lowered;
	s2 =	sadd.s32 s2, s4;
	[dreg:$0x0] =	wrdreg $0x0  }
0xa8: {  	s4 =	sshll.u32 s28, $0x1;
	[dreg:$0x2] =	wrdreg s2  }
0xa9: {  	[dreg:$0x3] =	wrdreg s4  }
0xaa: {  	[dreg:$0x4] =	wrdreg $0xC0  }
0xab: {  	_ =	task [dreg:s6], $0x5FFFF  }
0xac: {  	[dreg:$0x1] =	wrdreg $0xFFFFFFFF  }
0xad: {  	[dreg:$0x0] =	wrdreg $0x60  }
0xae: {  	[dreg:$0x2] =	wrdreg s24  }
0xaf: {  	[dreg:$0x3] =	wrdreg $0xA9300  }
0xb0: {  	[dreg:$0x4] =	wrdreg $0x9  }
0xb1: {  	_ =	task.clear_ibuf [dreg:s6], $0x5FFFF;
	_ =	strace $0x90000049  }
0xb2: {  	s29 =	simm.s32 $0x9;
	_ =	strace $0x8000004B  }
0xb3: {  	_ =	swait.ge [sflag:s29], $0x1  }
0xb4: {  	[sflag:s29] =	ssyncadd.s32 $0xFFFFFFFF  }
0xb5: {  	_ =	strace $0x9000004B  }
0xb6: {  	_ =	sfence  }
0xb7: {  	s30 =	sld [smem:$0x0];
	_ =	sdelay $0x2  }
0xb8: {  	s31 =	sshll.u32 s1, $0xD;
	s1 =	sshrl.u32 s1, $0x2  }
0xb9: {  	s3 =	sand.u32 $0x4000, s31;
	s1 =	sadd.s32 s1, s30  }
0xba: {  	s0 =	sor.u32 s3, s0;
	s1 =	sshll.u32 s1, $0x11  }
0xbb: {  	s0 =	sor.u32 s1, s0  }
0xbc: {  	s0 =	sadd.s32 $0x8F2B, s0  }
0xbd: {  	[sflag:s0] =	ssyncadd.remote.s32 $0x1  }
0xbe: {  	_ =	sfence.sel $0xFFFF  }
0xbf: {  	[dreg:$0x0] =	wrdreg $0xFFFFFFFF;
	(pc) =	sbr.abs _section_cstart, $3  }
0xc0: {  	[dreg:$0x1] =	wrdreg $0xFFFFFFFF  }
0xc1: {  	_ =	task.clear_ibuf [dreg:s6], $0x2FFFF;
	_ =	strace $0x9FFFFFFF  }
0xc2: {  	(tm) =	ssettm $0x7FFFFFFF  }
0xc3: {  	_ =	shalt  }
tec
execute0_lowered:
.L_overlay_start_1:
0x0: {  	(tag) =	ssettag $0x1  }
0x1: {  	s0 =	srdreg.scid  }
0x2: {  	s9 =	stileid.u32;
	s1 =	rddreg [dreg:$0x0]  }
0x3: {  	s2 =	rddreg [dreg:$0x1];
	s4 =	simm.s32 $0x0;
	s19 =	simm.s32 $0x2930  }
0x4: {  	s20 =	simm.s32 $0x9;
	s28 =	simm.s32 $0x2790;
	s29 =	simm.s32 $0x6930  }
0x5: {  	s30 =	simm.s32 $0x1;
	s31 =	simm.s32 $0x2810;
	s10 =	simm.s32 $0x0  }
0x6: {  	s0 =	sand.u32 $0x1, s0;
	s3 =	sshll.u32 s9, $0x1;
	s7 =	smul.u32 $0x13880, s9  }
0x7: {  	[smem:$0x7FF] =	sst s4;
	s4 =	sadd.s32 $0x15C00, s1;
	s12 =	smul.u32 $0x4E200, s9  }
0x8: {  	s9 =	simm.s32 $0x10;
	s3 =	sor.u32 s0, s3;
	s6 =	smul.u32 $0x138800, s0  }
0x9: {  	_ =	strace $0x8000004A;
	s0 =	ssub.s32 $0x2, s0;
	s5 =	smul.u32 $0x4E0, s3  }
0xa: {  	s3 =	sshll.u32 s3, $0x1;
	s13 =	sshrl.u32 s0, $0x1;
	s16 =	sadd.s32 s7, s2  }
0xb: {  	s3 =	sadd.s32 s3, s1;
	s6 =	sadd.s32 s7, s6;
	s0 =	ssub.s32 s0, s13  }
0xc: {  	s8 =	sadd.s32 s5, s1;
	s6 =	sshrl.u32 s6, $0x3;
	s3 =	sadd.s32 $0x15A00, s3  }
0xd: {  	s5 =	sshrl.u32 s12, $0x2;
	s0 =	smax.u32 s0, $0x1;
	[dreg:$0x5] =	wrdreg s3  }
0xe: {  	s5 =	sadd.s32 s5, s2;
	s15 =	sadd.s32 $0xBE00, s8;
	[dreg:$0x7] =	wrdreg s0  }
0xf: {  	s1 =	sadd.s32 s6, s1;
	s14 =	sadd.s32 $0x12000, s5;
	[dreg:$0x4] =	wrdreg s15  }
0x10: {  	s7 =	simm.s32 $0x7;
	s1 =	sadd.s32 $0x3CE00, s1;
	[dreg:$0x3] =	wrdreg s14  }
0x11: {  	s0 =	simm.s32 $0x8930;
	s21 =	sadd.s32 $0x2000, s5;
	[dreg:$0x6] =	wrdreg s1  }
0x12: {  	s3 =	simm.s32 $0x4;
	s22 =	sadd.s32 $0x4000, s5;
	[dreg:$0x8] =	wrdreg s21  }
0x13: {  	s6 =	simm.s32 $0x28D0;
	s23 =	sadd.s32 $0x6000, s5;
	[dreg:$0x9] =	wrdreg s22  }
0x14: {  	s8 =	simm.s32 $0x8;
	s24 =	sadd.s32 $0x8000, s5;
	[dreg:$0xa] =	wrdreg s23  }
.Ltmp0:
0x15: {  	s25 =	sadd.s32 $0xA000, s5;
	[dreg:$0xb] =	wrdreg s24;
	(pc) =	sbr.rel .LBB2_1-.Ltmp0, $4  }
0x16: {  	s26 =	sadd.s32 $0xC000, s5;
	s17 =	sadd.s32 $0xE000, s5;
	[dreg:$0xc] =	wrdreg s25  }
0x17: {  	s18 =	sadd.s32 $0x10000, s5;
	[dreg:$0xd] =	wrdreg s26;
	s22 =	simm.s32 $0x40  }
0x18: {  	s25 =	sshrl.u32 s16, $0x3;
	s26 =	simm.s32 $0x4930;
	s1 =	simm.s32 $0x27D0  }
0x19: {  	v0 =	vimm.f32 $0.0e+00;
	s21 =	simm.s32 $0x2;
	s23 =	simm.s32 $0x2850;
	s24 =	simm.s32 $0x5  }
.LBB2_6:
0x1a: {  	_ =	swait.ge [sflag:s8], $0x2000  }
0x1b: {  	[sflag:s8] =	ssyncset.done $0x0  }
0x1c: {  	[sflag:s8] =	ssyncadd.s32 $0xFFFFE000  }
0x1d: {  	v1 =	vld [tilespmem:$0x2700];
	_ =	sdelay $0x4  }
0x1e: {  	v2 =	vand.u32 $0xFFFF, v1  }
0x1f: {  	v1 =	vshrl.u32 v1, $0x10;
	[tilespmem:$0x2910] =	vst v2  }
0x20: {  	s11 =	simm.s32 $0x2910;
	[tilespmem:$0x2920] =	vst v1  }
0x21: {  	[tilespmem:s19], [sflag:$0x1] =	stream.indirect.gather [hbm4b:s4+s9], $0x80, s11, s9, $0xb8;
	[tilespmem:$0x1E1B0] =	vst v63  }
0x22: {  	_ =	swait.ge [sflag:s30], $0x800  }
0x23: {  	[sflag:s30] =	ssyncset.done $0x0  }
0x24: {  	s14 =	simm.s32 $0x2920;
	[sflag:s30] =	ssyncadd.s32 $0xFFFFF800  }
0x25: {  	[spmem:s2] =	stream.indirect.scatter.add.f32 [tilespmem:s19], [sflag:$0x5], $0x80, s14, s9, $0xb8;
	[tilespmem:$0x1E1B0] =	vst v63  }
0x26: {  	_ =	swait.ge [sflag:s24], $0x800  }
0x27: {  	[sflag:s24] =	ssyncset.done $0x0  }
0x28: {  	s15 =	stileid.u32;
	[sflag:s24] =	ssyncadd.s32 $0xFFFFF800  }
0x29: {  	s11 =	sshll.u32 s15, $0x6;
	[bflag:$0x0] =	sbarrier.arrive $0xFFFF  }
0x2a: {  	s11 =	sor.u32 $0x1C09, s11;
	s12 =	rddreg [dreg:$0x6]  }
0x2b: {  	[hbm:s12], [sflag:s11] =	dma.local [spmem:s25], $0x2710  }
0x2c: {  	_ =	swait.ge [sflag:s20], $0x2710  }
0x2d: {  	s10 =	sadd.s32 $0x1, s10;
	s16 =	rddreg [dreg:$0x7]  }
0x2e: {  	p0 =	sne.s32 s10, s16  }
.Ltmp1:
0x2f: {  	_ = 	snop;
	(pc) =	sbr.rel @!p0 .LBB2_7-.Ltmp1, $3  }
0x30: {  	_ =	sdelay $0x1  }
0x31: {  	[sflag:s20] =	ssyncset.done $0x0  }
0x32: {  	[sflag:s20] =	ssyncadd.s32 $0xFFFFD8F0  }
.LBB2_1:
0x33: {  	s12 =	simm.s32 $0x0  }
0x34: {  	s11 =	sand.u32 $0x7E00, s12  }
0x35: {  	s12 =	sand.u32 $0x70, s12;
	s13 =	sshrl.u32 s11, $0x2  }
0x36: {  	s11 =	simm.s32 $0x40;
	s13 =	sor.u32 s12, s13;
	s12 =	simm.s32 $0x0  }
.LBB2_2:
0x37: {  	p0 =	sne.s32 s11, $0x7FC0  }
0x38: {  	[tilespmem:s13+$0x2930] =	vst v0;
	s12 =	sadd.s32 $0x10, s12;
	s13 =	smov.u32 s11;
	s11 =	sadd.s32 $0x40, s11  }
.Ltmp2:
0x39: {  	(pc) =	sbr.rel @p0 .LBB2_2-.Ltmp2, $4  }
0x3a: {  	_ = 	snop  }
0x3b: {  	s13 =	sand.u32 $0x7E00, s13  }
0x3c: {  	s14 =	sand.u32 $0x70, s12;
	s13 =	sshrl.u32 s13, $0x2  }
0x3d: {  	s13 =	sor.u32 s14, s13  }
0x3e: {  	[tilespmem:s13+$0x2930] =	vst v0  }
0x3f: {  	[spmem:s5] =	stream.linear.scatter [tilespmem:s19], [sflag:$0x9], $0x2000, $0x38;
	[tilespmem:$0x1E1B0] =	vst v63  }
0x40: {  	_ =	swait.ge [sflag:s20], $0x2000  }
0x41: {  	[sflag:s20] =	ssyncset.done $0x0  }
0x42: {  	s11 =	rddreg [dreg:$0x8];
	[sflag:s20] =	ssyncadd.s32 $0xFFFFE000  }
0x43: {  	[spmem:s11] =	stream.linear.scatter [tilespmem:s19], [sflag:$0x9], $0x2000, $0x38;
	[tilespmem:$0x1E1B0] =	vst v63  }
0x44: {  	_ =	swait.ge [sflag:s20], $0x2000  }
0x45: {  	[sflag:s20] =	ssyncset.done $0x0  }
0x46: {  	s12 =	rddreg [dreg:$0x9];
	[sflag:s20] =	ssyncadd.s32 $0xFFFFE000  }
0x47: {  	[spmem:s12] =	stream.linear.scatter [tilespmem:s19], [sflag:$0x9], $0x2000, $0x38;
	[tilespmem:$0x1E1B0] =	vst v63  }
0x48: {  	_ =	swait.ge [sflag:s20], $0x2000  }
0x49: {  	[sflag:s20] =	ssyncset.done $0x0  }
0x4a: {  	s13 =	rddreg [dreg:$0xa];
	[sflag:s20] =	ssyncadd.s32 $0xFFFFE000  }
0x4b: {  	[spmem:s13] =	stream.linear.scatter [tilespmem:s19], [sflag:$0x9], $0x2000, $0x38;
	[tilespmem:$0x1E1B0] =	vst v63  }
0x4c: {  	_ =	swait.ge [sflag:s20], $0x2000  }
0x4d: {  	[sflag:s20] =	ssyncset.done $0x0  }
0x4e: {  	s14 =	rddreg [dreg:$0xb];
	[sflag:s20] =	ssyncadd.s32 $0xFFFFE000  }
0x4f: {  	[spmem:s14] =	stream.linear.scatter [tilespmem:s19], [sflag:$0x9], $0x2000, $0x38;
	[tilespmem:$0x1E1B0] =	vst v63  }
0x50: {  	_ =	swait.ge [sflag:s20], $0x2000  }
0x51: {  	[sflag:s20] =	ssyncset.done $0x0  }
0x52: {  	s15 =	rddreg [dreg:$0xc];
	[sflag:s20] =	ssyncadd.s32 $0xFFFFE000  }
0x53: {  	[spmem:s15] =	stream.linear.scatter [tilespmem:s19], [sflag:$0x9], $0x2000, $0x38;
	[tilespmem:$0x1E1B0] =	vst v63  }
0x54: {  	_ =	swait.ge [sflag:s20], $0x2000  }
0x55: {  	[sflag:s20] =	ssyncset.done $0x0  }
0x56: {  	s16 =	rddreg [dreg:$0xd];
	[sflag:s20] =	ssyncadd.s32 $0xFFFFE000  }
0x57: {  	[spmem:s16] =	stream.linear.scatter [tilespmem:s19], [sflag:$0x9], $0x2000, $0x38;
	[tilespmem:$0x1E1B0] =	vst v63  }
0x58: {  	_ =	swait.ge [sflag:s20], $0x2000  }
0x59: {  	[sflag:s20] =	ssyncset.done $0x0  }
0x5a: {  	[sflag:s20] =	ssyncadd.s32 $0xFFFFE000  }
0x5b: {  	[spmem:s17] =	stream.linear.scatter [tilespmem:s19], [sflag:$0x9], $0x2000, $0x38;
	[tilespmem:$0x1E1B0] =	vst v63  }
0x5c: {  	_ =	swait.ge [sflag:s20], $0x2000  }
0x5d: {  	[sflag:s20] =	ssyncset.done $0x0  }
0x5e: {  	[sflag:s20] =	ssyncadd.s32 $0xFFFFE000  }
0x5f: {  	[spmem:s18] =	stream.linear.scatter [tilespmem:s19], [sflag:$0x9], $0x2000, $0x38;
	[tilespmem:$0x1E1B0] =	vst v63  }
0x60: {  	_ =	swait.ge [sflag:s20], $0x2000  }
0x61: {  	[sflag:s20] =	ssyncset.done $0x0  }
0x62: {  	s12 =	rddreg [dreg:$0x3];
	[sflag:s20] =	ssyncadd.s32 $0xFFFFE000  }
0x63: {  	[spmem:s12] =	stream.linear.scatter [tilespmem:s19], [sflag:$0x9], $0x1880, $0x38;
	[tilespmem:$0x1E1B0] =	vst v63  }
0x64: {  	_ =	swait.ge [sflag:s20], $0x1880  }
0x65: {  	[sflag:s20] =	ssyncset.done $0x0  }
0x66: {  	s11 =	simm.s32 $0x0;
	s12 =	rddreg [dreg:$0x4];
	[sflag:s20] =	ssyncadd.s32 $0xFFFFE780  }
0x67: {  	[tilespmem:s11], [sflag:$0x9] =	stream.linear.gather [hbm4b:s12+s11], $0x2700, $0x38;
	[tilespmem:$0x1E1B0] =	vst v63  }
0x68: {  	_ =	swait.ge [sflag:s20], $0x2700  }
0x69: {  	[sflag:s20] =	ssyncset.done $0x0  }
0x6a: {  	s14 =	simm.s32 $0x2700;
	s13 =	rddreg [dreg:$0x5];
	[sflag:s20] =	ssyncadd.s32 $0xFFFFD900  }
0x6b: {  	[tilespmem:s14], [sflag:$0x9] =	stream.linear.gather [hbm4b:s13+s11], $0x10, $0x38;
	[tilespmem:$0x1E1B0] =	vst v63  }
0x6c: {  	_ =	swait.ge [sflag:s20], $0x10  }
0x6d: {  	[sflag:s20] =	ssyncset.done $0x0  }
0x6e: {  	[sflag:s20] =	ssyncadd.s32 $0xFFFFFFF0  }
0x6f: {  	[bflag:$0x0] =	sbarrier.arrive $0xFFFF  }
0x70: {  	v1 =	vld [tilespmem:$0x0];
	_ =	sdelay $0x1  }
0x71: {  	v2 =	vld [tilespmem:$0x10];
	_ =	sdelay $0x1  }
0x72: {  	v3 =	vld [tilespmem:$0x20]  }
0x73: {  	v4 =	vand.u32 $0xFFFF, v1  }
0x74: {  	v59 =	vld [tilespmem:$0x30];
	v1 =	vshrl.u32 v1, $0x10;
	[tilespmem:$0x2710] =	vst v4  }
0x75: {  	[tilespmem:$0x2810] =	vst v1;
	v1 =	vand.u32 $0xFFFF, v2  }
0x76: {  	[tilespmem:$0x2720] =	vst v1;
	v1 =	vshrl.u32 v2, $0x10  }
0x77: {  	[tilespmem:$0x2820] =	vst v1;
	v1 =	vand.u32 $0xFFFF, v3  }
0x78: {  	[tilespmem:$0x2730] =	vst v1;
	v1 =	vshrl.u32 v3, $0x10  }
0x79: {  	[tilespmem:$0x2830] =	vst v1;
	v1 =	vand.u32 $0xFFFF, v59  }
0x7a: {  	[tilespmem:$0x2740] =	vst v1;
	v1 =	vshrl.u32 v59, $0x10  }
0x7b: {  	s15 =	simm.s32 $0x2710;
	[tilespmem:$0x2840] =	vst v1  }
0x7c: {  	[tilespmem:s19], [sflag:$0x1] =	stream.indirect.gather [hbm4b:s4+s22], $0x80, s15, s22, $0xb8;
	[tilespmem:$0x1E1B0] =	vst v63  }
0x7d: {  	v1 =	vld [tilespmem:$0x40];
	_ =	sdelay $0x1  }
0x7e: {  	v2 =	vld [tilespmem:$0x50];
	_ =	sdelay $0x1  }
0x7f: {  	v3 =	vld [tilespmem:$0x60]  }
0x80: {  	v60 =	vand.u32 $0xFFFF, v1  }
0x81: {  	v61 =	vld [tilespmem:$0x70];
	v1 =	vshrl.u32 v1, $0x10;
	[tilespmem:$0x2750] =	vst v60  }
0x82: {  	[tilespmem:$0x2850] =	vst v1;
	v1 =	vand.u32 $0xFFFF, v2  }
0x83: {  	[tilespmem:$0x2760] =	vst v1;
	v1 =	vshrl.u32 v2, $0x10  }
0x84: {  	[tilespmem:$0x2860] =	vst v1;
	v1 =	vand.u32 $0xFFFF, v3  }
0x85: {  	[tilespmem:$0x2770] =	vst v1;
	v1 =	vshrl.u32 v3, $0x10  }
0x86: {  	[tilespmem:$0x2870] =	vst v1;
	v1 =	vand.u32 $0xFFFF, v61  }
0x87: {  	[tilespmem:$0x2780] =	vst v1;
	v1 =	vshrl.u32 v61, $0x10  }
0x88: {  	s16 =	simm.s32 $0x2750;
	[tilespmem:$0x2880] =	vst v1  }
0x89: {  	[tilespmem:s26], [sflag:$0x2] =	stream.indirect.gather [hbm4b:s4+s22], $0x80, s16, s22, $0xb8;
	[tilespmem:$0x1E1B0] =	vst v63  }
0x8a: {  	v1 =	vld [tilespmem:$0x80];
	_ =	sdelay $0x1  }
0x8b: {  	v2 =	vld [tilespmem:$0x90];
	_ =	sdelay $0x1  }
0x8c: {  	v3 =	vld [tilespmem:$0xA0]  }
0x8d: {  	v62 =	vand.u32 $0xFFFF, v1  }
0x8e: {  	v63 =	vld [tilespmem:$0xB0];
	v1 =	vshrl.u32 v1, $0x10;
	[tilespmem:$0x2790] =	vst v62  }
0x8f: {  	[tilespmem:$0x2890] =	vst v1;
	v1 =	vand.u32 $0xFFFF, v2  }
0x90: {  	[tilespmem:$0x27A0] =	vst v1;
	v1 =	vshrl.u32 v2, $0x10  }
0x91: {  	[tilespmem:$0x28A0] =	vst v1;
	v1 =	vand.u32 $0xFFFF, v3  }
0x92: {  	[tilespmem:$0x27B0] =	vst v1;
	v1 =	vshrl.u32 v3, $0x10  }
0x93: {  	[tilespmem:$0x28B0] =	vst v1;
	v1 =	vand.u32 $0xFFFF, v63  }
0x94: {  	[tilespmem:$0x27C0] =	vst v1;
	v1 =	vshrl.u32 v63, $0x10  }
0x95: {  	[tilespmem:$0x28C0] =	vst v1  }
0x96: {  	[tilespmem:s29], [sflag:$0x3] =	stream.indirect.gather [hbm4b:s4+s22], $0x80, s28, s22, $0xb8;
	[tilespmem:$0x1E1B0] =	vst v63  }
.LBB2_4:
0x97: {  	_ =	swait.ge [sflag:s30], $0x2000  }
0x98: {  	p0 =	seq.s32 s11, $0x0;
	[sflag:s30] =	ssyncset.done $0x0  }
0x99: {  	s12 =	simm.s32 @!p0 $0x8;
	[sflag:s30] =	ssyncadd.s32 $0xFFFFE000  }
0x9a: {  	[spmem:s2] =	stream.indirect.scatter.add.f32 [tilespmem:s19], [sflag:$0x5], $0x80, s31, s22, $0xb8;
	[tilespmem:$0x1E1B0] =	vst v63  }
0x9b: {  	_ =	swait.ge @!p0 [sflag:s12], $0x2000  }
0x9c: {  	[sflag:s12] =	ssyncset.done @!p0 $0x0  }
0x9d: {  	[sflag:s12] =	ssyncadd.s32 @!p0 $0xFFFFE000;
	s12 =	sshra.s32 s11, $0x2  }
0x9e: {  	v1 =	vld [tilespmem:s12+$0xC0];
	_ =	sdelay $0x4  }
0x9f: {  	v2 =	vand.u32 $0xFFFF, v1  }
0xa0: {  	v1 =	vshrl.u32 v1, $0x10;
	[tilespmem:$0x27D0] =	vst v2  }
0xa1: {  	[tilespmem:$0x28D0] =	vst v1  }
0xa2: {  	v1 =	vld [tilespmem:s12+$0xD0];
	_ =	sdelay $0x4  }
0xa3: {  	v2 =	vand.u32 $0xFFFF, v1  }
0xa4: {  	v1 =	vshrl.u32 v1, $0x10;
	[tilespmem:$0x27E0] =	vst v2  }
0xa5: {  	[tilespmem:$0x28E0] =	vst v1  }
0xa6: {  	v1 =	vld [tilespmem:s12+$0xE0];
	_ =	sdelay $0x4  }
0xa7: {  	v2 =	vand.u32 $0xFFFF, v1  }
0xa8: {  	v1 =	vshrl.u32 v1, $0x10;
	[tilespmem:$0x27F0] =	vst v2  }
0xa9: {  	[tilespmem:$0x28F0] =	vst v1  }
0xaa: {  	v1 =	vld [tilespmem:s12+$0xF0];
	_ =	sdelay $0x4  }
0xab: {  	v2 =	vand.u32 $0xFFFF, v1  }
0xac: {  	v1 =	vshrl.u32 v1, $0x10;
	[tilespmem:$0x2800] =	vst v2  }
0xad: {  	[tilespmem:$0x2900] =	vst v1  }
0xae: {  	[tilespmem:s0], [sflag:$0x4] =	stream.indirect.gather [hbm4b:s4+s22], $0x80, s1, s22, $0xb8;
	[tilespmem:$0x1E1B0] =	vst v63  }
0xaf: {  	_ =	swait.ge [sflag:s21], $0x2000  }
0xb0: {  	[sflag:s21] =	ssyncset.done $0x0  }
0xb1: {  	[sflag:s21] =	ssyncadd.s32 $0xFFFFE000  }
0xb2: {  	[spmem:s2] =	stream.indirect.scatter.add.f32 [tilespmem:s26], [sflag:$0x6], $0x80, s23, s22, $0xb8;
	[tilespmem:$0x1E1B0] =	vst v63  }
0xb3: {  	_ =	swait.ge [sflag:s24], $0x2000  }
0xb4: {  	p0 =	seq.s32 s11, $0x9800;
	[sflag:s24] =	ssyncset.done $0x0  }
0xb5: {  	s13 =	simm.s32 @p0 $0x3;
	[sflag:s24] =	ssyncadd.s32 $0xFFFFE000  }
0xb6: {  	_ =	swait.ge @p0 [sflag:s13], $0x2000  }
0xb7: {  	s14 =	simm.s32 @p0 $0x2890;
	[sflag:s13] =	ssyncset.done @p0 $0x0  }
0xb8: {  	s15 =	simm.s32 @p0 $0x6930;
	[sflag:s13] =	ssyncadd.s32 @p0 $0xFFFFE000;
	s13 =	simm.s32 @p0 $0x40  }
0xb9: {  	[spmem:s2] =	stream.indirect.scatter.add.f32 @p0 [tilespmem:s15], [sflag:$0x7], $0x80, s14, s13, $0xb8;
	[tilespmem:$0x1E1B0] =	vst v63  }
0xba: {  	s13 =	simm.s32 @p0 $0x6  }
0xbb: {  	_ =	swait.ge @p0 [sflag:s13], $0x2000  }
0xbc: {  	[sflag:s13] =	ssyncset.done @p0 $0x0  }
0xbd: {  	[sflag:s13] =	ssyncadd.s32 @p0 $0xFFFFE000;
	s13 =	sshra.s32 @!p0 s11, $0x2  }
0xbe: {  	v1 =	vld @!p0 [tilespmem:s13+$0x100];
	_ =	sdelay $0x4  }
0xbf: {  	v2 =	vand.u32 @!p0 $0xFFFF, v1  }
0xc0: {  	v1 =	vshrl.u32 @!p0 v1, $0x10;
	[tilespmem:$0x2710] =	vst @!p0 v2  }
0xc1: {  	[tilespmem:$0x2810] =	vst @!p0 v1  }
0xc2: {  	v1 =	vld @!p0 [tilespmem:s13+$0x110];
	_ =	sdelay $0x4  }
0xc3: {  	v2 =	vand.u32 @!p0 $0xFFFF, v1  }
0xc4: {  	v1 =	vshrl.u32 @!p0 v1, $0x10;
	[tilespmem:$0x2720] =	vst @!p0 v2  }
0xc5: {  	[tilespmem:$0x2820] =	vst @!p0 v1  }
0xc6: {  	v1 =	vld @!p0 [tilespmem:s13+$0x120];
	_ =	sdelay $0x4  }
0xc7: {  	v2 =	vand.u32 @!p0 $0xFFFF, v1  }
0xc8: {  	v1 =	vshrl.u32 @!p0 v1, $0x10;
	[tilespmem:$0x2730] =	vst @!p0 v2  }
0xc9: {  	[tilespmem:$0x2830] =	vst @!p0 v1  }
0xca: {  	v1 =	vld @!p0 [tilespmem:s13+$0x130];
	_ =	sdelay $0x4  }
0xcb: {  	v2 =	vand.u32 @!p0 $0xFFFF, v1  }
0xcc: {  	v1 =	vshrl.u32 @!p0 v1, $0x10;
	[tilespmem:$0x2740] =	vst @!p0 v2  }
0xcd: {  	s16 =	simm.s32 @!p0 $0x2930;
	s14 =	simm.s32 @!p0 $0x40;
	s15 =	simm.s32 @!p0 $0x2710;
	[tilespmem:$0x2840] =	vst @!p0 v1  }
0xce: {  	[tilespmem:s16], [sflag:$0x1] =	stream.indirect.gather @!p0 [hbm4b:s4+s14], $0x80, s15, s14, $0xb8;
	[tilespmem:$0x1E1B0] =	vst v63  }
0xcf: {  	s15 =	simm.s32 @!p0 $0x3  }
0xd0: {  	_ =	swait.ge @!p0 [sflag:s15], $0x2000  }
0xd1: {  	[sflag:s15] =	ssyncset.done @!p0 $0x0  }
0xd2: {  	s16 =	simm.s32 @!p0 $0x6930;
	[sflag:s15] =	ssyncadd.s32 @!p0 $0xFFFFE000;
	s15 =	simm.s32 @!p0 $0x2890  }
0xd3: {  	[spmem:s2] =	stream.indirect.scatter.add.f32 @!p0 [tilespmem:s16], [sflag:$0x7], $0x80, s15, s14, $0xb8;
	[tilespmem:$0x1E1B0] =	vst v63  }
0xd4: {  	s15 =	simm.s32 @!p0 $0x6  }
0xd5: {  	_ =	swait.ge @!p0 [sflag:s15], $0x2000  }
0xd6: {  	[sflag:s15] =	ssyncset.done @!p0 $0x0  }
0xd7: {  	[sflag:s15] =	ssyncadd.s32 @!p0 $0xFFFFE000  }
0xd8: {  	v1 =	vld @!p0 [tilespmem:s13+$0x140];
	_ =	sdelay $0x4  }
0xd9: {  	v2 =	vand.u32 @!p0 $0xFFFF, v1  }
0xda: {  	v1 =	vshrl.u32 @!p0 v1, $0x10;
	[tilespmem:$0x2750] =	vst @!p0 v2  }
0xdb: {  	[tilespmem:$0x2850] =	vst @!p0 v1  }
0xdc: {  	v1 =	vld @!p0 [tilespmem:s13+$0x150];
	_ =	sdelay $0x4  }
0xdd: {  	v2 =	vand.u32 @!p0 $0xFFFF, v1  }
0xde: {  	v1 =	vshrl.u32 @!p0 v1, $0x10;
	[tilespmem:$0x2760] =	vst @!p0 v2  }
0xdf: {  	[tilespmem:$0x2860] =	vst @!p0 v1  }
0xe0: {  	v1 =	vld @!p0 [tilespmem:s13+$0x160];
	_ =	sdelay $0x4  }
0xe1: {  	v2 =	vand.u32 @!p0 $0xFFFF, v1  }
0xe2: {  	v1 =	vshrl.u32 @!p0 v1, $0x10;
	[tilespmem:$0x2770] =	vst @!p0 v2  }
0xe3: {  	[tilespmem:$0x2870] =	vst @!p0 v1  }
0xe4: {  	v1 =	vld @!p0 [tilespmem:s13+$0x170];
	_ =	sdelay $0x4  }
0xe5: {  	v2 =	vand.u32 @!p0 $0xFFFF, v1  }
0xe6: {  	v1 =	vshrl.u32 @!p0 v1, $0x10;
	[tilespmem:$0x2780] =	vst @!p0 v2  }
0xe7: {  	s15 =	simm.s32 @!p0 $0x4930;
	s13 =	simm.s32 @!p0 $0x2750;
	[tilespmem:$0x2880] =	vst @!p0 v1  }
0xe8: {  	[tilespmem:s15], [sflag:$0x2] =	stream.indirect.gather @!p0 [hbm4b:s4+s14], $0x80, s13, s14, $0xb8;
	[tilespmem:$0x1E1B0] =	vst v63  }
0xe9: {  	_ =	swait.ge [sflag:s3], $0x2000  }
0xea: {  	[sflag:s3] =	ssyncset.done $0x0  }
.Ltmp3:
0xeb: {  	[sflag:s3] =	ssyncadd.s32 $0xFFFFE000;
	(pc) =	sbr.rel @p0 .LBB2_6-.Ltmp3, $4  }
0xec: {  	[spmem:s2] =	stream.indirect.scatter.add.f32 [tilespmem:s0], [sflag:$0x8], $0x80, s6, s22, $0xb8;
	[tilespmem:$0x1E1B0] =	vst v63  }
0xed: {  	_ =	swait.ge [sflag:s7], $0x2000  }
0xee: {  	[sflag:s7] =	ssyncset.done $0x0  }
0xef: {  	[sflag:s7] =	ssyncadd.s32 $0xFFFFE000  }
0xf0: {  	v1 =	vld [tilespmem:s12+$0x180];
	_ =	sdelay $0x4  }
0xf1: {  	v2 =	vand.u32 $0xFFFF, v1  }
0xf2: {  	v1 =	vshrl.u32 v1, $0x10;
	[tilespmem:$0x2790] =	vst v2  }
0xf3: {  	[tilespmem:$0x2890] =	vst v1  }
0xf4: {  	v1 =	vld [tilespmem:s12+$0x190];
	_ =	sdelay $0x4  }
0xf5: {  	v2 =	vand.u32 $0xFFFF, v1  }
0xf6: {  	v1 =	vshrl.u32 v1, $0x10;
	[tilespmem:$0x27A0] =	vst v2  }
0xf7: {  	[tilespmem:$0x28A0] =	vst v1  }
0xf8: {  	v1 =	vld [tilespmem:s12+$0x1A0];
	_ =	sdelay $0x4  }
0xf9: {  	v2 =	vand.u32 $0xFFFF, v1  }
0xfa: {  	v1 =	vshrl.u32 v1, $0x10;
	[tilespmem:$0x27B0] =	vst v2  }
0xfb: {  	[tilespmem:$0x28B0] =	vst v1  }
0xfc: {  	v1 =	vld [tilespmem:s12+$0x1B0];
	_ =	sdelay $0x3  }
.Ltmp4:
0xfd: {  	_ = 	snop;
	(pc) =	sbr.rel .LBB2_4-.Ltmp4, $4  }
0xfe: {  	v2 =	vand.u32 $0xFFFF, v1  }
0xff: {  	v1 =	vshrl.u32 v1, $0x10;
	[tilespmem:$0x27C0] =	vst v2  }
0x100: {  	s11 =	sadd.s32 $0x400, s11;
	[tilespmem:$0x28C0] =	vst v1  }
0x101: {  	[tilespmem:s29], [sflag:$0x3] =	stream.indirect.gather [hbm4b:s4+s22], $0x80, s28, s22, $0xb8;
	[tilespmem:$0x1E1B0] =	vst v63  }
.LBB2_7:
0x102: {  	_ =	sfence.sel $0x180000  }
0x103: {  	[bflag:$0x0] =	sbarrier.arrive $0xFFFF  }
0x104: {  	_ =	strace $0x9000004A  }
0x105: {  	s0 =	stileid.u32;
	[bflag:$0x2] =	sbarrier.arrive $0xFFFF  }
0x106: {  	p0 =	sne.s32 s0, $0x0;
	s0 =	rddreg [dreg:$0x2]  }
0x107: {  	s0 =	sadd.s32 @!p0 $0x100000, s0  }
0x108: {  	[sflag:s0] =	ssyncadd.tile.s32 @!p0 $0x1;
	_ =	shalt  }
.Lfunc_end2:
_tile_overlayer_lowered:
.L_overlay_start_2:
0x109: {  	(tag) =	ssettag $0x2  }
0x10a: {  	s0 =	rddreg [dreg:$0x0];
	s2 =	stileid.u32  }
0x10b: {  	s1 =	rddreg [dreg:$0x1];
	p0 =	sne.s32 s2, $0x0  }
0x10c: {  	s3 =	rddreg [dreg:$0x2];
	[bflag:$0x3] =	sbarrier.arrive $0xFFFF;
	s2 =	simm.s32 @!p0 $0x1C09  }
0x10d: {  	[timem:s3], [sflag:s2] =	dma.local @!p0 [hbm:s0], s1  }
0x10e: {  	s0 =	simm.s32 @!p0 $0x9  }
0x10f: {  	_ =	swait.ge @!p0 [sflag:s0], s1  }
0x110: {  	s1 =	ssub.s32 @!p0 $0x0, s1;
	[sflag:s0] =	ssyncset.done @!p0 $0x0  }
0x111: {  	[sflag:s0] =	ssyncadd.s32 @!p0 s1  }
0x112: {  	[bflag:$0x3] =	sbarrier.arrive $0xFFFF  }
0x113: {  	_ =	shalt  }

// kernel: kernel.14.cloned.1.call-start
scs
__scs_entry_jumppad:
0x0: {  	(pc) =	sbr.rel $0x88, $3  }
0x1: {  	(tag) =	ssettag $0x0;
	lr =	simm.s32 $0x1  }
0x2: {  	[smem:$0x3F9B] =	sst lr;
	_ =	strace $0xD0000000  }
0x3: {  	_ = 	snop  }
0x4: {  	_ = 	snop  }
0x5: {  	_ = 	snop  }
0x6: {  	_ = 	snop  }
0x7: {  	_ = 	snop  }
__scs_overlays_trampoline_lowered:
0x8: {  	[smem:$0x3FAA] =	sst s0  }
0x9: {  	[smem:$0x3FAB] =	sst s1  }
0xa: {  	[smem:$0x3FAC] =	sst s2  }
0xb: {  	[smem:$0x3FAD] =	sst s3  }
0xc: {  	[smem:$0x3FAE] =	sst s4  }
0xd: {  	[smem:$0x3FAF] =	sst s5  }
0xe: {  	[smem:$0x3FB0] =	sst s6  }
0xf: {  	[smem:$0x3FB1] =	sst s7  }
0x10: {  	[smem:$0x3FB2] =	sst s8  }
0x11: {  	[smem:$0x3FB3] =	sst s9;
	s0 =	simm.s32 @!p0 $0x0  }
0x12: {  	s1 =	sld [smem:$0x3F99];
	s0 =	simm.s32 @p0 $0x1  }
0x13: {  	[smem:$0x3FB4] =	sst s0;
	s0 =	simm.s32 @!p1 $0x0  }
0x14: {  	s2 =	sld [smem:$0x3F98];
	s0 =	simm.s32 @p1 $0x1  }
0x15: {  	[smem:$0x3FB5] =	sst s0;
	s0 =	simm.s32 @!p2 $0x0  }
0x16: {  	s3 =	sld [smem:$0x3FDB];
	s0 =	simm.s32 @p2 $0x1  }
0x17: {  	s4 =	simm.s32 $0x1BF5;
	[smem:$0x3FB7] =	sst s0  }
0x18: {  	s0 =	sld [smem:$0x3F9A];
	_ =	swait.ge [sflag:s4], $0x0  }
0x19: {  	s7 =	sld [smem:$0x3F9B]  }
0x1a: {  	s8 =	sadd.s32 $0xFFFFE003, lr  }
0x1b: {  	s9 =	sadd.s32 $0xFFFFFEF7, lr;
	s5 =	simm.s32 $0xFFFFFFFF;
	p2 =	slt.u32 s8, $0xFFFFF086  }
0x1c: {  	p1 =	slt.u32 s9, $0xF7A;
	s5 =	simm.s32 @!p2 $0x0  }
0x1d: {  	s5 =	simm.s32 @p1 $0x1;
	p0 =	seq.s32 s7, s2  }
0x1e: {  	s7 =	smul.u32 @!p0 $0xF7A, s2;
	p2 =	seq.s32 @!p0 s5, $0x0  }
0x1f: {  	s9 =	smul.u32 $0xF7A, s1;
	s8 =	simm.s32 @!p0 $0x1BF5;
	p2 =	por !p2, p0  }
0x20: {  	[sflag:s8] =	ssyncset.s32 @!p0 $0xFFFFF086;
	s6 =	sadd.s32 @!p0 s3, s7;
	s7 =	simm.s32 @!p0 $0x108  }
0x21: {  	s3 =	sadd.s32 s3, s9;
	s6 =	sadd.s32 @!p0 $0x88, s6;
	s7 =	simm.s32 @p2 $0x1082  }
0x22: {  	[simem:s7], [sflag:s8] =	dma.local @!p0 [hbm:s6], $0xF7A  }
0x23: {  	s9 =	sor.u32 $0xD0000000, s2;
	s6 =	simm.s32 $0x108;
	_ =	swait.ge @!p0 [sflag:s8], $0x0  }
0x24: {  	s3 =	sadd.s32 $0x88, s3;
	s6 =	simm.s32 @!p1 $0x1082;
	[sflag:s4] =	ssyncset.s32 $0xFFFFF086  }
0x25: {  	[simem:s6], [sflag:s4] =	dma.local [hbm:s3], $0xF7A  }
0x26: {  	[smem:$0x3F9B] =	sst s1;
	(tag) =	ssettag s2;
	_ =	strace s9  }
0x27: {  	s1 =	sld [smem:$0x3FAB]  }
0x28: {  	s2 =	sld [smem:$0x3FAC]  }
0x29: {  	s4 =	sld [smem:$0x3FAE]  }
0x2a: {  	p0 =	seq.s32 s5, $0x0;
	s5 =	sld [smem:$0x3FAF]  }
0x2b: {  	s6 =	sld [smem:$0x3FB0]  }
0x2c: {  	s7 =	sld [smem:$0x3FB1]  }
0x2d: {  	s3 =	simm.s32 $0x108;
	s8 =	sld [smem:$0x3FB2]  }
0x2e: {  	s3 =	simm.s32 @!p0 $0x1082;
	s9 =	sld [smem:$0x3FB3]  }
0x2f: {  	lr =	sadd.s32 s0, s3;
	s0 =	sld [smem:$0x3FAA]  }
0x30: {  	s3 =	sld [smem:$0x3FAD]  }
0x31: {  	[smem:$0x3FB6] =	sst s10  }
0x32: {  	s10 =	sld [smem:$0x3FB4];
	_ =	sdelay $0x3  }
0x33: {  	p0 =	seq.s32 s10, $0x1;
	s10 =	sld [smem:$0x3FB6];
	_ =	sdelay $0x3  }
0x34: {  	[smem:$0x3FB6] =	sst s10  }
0x35: {  	s10 =	sld [smem:$0x3FB5];
	_ =	sdelay $0x3  }
0x36: {  	p1 =	seq.s32 s10, $0x1;
	s10 =	sld [smem:$0x3FB6];
	_ =	sdelay $0x3  }
0x37: {  	[smem:$0x3FB6] =	sst s10  }
0x38: {  	s10 =	sld [smem:$0x3FB7]  }
0x39: {  	_ = 	snop;
	(pc) =	sbr.ind lr, $3  }
0x3a: {  	_ = 	snop  }
0x3b: {  	_ = 	snop  }
0x3c: {  	p2 =	seq.s32 s10, $0x1;
	s10 =	sld [smem:$0x3FB6]  }
0x3d: {  	_ =	shalt  }
0x3e: {  	_ =	shalt  }
0x3f: {  	_ =	shalt  }
0x40: {  	_ =	shalt  }
0x41: {  	_ =	shalt  }
0x42: {  	_ =	shalt  }
0x43: {  	_ =	shalt  }
0x44: {  	_ =	shalt  }
0x45: {  	_ =	shalt  }
0x46: {  	_ =	shalt  }
0x47: {  	_ =	shalt  }
0x48: {  	_ =	shalt  }
0x49: {  	_ =	shalt  }
0x4a: {  	_ =	shalt  }
0x4b: {  	_ =	shalt  }
0x4c: {  	_ =	shalt  }
0x4d: {  	_ =	shalt  }
0x4e: {  	_ =	shalt  }
0x4f: {  	_ =	shalt  }
0x50: {  	_ =	shalt  }
0x51: {  	_ =	shalt  }
0x52: {  	_ =	shalt  }
0x53: {  	_ =	shalt  }
0x54: {  	_ =	shalt  }
0x55: {  	_ =	shalt  }
0x56: {  	_ =	shalt  }
0x57: {  	_ =	shalt  }
0x58: {  	_ =	shalt  }
0x59: {  	_ =	shalt  }
0x5a: {  	_ =	shalt  }
0x5b: {  	_ =	shalt  }
0x5c: {  	_ =	shalt  }
0x5d: {  	_ =	shalt  }
0x5e: {  	_ =	shalt  }
0x5f: {  	_ =	shalt  }
0x60: {  	_ =	shalt  }
0x61: {  	_ =	shalt  }
0x62: {  	_ =	shalt  }
0x63: {  	_ =	shalt  }
0x64: {  	_ =	shalt  }
0x65: {  	_ =	shalt  }
0x66: {  	_ =	shalt  }
0x67: {  	_ =	shalt  }
0x68: {  	_ =	shalt  }
0x69: {  	_ =	shalt  }
0x6a: {  	_ =	shalt  }
0x6b: {  	_ =	shalt  }
0x6c: {  	_ =	shalt  }
0x6d: {  	_ =	shalt  }
0x6e: {  	_ =	shalt  }
0x6f: {  	_ =	shalt  }
0x70: {  	_ =	shalt  }
0x71: {  	_ =	shalt  }
0x72: {  	_ =	shalt  }
0x73: {  	_ =	shalt  }
0x74: {  	_ =	shalt  }
0x75: {  	_ =	shalt  }
0x76: {  	_ =	shalt  }
0x77: {  	_ =	shalt  }
0x78: {  	_ =	shalt  }
0x79: {  	_ =	shalt  }
0x7a: {  	_ =	shalt  }
0x7b: {  	_ =	shalt  }
0x7c: {  	_ =	shalt  }
0x7d: {  	_ =	shalt  }
0x7e: {  	_ =	shalt  }
0x7f: {  	_ =	shalt  }
0x80: {  	_ =	shalt  }
0x81: {  	_ =	shalt  }
0x82: {  	_ =	shalt  }
0x83: {  	_ =	shalt  }
0x84: {  	_ =	shalt  }
0x85: {  	_ =	shalt  }
0x86: {  	_ =	shalt  }
0x87: {  	_ =	shalt  }
.Lfunc_end0:
.L_simem_size_0:
called_computation.2_lowered:
.L_overlay_start_0:
0x88: {  	s2 =	sld [smem:$0x3FD9]  }
0x89: {  	s3 =	sld [smem:$0x3FFE];
	_ =	sdelay $0x1  }
0x8a: {  	s1 =	srdreg.scid  }
0x8b: {  	s0 =	sand.u32 $0x1, s1  }
0x8c: {  	s16 =	sshll.u32 s0, $0xA;
	s2 =	sadd.s32 s3, s2  }
0x8d: {  	s2 =	sadd.s32 s2, s16  }
0x8e: {  	[smem:$0x3FC2] =	sst s2  }
0x8f: {  	_ = 	snop  }
0x90: {  	(tm) =	ssettm $0x1  }
0x91: {  	s17 =	sld [smem:$0x3FFB];
	_ =	sdelay $0x3  }
0x92: {  	_ =	strace s17  }
0x93: {  	s2 =	sld [smem:$0x3FFC];
	_ =	sdelay $0x3  }
0x94: {  	_ =	strace s2  }
0x95: {  	s2 =	sld [smem:$0x3FFD];
	_ =	sdelay $0x3  }
0x96: {  	_ =	strace s2  }
0x97: {  	_ =	strace $0x8FFFFFFF  }
0x98: {  	s18 =	sld [smem:$0x3FDB];
	_ =	sdelay $0x1  }
0x99: {  	s19 =	simm.s32 $_scs_section_size  }
0x9a: {  	s4 =	simm.s32 $_size__tile_overlayer_lowered;
	s5 =	simm.s32 $_tile_overlayer_lowered  }
0x9b: {  	s22 =	simm.s32 $0x1BFF;
	s21 =	sshll.u32 s5, $0x1;
	s2 =	sadd.s32 s19, s18  }
0x9c: {  	s6 =	simm.s32 $0x0;
	s20 =	sshll.u32 s4, $0x1;
	s4 =	sadd.s32 s21, s2  }
0x9d: {  	[timem:s6], [sflag:s22] =	dma.local [hbm:s4], s20  }
0x9e: {  	_ =	swait.ge [sflag:s22], s20  }
0x9f: {  	s3 =	ssub.s32 $0x0, s20;
	[sflag:s22] =	ssyncset.done $0x0  }
0xa0: {  	[sflag:s22] =	ssyncadd.s32 s3;
	_ =	sdelay $0x1  }
0xa1: {  	s23 =	simm.s32 $0x1B8B  }
0xa2: {  	_ =	swait.ge [sflag:s23], $0x1  }
0xa3: {  	[sflag:s23] =	ssyncset.done $0x0  }
0xa4: {  	s25 =	simm.s32 $0x1B8E;
	s24 =	sld [smem:$0x3FFE];
	[sflag:s23] =	ssyncadd.s32 $0xFFFFFFFF  }
0xa5: {  	s26 =	simm.s32 $execute0_lowered;
	[smem:$0x3FD2] =	sst s25  }
0xa6: {  	s4 =	sshll.u32 s26, $0x1;
	_ =	strace $0x8000004C;
	[dreg:$0x1] =	wrdreg $0xFFFFFFFF  }
0xa7: {  	s28 =	simm.s32 $_size_execute0_lowered;
	s2 =	sadd.s32 s2, s4;
	[dreg:$0x0] =	wrdreg $0x0  }
0xa8: {  	s4 =	sshll.u32 s28, $0x1;
	[dreg:$0x2] =	wrdreg s2  }
0xa9: {  	[dreg:$0x3] =	wrdreg s4  }
0xaa: {  	[dreg:$0x4] =	wrdreg $0xC0  }
0xab: {  	_ =	task [dreg:s6], $0x5FFFF  }
0xac: {  	[dreg:$0x1] =	wrdreg $0xFFFFFFFF  }
0xad: {  	[dreg:$0x0] =	wrdreg $0x60  }
0xae: {  	[dreg:$0x2] =	wrdreg s24  }
0xaf: {  	[dreg:$0x3] =	wrdreg $0x72300  }
0xb0: {  	[dreg:$0x4] =	wrdreg $0x9  }
0xb1: {  	_ =	task.clear_ibuf [dreg:s6], $0x5FFFF;
	_ =	strace $0x9000004C  }
0xb2: {  	s29 =	simm.s32 $0x9;
	_ =	strace $0x8000004E  }
0xb3: {  	_ =	swait.ge [sflag:s29], $0x1  }
0xb4: {  	[sflag:s29] =	ssyncadd.s32 $0xFFFFFFFF  }
0xb5: {  	_ =	strace $0x9000004E  }
0xb6: {  	_ =	sfence  }
0xb7: {  	s30 =	sld [smem:$0x0];
	_ =	sdelay $0x2  }
0xb8: {  	s31 =	sshll.u32 s1, $0xD;
	s1 =	sshrl.u32 s1, $0x2  }
0xb9: {  	s3 =	sand.u32 $0x4000, s31;
	s1 =	sadd.s32 s1, s30  }
0xba: {  	s0 =	sor.u32 s3, s0;
	s1 =	sshll.u32 s1, $0x11  }
0xbb: {  	s0 =	sor.u32 s1, s0  }
0xbc: {  	s0 =	sadd.s32 $0x8F2B, s0  }
0xbd: {  	[sflag:s0] =	ssyncadd.remote.s32 $0x1  }
0xbe: {  	_ =	sfence.sel $0xFFFF  }
0xbf: {  	[dreg:$0x0] =	wrdreg $0xFFFFFFFF;
	(pc) =	sbr.abs _section_cstart, $3  }
0xc0: {  	[dreg:$0x1] =	wrdreg $0xFFFFFFFF  }
0xc1: {  	_ =	task.clear_ibuf [dreg:s6], $0x2FFFF;
	_ =	strace $0x9FFFFFFF  }
0xc2: {  	(tm) =	ssettm $0x7FFFFFFF  }
0xc3: {  	_ =	shalt  }
tec
execute0_lowered:
.L_overlay_start_1:
0x0: {  	(tag) =	ssettag $0x1  }
0x1: {  	s0 =	srdreg.scid;
	s1 =	rddreg [dreg:$0x0]  }
0x2: {  	s9 =	stileid.u32;
	s2 =	rddreg [dreg:$0x1]  }
0x3: {  	s4 =	simm.s32 $0x0;
	s19 =	simm.s32 $0x60;
	s20 =	simm.s32 $0x2710  }
0x4: {  	s28 =	simm.s32 $0x2890;
	s29 =	simm.s32 $0x2830;
	s30 =	simm.s32 $0x6030  }
0x5: {  	s31 =	simm.s32 $0x2;
	s12 =	simm.s32 $0x0;
	s0 =	sand.u32 $0x1, s0  }
0x6: {  	s3 =	sshll.u32 s9, $0x1;
	[smem:$0x7FF] =	sst s4;
	s7 =	smul.u32 $0x7530, s9  }
0x7: {  	s4 =	sadd.s32 $0x15C00, s1;
	s14 =	smul.u32 $0x1D4C0, s9;
	s9 =	simm.s32 $0x7  }
0x8: {  	s3 =	sor.u32 s0, s3;
	s6 =	smul.u32 $0x75300, s0;
	_ =	strace $0x8000004D  }
0x9: {  	s0 =	ssub.s32 $0x2, s0;
	s5 =	smul.u32 $0x4E0, s3;
	s3 =	sshll.u32 s3, $0x1  }
0xa: {  	s15 =	sshrl.u32 s0, $0x1;
	s18 =	sadd.s32 s7, s2;
	s3 =	sadd.s32 s3, s1  }
0xb: {  	s6 =	sadd.s32 s7, s6;
	s0 =	ssub.s32 s0, s15;
	s26 =	sshrl.u32 s18, $0x3  }
0xc: {  	s18 =	simm.s32 $0x3;
	s3 =	sadd.s32 $0x15A00, s3;
	[dreg:$0xe] =	wrdreg s26  }
0xd: {  	s8 =	sadd.s32 s5, s1;
	s0 =	smax.u32 s0, $0x1;
	[dreg:$0x6] =	wrdreg s3  }
0xe: {  	s5 =	sshrl.u32 s14, $0x2;
	s17 =	sadd.s32 $0xBE00, s8;
	[dreg:$0x8] =	wrdreg s0  }
0xf: {  	s6 =	sshrl.u32 s6, $0x3;
	s5 =	sadd.s32 s5, s2;
	[dreg:$0x5] =	wrdreg s17  }
0x10: {  	s1 =	sadd.s32 s6, s1;
	s16 =	sadd.s32 $0x6C00, s5;
	[dreg:$0x3] =	wrdreg s5  }
0x11: {  	s7 =	simm.s32 $0x4;
	s1 =	sadd.s32 $0x24800, s1;
	[dreg:$0x4] =	wrdreg s16  }
0x12: {  	s26 =	simm.s32 $0x1;
	s21 =	sadd.s32 $0x1200, s5;
	[dreg:$0x7] =	wrdreg s1  }
0x13: {  	s3 =	simm.s32 $0x5;
	s22 =	sadd.s32 $0x2400, s5;
	[dreg:$0x9] =	wrdreg s21  }
0x14: {  	s0 =	simm.s32 $0x2950;
	s23 =	sadd.s32 $0x3600, s5;
	[dreg:$0xa] =	wrdreg s22  }
.Ltmp0:
0x15: {  	s24 =	sadd.s32 $0x4800, s5;
	[dreg:$0xb] =	wrdreg s23;
	(pc) =	sbr.rel .LBB2_1-.Ltmp0, $4  }
0x16: {  	s6 =	simm.s32 $0x6;
	s25 =	sadd.s32 $0x5A00, s5;
	[dreg:$0xc] =	wrdreg s24  }
0x17: {  	s8 =	simm.s32 $0x29B0;
	s17 =	simm.s32 $0x9;
	[dreg:$0xd] =	wrdreg s25  }
0x18: {  	s16 =	simm.s32 $0x2A30;
	s21 =	simm.s32 $0x2770;
	s22 =	simm.s32 $0x3C30  }
0x19: {  	v0 =	vimm.f32 $0.0e+00;
	s23 =	simm.s32 $0x27D0;
	s24 =	simm.s32 $0x4E30;
	s1 =	simm.s32 $0x28F0  }
.LBB2_9:
0x1a: {  	s5 =	simm.s32 $0x8  }
0x1b: {  	_ =	swait.ge [sflag:s5], $0x1200  }
0x1c: {  	[sflag:s5] =	ssyncset.done $0x0  }
0x1d: {  	[sflag:s5] =	ssyncadd.s32 $0xFFFFEE00  }
0x1e: {  	v1 =	vld [tilespmem:$0x2700];
	_ =	sdelay $0x4  }
0x1f: {  	v2 =	vand.u32 $0xFFFF, v1  }
0x20: {  	v1 =	vshrl.u32 v1, $0x10;
	[tilespmem:$0x2A10] =	vst v2  }
0x21: {  	s11 =	simm.s32 $0x10;
	s10 =	simm.s32 $0x2A10;
	[tilespmem:$0x2A20] =	vst v1  }
0x22: {  	[tilespmem:s16], [sflag:$0x1] =	stream.indirect.gather [hbm4b:s4+s11], $0x30, s10, s11, $0xb8;
	[tilespmem:$0xE760] =	vst v63  }
0x23: {  	_ =	swait.ge [sflag:s26], $0x300  }
0x24: {  	[sflag:s26] =	ssyncset.done $0x0  }
0x25: {  	s13 =	simm.s32 $0x2A20;
	[sflag:s26] =	ssyncadd.s32 $0xFFFFFD00  }
0x26: {  	[spmem:s2] =	stream.indirect.scatter.add.f32 [tilespmem:s16], [sflag:$0x5], $0x30, s13, s11, $0xb8;
	[tilespmem:$0xE760] =	vst v63  }
0x27: {  	_ =	swait.ge [sflag:s3], $0x300  }
0x28: {  	[sflag:s3] =	ssyncset.done $0x0  }
0x29: {  	[sflag:s3] =	ssyncadd.s32 $0xFFFFFD00  }
0x2a: {  	s14 =	stileid.u32;
	[bflag:$0x0] =	sbarrier.arrive $0xFFFF  }
0x2b: {  	s5 =	sshll.u32 s14, $0x6;
	s15 =	rddreg [dreg:$0x7]  }
0x2c: {  	s5 =	sor.u32 $0x1C09, s5;
	s11 =	rddreg [dreg:$0xe]  }
0x2d: {  	[hbm:s15], [sflag:s5] =	dma.local [spmem:s11], $0xEA6  }
0x2e: {  	_ =	swait.ge [sflag:s17], $0xEA6  }
0x2f: {  	s12 =	sadd.s32 $0x1, s12;
	s25 =	rddreg [dreg:$0x8]  }
0x30: {  	p0 =	sne.s32 s12, s25  }
.Ltmp1:
0x31: {  	_ = 	snop;
	(pc) =	sbr.rel @!p0 .LBB2_10-.Ltmp1, $3  }
0x32: {  	_ =	sdelay $0x1  }
0x33: {  	[sflag:s17] =	ssyncset.done $0x0  }
0x34: {  	[sflag:s17] =	ssyncadd.s32 $0xFFFFF15A  }
.LBB2_1:
0x35: {  	s5 =	simm.s32 $0x0  }
0x36: {  	s13 =	smul.u32 $0xAAAB, s5;
	_ =	sdelay $0x1  }
0x37: {  	s14 =	sshrl.u32 s13, $0x11  }
0x38: {  	s15 =	simm.s32 $0x0;
	s13 =	simm.s32 $0x1;
	s25 =	smul.u32 $0x3, s14  }
.LBB2_2:
0x39: {  	s11 =	smul.u32 $0xAAAB, s13  }
0x3a: {  	s5 =	smov.u32 s13;
	s14 =	smul.u32 $0xC0, s14;
	p0 =	sne.s32 s13, $0x11F  }
.Ltmp2:
0x3b: {  	s15 =	ssub.s32 s15, s25;
	(pc) =	sbr.rel @p0 .LBB2_2-.Ltmp2, $4  }
0x3c: {  	s13 =	sadd.s32 $0x1, s13;
	s15 =	sand.u32 $0xFFFF, s15  }
0x3d: {  	s25 =	sshrl.u32 s14, $0x2;
	s10 =	sshll.u32 s15, $0x4;
	s15 =	smov.u32 s5  }
0x3e: {  	s14 =	sshrl.u32 s11, $0x11;
	s5 =	sadd.s32 s10, s25  }
0x3f: {  	s25 =	smul.u32 $0x3, s14;
	[tilespmem:s5+$0x2A30] =	vst v0  }
0x40: {  	_ = 	snop  }
0x41: {  	s10 =	smul.u32 $0xC0, s14;
	s5 =	ssub.s32 s15, s25  }
0x42: {  	s5 =	sand.u32 $0xFFFF, s5  }
0x43: {  	s10 =	sshrl.u32 s10, $0x2;
	s5 =	sshll.u32 s5, $0x4  }
0x44: {  	s5 =	sadd.s32 s5, s10  }
0x45: {  	s13 =	rddreg [dreg:$0x3];
	[tilespmem:s5+$0x2A30] =	vst v0  }
0x46: {  	[spmem:s13] =	stream.linear.scatter [tilespmem:s16], [sflag:$0x9], $0x1200, $0x38;
	[tilespmem:$0xE760] =	vst v63  }
0x47: {  	_ =	swait.ge [sflag:s17], $0x1200  }
0x48: {  	[sflag:s17] =	ssyncset.done $0x0  }
0x49: {  	s14 =	rddreg [dreg:$0x9];
	[sflag:s17] =	ssyncadd.s32 $0xFFFFEE00  }
0x4a: {  	[spmem:s14] =	stream.linear.scatter [tilespmem:s16], [sflag:$0x9], $0x1200, $0x38;
	[tilespmem:$0xE760] =	vst v63  }
0x4b: {  	_ =	swait.ge [sflag:s17], $0x1200  }
0x4c: {  	[sflag:s17] =	ssyncset.done $0x0  }
0x4d: {  	s15 =	rddreg [dreg:$0xa];
	[sflag:s17] =	ssyncadd.s32 $0xFFFFEE00  }
0x4e: {  	[spmem:s15] =	stream.linear.scatter [tilespmem:s16], [sflag:$0x9], $0x1200, $0x38;
	[tilespmem:$0xE760] =	vst v63  }
0x4f: {  	_ =	swait.ge [sflag:s17], $0x1200  }
0x50: {  	[sflag:s17] =	ssyncset.done $0x0  }
0x51: {  	s25 =	rddreg [dreg:$0xb];
	[sflag:s17] =	ssyncadd.s32 $0xFFFFEE00  }
0x52: {  	[spmem:s25] =	stream.linear.scatter [tilespmem:s16], [sflag:$0x9], $0x1200, $0x38;
	[tilespmem:$0xE760] =	vst v63  }
0x53: {  	_ =	swait.ge [sflag:s17], $0x1200  }
0x54: {  	[sflag:s17] =	ssyncset.done $0x0  }
0x55: {  	s10 =	rddreg [dreg:$0xc];
	[sflag:s17] =	ssyncadd.s32 $0xFFFFEE00  }
0x56: {  	[spmem:s10] =	stream.linear.scatter [tilespmem:s16], [sflag:$0x9], $0x1200, $0x38;
	[tilespmem:$0xE760] =	vst v63  }
0x57: {  	_ =	swait.ge [sflag:s17], $0x1200  }
0x58: {  	[sflag:s17] =	ssyncset.done $0x0  }
0x59: {  	s11 =	rddreg [dreg:$0xd];
	[sflag:s17] =	ssyncadd.s32 $0xFFFFEE00  }
0x5a: {  	[spmem:s11] =	stream.linear.scatter [tilespmem:s16], [sflag:$0x9], $0x1200, $0x38;
	[tilespmem:$0xE760] =	vst v63  }
0x5b: {  	_ =	swait.ge [sflag:s17], $0x1200  }
0x5c: {  	[sflag:s17] =	ssyncset.done $0x0  }
0x5d: {  	s13 =	rddreg [dreg:$0x4];
	[sflag:s17] =	ssyncadd.s32 $0xFFFFEE00  }
0x5e: {  	[spmem:s13] =	stream.linear.scatter [tilespmem:s16], [sflag:$0x9], $0x930, $0x38;
	[tilespmem:$0xE760] =	vst v63  }
0x5f: {  	_ =	swait.ge [sflag:s17], $0x930  }
0x60: {  	[sflag:s17] =	ssyncset.done $0x0  }
0x61: {  	s13 =	simm.s32 $0x0;
	s14 =	rddreg [dreg:$0x5];
	[sflag:s17] =	ssyncadd.s32 $0xFFFFF6D0  }
0x62: {  	[tilespmem:s13], [sflag:$0x9] =	stream.linear.gather [hbm4b:s14+s13], $0x2700, $0x38;
	[tilespmem:$0xE760] =	vst v63  }
0x63: {  	_ =	swait.ge [sflag:s17], $0x2700  }
0x64: {  	[sflag:s17] =	ssyncset.done $0x0  }
0x65: {  	s25 =	simm.s32 $0x2700;
	s15 =	rddreg [dreg:$0x6];
	[sflag:s17] =	ssyncadd.s32 $0xFFFFD900  }
0x66: {  	[tilespmem:s25], [sflag:$0x9] =	stream.linear.gather [hbm4b:s15+s13], $0x10, $0x38;
	[tilespmem:$0xE760] =	vst v63  }
0x67: {  	_ =	swait.ge [sflag:s17], $0x10  }
0x68: {  	[sflag:s17] =	ssyncset.done $0x0  }
0x69: {  	[sflag:s17] =	ssyncadd.s32 $0xFFFFFFF0  }
0x6a: {  	[bflag:$0x0] =	sbarrier.arrive $0xFFFF  }
0x6b: {  	v1 =	vld [tilespmem:$0x0];
	_ =	sdelay $0x1  }
0x6c: {  	v2 =	vld [tilespmem:$0x10];
	_ =	sdelay $0x1  }
0x6d: {  	v3 =	vld [tilespmem:$0x20]  }
0x6e: {  	v4 =	vand.u32 $0xFFFF, v1  }
0x6f: {  	v59 =	vld [tilespmem:$0x30];
	v1 =	vshrl.u32 v1, $0x10;
	[tilespmem:$0x2710] =	vst v4  }
0x70: {  	[tilespmem:$0x2890] =	vst v1;
	v1 =	vand.u32 $0xFFFF, v2  }
0x71: {  	[tilespmem:$0x2720] =	vst v1;
	v1 =	vshrl.u32 v2, $0x10;
	v2 =	vld [tilespmem:$0x40]  }
0x72: {  	[tilespmem:$0x28A0] =	vst v1;
	v1 =	vand.u32 $0xFFFF, v3  }
0x73: {  	[tilespmem:$0x2730] =	vst v1;
	v1 =	vshrl.u32 v3, $0x10;
	v3 =	vld [tilespmem:$0x50]  }
0x74: {  	[tilespmem:$0x28B0] =	vst v1;
	v1 =	vand.u32 $0xFFFF, v59  }
0x75: {  	[tilespmem:$0x2740] =	vst v1;
	v1 =	vshrl.u32 v59, $0x10  }
0x76: {  	[tilespmem:$0x28C0] =	vst v1;
	v1 =	vand.u32 $0xFFFF, v2  }
0x77: {  	[tilespmem:$0x2750] =	vst v1;
	v1 =	vshrl.u32 v2, $0x10  }
0x78: {  	[tilespmem:$0x28D0] =	vst v1;
	v1 =	vand.u32 $0xFFFF, v3  }
0x79: {  	[tilespmem:$0x2760] =	vst v1;
	v1 =	vshrl.u32 v3, $0x10  }
0x7a: {  	[tilespmem:$0x28E0] =	vst v1  }
0x7b: {  	[tilespmem:s16], [sflag:$0x1] =	stream.indirect.gather [hbm4b:s4+s19], $0x30, s20, s19, $0xb8;
	[tilespmem:$0xE760] =	vst v63  }
0x7c: {  	v1 =	vld [tilespmem:$0x60];
	_ =	sdelay $0x1  }
0x7d: {  	v2 =	vld [tilespmem:$0x70];
	_ =	sdelay $0x1  }
0x7e: {  	v3 =	vld [tilespmem:$0x80]  }
0x7f: {  	v60 =	vand.u32 $0xFFFF, v1  }
0x80: {  	v61 =	vld [tilespmem:$0x90];
	v1 =	vshrl.u32 v1, $0x10;
	[tilespmem:$0x2770] =	vst v60  }
0x81: {  	[tilespmem:$0x28F0] =	vst v1;
	v1 =	vand.u32 $0xFFFF, v2  }
0x82: {  	[tilespmem:$0x2780] =	vst v1;
	v1 =	vshrl.u32 v2, $0x10;
	v2 =	vld [tilespmem:$0xA0]  }
0x83: {  	[tilespmem:$0x2900] =	vst v1;
	v1 =	vand.u32 $0xFFFF, v3  }
0x84: {  	[tilespmem:$0x2790] =	vst v1;
	v1 =	vshrl.u32 v3, $0x10;
	v3 =	vld [tilespmem:$0xB0]  }
0x85: {  	[tilespmem:$0x2910] =	vst v1;
	v1 =	vand.u32 $0xFFFF, v61  }
0x86: {  	[tilespmem:$0x27A0] =	vst v1;
	v1 =	vshrl.u32 v61, $0x10  }
0x87: {  	[tilespmem:$0x2920] =	vst v1;
	v1 =	vand.u32 $0xFFFF, v2  }
0x88: {  	[tilespmem:$0x27B0] =	vst v1;
	v1 =	vshrl.u32 v2, $0x10  }
0x89: {  	[tilespmem:$0x2930] =	vst v1;
	v1 =	vand.u32 $0xFFFF, v3  }
0x8a: {  	[tilespmem:$0x27C0] =	vst v1;
	v1 =	vshrl.u32 v3, $0x10  }
0x8b: {  	[tilespmem:$0x2940] =	vst v1  }
0x8c: {  	[tilespmem:s22], [sflag:$0x2] =	stream.indirect.gather [hbm4b:s4+s19], $0x30, s21, s19, $0xb8;
	[tilespmem:$0xE760] =	vst v63  }
0x8d: {  	v1 =	vld [tilespmem:$0xC0];
	_ =	sdelay $0x1  }
0x8e: {  	v2 =	vld [tilespmem:$0xD0];
	_ =	sdelay $0x1  }
0x8f: {  	v3 =	vld [tilespmem:$0xE0]  }
0x90: {  	v62 =	vand.u32 $0xFFFF, v1  }
0x91: {  	v63 =	vld [tilespmem:$0xF0];
	v1 =	vshrl.u32 v1, $0x10;
	[tilespmem:$0x27D0] =	vst v62  }
0x92: {  	[tilespmem:$0x2950] =	vst v1;
	v1 =	vand.u32 $0xFFFF, v2  }
0x93: {  	[tilespmem:$0x27E0] =	vst v1;
	v1 =	vshrl.u32 v2, $0x10;
	v2 =	vld [tilespmem:$0x100]  }
0x94: {  	[tilespmem:$0x2960] =	vst v1;
	v1 =	vand.u32 $0xFFFF, v3  }
0x95: {  	[tilespmem:$0x27F0] =	vst v1;
	v1 =	vshrl.u32 v3, $0x10;
	v3 =	vld [tilespmem:$0x110]  }
0x96: {  	[tilespmem:$0x2970] =	vst v1;
	v1 =	vand.u32 $0xFFFF, v63  }
0x97: {  	[tilespmem:$0x2800] =	vst v1;
	v1 =	vshrl.u32 v63, $0x10  }
0x98: {  	[tilespmem:$0x2980] =	vst v1;
	v1 =	vand.u32 $0xFFFF, v2  }
0x99: {  	[tilespmem:$0x2810] =	vst v1;
	v1 =	vshrl.u32 v2, $0x10  }
0x9a: {  	[tilespmem:$0x2990] =	vst v1;
	v1 =	vand.u32 $0xFFFF, v3  }
0x9b: {  	[tilespmem:$0x2820] =	vst v1;
	v1 =	vshrl.u32 v3, $0x10  }
0x9c: {  	[tilespmem:$0x29A0] =	vst v1  }
0x9d: {  	[tilespmem:s24], [sflag:$0x3] =	stream.indirect.gather [hbm4b:s4+s19], $0x30, s23, s19, $0xb8;
	[tilespmem:$0xE760] =	vst v63  }
.LBB2_4:
0x9e: {  	_ =	swait.ge [sflag:s26], $0x1200  }
0x9f: {  	p0 =	seq.s32 s13, $0x0;
	[sflag:s26] =	ssyncset.done $0x0  }
0xa0: {  	s5 =	simm.s32 @!p0 $0x8;
	[sflag:s26] =	ssyncadd.s32 $0xFFFFEE00  }
0xa1: {  	[spmem:s2] =	stream.indirect.scatter.add.f32 [tilespmem:s16], [sflag:$0x5], $0x30, s28, s19, $0xb8;
	[tilespmem:$0xE760] =	vst v63  }
0xa2: {  	_ =	swait.ge @!p0 [sflag:s5], $0x1200  }
0xa3: {  	[sflag:s5] =	ssyncset.done @!p0 $0x0  }
0xa4: {  	s14 =	sshra.s32 s13, $0x2;
	[sflag:s5] =	ssyncadd.s32 @!p0 $0xFFFFEE00  }
0xa5: {  	v1 =	vld [tilespmem:s14+$0x120];
	_ =	sdelay $0x4  }
0xa6: {  	v2 =	vand.u32 $0xFFFF, v1  }
0xa7: {  	v1 =	vshrl.u32 v1, $0x10;
	[tilespmem:$0x2830] =	vst v2  }
0xa8: {  	[tilespmem:$0x29B0] =	vst v1  }
0xa9: {  	v1 =	vld [tilespmem:s14+$0x130];
	_ =	sdelay $0x4  }
0xaa: {  	v2 =	vand.u32 $0xFFFF, v1  }
0xab: {  	v1 =	vshrl.u32 v1, $0x10;
	[tilespmem:$0x2840] =	vst v2  }
0xac: {  	[tilespmem:$0x29C0] =	vst v1  }
0xad: {  	v1 =	vld [tilespmem:s14+$0x140];
	_ =	sdelay $0x4  }
0xae: {  	v2 =	vand.u32 $0xFFFF, v1  }
0xaf: {  	v1 =	vshrl.u32 v1, $0x10;
	[tilespmem:$0x2850] =	vst v2  }
0xb0: {  	[tilespmem:$0x29D0] =	vst v1  }
0xb1: {  	v1 =	vld [tilespmem:s14+$0x150];
	_ =	sdelay $0x4  }
0xb2: {  	v2 =	vand.u32 $0xFFFF, v1  }
0xb3: {  	v1 =	vshrl.u32 v1, $0x10;
	[tilespmem:$0x2860] =	vst v2  }
0xb4: {  	[tilespmem:$0x29E0] =	vst v1  }
0xb5: {  	v1 =	vld [tilespmem:s14+$0x160];
	_ =	sdelay $0x4  }
0xb6: {  	v2 =	vand.u32 $0xFFFF, v1  }
0xb7: {  	v1 =	vshrl.u32 v1, $0x10;
	[tilespmem:$0x2870] =	vst v2  }
0xb8: {  	[tilespmem:$0x29F0] =	vst v1  }
0xb9: {  	v1 =	vld [tilespmem:s14+$0x170];
	_ =	sdelay $0x4  }
0xba: {  	v2 =	vand.u32 $0xFFFF, v1  }
0xbb: {  	v1 =	vshrl.u32 v1, $0x10;
	[tilespmem:$0x2880] =	vst v2  }
0xbc: {  	[tilespmem:$0x2A00] =	vst v1  }
0xbd: {  	[tilespmem:s30], [sflag:$0x4] =	stream.indirect.gather [hbm4b:s4+s19], $0x30, s29, s19, $0xb8;
	[tilespmem:$0xE760] =	vst v63  }
0xbe: {  	_ =	swait.ge [sflag:s31], $0x1200  }
0xbf: {  	p0 =	seq.s32 s13, $0x9600;
	[sflag:s31] =	ssyncset.done $0x0  }
.Ltmp3:
0xc0: {  	[sflag:s31] =	ssyncadd.s32 $0xFFFFEE00;
	(pc) =	sbr.rel @!p0 .LBB2_5-.Ltmp3, $4  }
0xc1: {  	[spmem:s2] =	stream.indirect.scatter.add.f32 [tilespmem:s22], [sflag:$0x6], $0x30, s1, s19, $0xb8;
	[tilespmem:$0xE760] =	vst v63  }
0xc2: {  	_ =	swait.ge [sflag:s3], $0x1200  }
0xc3: {  	[sflag:s3] =	ssyncset.done $0x0  }
0xc4: {  	[sflag:s3] =	ssyncadd.s32 $0xFFFFEE00  }
0xc5: {  	_ =	swait.ge [sflag:s18], $0x1200  }
0xc6: {  	[sflag:s18] =	ssyncset.done $0x0  }
.Ltmp4:
0xc7: {  	[sflag:s18] =	ssyncadd.s32 $0xFFFFEE00;
	(pc) =	sbr.rel .LBB2_7-.Ltmp4, $4  }
0xc8: {  	[spmem:s2] =	stream.indirect.scatter.add.f32 [tilespmem:s24], [sflag:$0x7], $0x30, s0, s19, $0xb8;
	[tilespmem:$0xE760] =	vst v63  }
0xc9: {  	_ =	swait.ge [sflag:s6], $0x1200  }
0xca: {  	[sflag:s6] =	ssyncset.done $0x0  }
0xcb: {  	[sflag:s6] =	ssyncadd.s32 $0xFFFFEE00  }
.LBB2_5:
0xcc: {  	v1 =	vld [tilespmem:s14+$0x180];
	_ =	sdelay $0x4  }
0xcd: {  	v2 =	vand.u32 $0xFFFF, v1  }
0xce: {  	v1 =	vshrl.u32 v1, $0x10;
	[tilespmem:$0x2710] =	vst v2  }
0xcf: {  	[tilespmem:$0x2890] =	vst v1  }
0xd0: {  	v1 =	vld [tilespmem:s14+$0x190];
	_ =	sdelay $0x4  }
0xd1: {  	v2 =	vand.u32 $0xFFFF, v1  }
0xd2: {  	v1 =	vshrl.u32 v1, $0x10;
	[tilespmem:$0x2720] =	vst v2  }
0xd3: {  	[tilespmem:$0x28A0] =	vst v1  }
0xd4: {  	v1 =	vld [tilespmem:s14+$0x1A0];
	_ =	sdelay $0x4  }
0xd5: {  	v2 =	vand.u32 $0xFFFF, v1  }
0xd6: {  	v1 =	vshrl.u32 v1, $0x10;
	[tilespmem:$0x2730] =	vst v2  }
0xd7: {  	[tilespmem:$0x28B0] =	vst v1  }
0xd8: {  	v1 =	vld [tilespmem:s14+$0x1B0];
	_ =	sdelay $0x4  }
0xd9: {  	v2 =	vand.u32 $0xFFFF, v1  }
0xda: {  	v1 =	vshrl.u32 v1, $0x10;
	[tilespmem:$0x2740] =	vst v2  }
0xdb: {  	[tilespmem:$0x28C0] =	vst v1  }
0xdc: {  	v1 =	vld [tilespmem:s14+$0x1C0];
	_ =	sdelay $0x4  }
0xdd: {  	v2 =	vand.u32 $0xFFFF, v1  }
0xde: {  	v1 =	vshrl.u32 v1, $0x10;
	[tilespmem:$0x2750] =	vst v2  }
0xdf: {  	[tilespmem:$0x28D0] =	vst v1  }
0xe0: {  	v1 =	vld [tilespmem:s14+$0x1D0];
	_ =	sdelay $0x4  }
0xe1: {  	v2 =	vand.u32 $0xFFFF, v1  }
0xe2: {  	v1 =	vshrl.u32 v1, $0x10;
	[tilespmem:$0x2760] =	vst v2  }
0xe3: {  	[tilespmem:$0x28E0] =	vst v1  }
0xe4: {  	[tilespmem:s16], [sflag:$0x1] =	stream.indirect.gather [hbm4b:s4+s19], $0x30, s20, s19, $0xb8;
	[tilespmem:$0xE760] =	vst v63  }
0xe5: {  	_ =	swait.ge [sflag:s18], $0x1200  }
0xe6: {  	[sflag:s18] =	ssyncset.done $0x0  }
0xe7: {  	[sflag:s18] =	ssyncadd.s32 $0xFFFFEE00  }
0xe8: {  	[spmem:s2] =	stream.indirect.scatter.add.f32 [tilespmem:s24], [sflag:$0x7], $0x30, s0, s19, $0xb8;
	[tilespmem:$0xE760] =	vst v63  }
0xe9: {  	_ =	swait.ge [sflag:s6], $0x1200  }
0xea: {  	[sflag:s6] =	ssyncset.done $0x0  }
0xeb: {  	[sflag:s6] =	ssyncadd.s32 $0xFFFFEE00  }
0xec: {  	v1 =	vld [tilespmem:s14+$0x1E0];
	_ =	sdelay $0x4  }
0xed: {  	v2 =	vand.u32 $0xFFFF, v1  }
0xee: {  	v1 =	vshrl.u32 v1, $0x10;
	[tilespmem:$0x2770] =	vst v2  }
0xef: {  	[tilespmem:$0x28F0] =	vst v1  }
0xf0: {  	v1 =	vld [tilespmem:s14+$0x1F0];
	_ =	sdelay $0x4  }
0xf1: {  	v2 =	vand.u32 $0xFFFF, v1  }
0xf2: {  	v1 =	vshrl.u32 v1, $0x10;
	[tilespmem:$0x2780] =	vst v2  }
0xf3: {  	[tilespmem:$0x2900] =	vst v1  }
0xf4: {  	v1 =	vld [tilespmem:s14+$0x200];
	_ =	sdelay $0x4  }
0xf5: {  	v2 =	vand.u32 $0xFFFF, v1  }
0xf6: {  	v1 =	vshrl.u32 v1, $0x10;
	[tilespmem:$0x2790] =	vst v2  }
0xf7: {  	[tilespmem:$0x2910] =	vst v1  }
0xf8: {  	v1 =	vld [tilespmem:s14+$0x210];
	_ =	sdelay $0x4  }
0xf9: {  	v2 =	vand.u32 $0xFFFF, v1  }
0xfa: {  	v1 =	vshrl.u32 v1, $0x10;
	[tilespmem:$0x27A0] =	vst v2  }
0xfb: {  	[tilespmem:$0x2920] =	vst v1  }
0xfc: {  	v1 =	vld [tilespmem:s14+$0x220];
	_ =	sdelay $0x4  }
0xfd: {  	v2 =	vand.u32 $0xFFFF, v1  }
0xfe: {  	v1 =	vshrl.u32 v1, $0x10;
	[tilespmem:$0x27B0] =	vst v2  }
0xff: {  	[tilespmem:$0x2930] =	vst v1  }
0x100: {  	v1 =	vld [tilespmem:s14+$0x230];
	_ =	sdelay $0x4  }
0x101: {  	v2 =	vand.u32 $0xFFFF, v1  }
0x102: {  	v1 =	vshrl.u32 v1, $0x10;
	[tilespmem:$0x27C0] =	vst v2  }
0x103: {  	[tilespmem:$0x2940] =	vst v1  }
0x104: {  	[tilespmem:s22], [sflag:$0x2] =	stream.indirect.gather [hbm4b:s4+s19], $0x30, s21, s19, $0xb8;
	[tilespmem:$0xE760] =	vst v63  }
.LBB2_7:
0x105: {  	_ =	swait.ge [sflag:s7], $0x1200  }
0x106: {  	[sflag:s7] =	ssyncset.done $0x0  }
.Ltmp5:
0x107: {  	[sflag:s7] =	ssyncadd.s32 $0xFFFFEE00;
	(pc) =	sbr.rel @p0 .LBB2_9-.Ltmp5, $4  }
0x108: {  	[spmem:s2] =	stream.indirect.scatter.add.f32 [tilespmem:s30], [sflag:$0x8], $0x30, s8, s19, $0xb8;
	[tilespmem:$0xE760] =	vst v63  }
0x109: {  	_ =	swait.ge [sflag:s9], $0x1200  }
0x10a: {  	[sflag:s9] =	ssyncset.done $0x0  }
0x10b: {  	[sflag:s9] =	ssyncadd.s32 $0xFFFFEE00  }
0x10c: {  	v1 =	vld [tilespmem:s14+$0x240];
	_ =	sdelay $0x4  }
0x10d: {  	v2 =	vand.u32 $0xFFFF, v1  }
0x10e: {  	v1 =	vshrl.u32 v1, $0x10;
	[tilespmem:$0x27D0] =	vst v2  }
0x10f: {  	[tilespmem:$0x2950] =	vst v1  }
0x110: {  	v1 =	vld [tilespmem:s14+$0x250];
	_ =	sdelay $0x4  }
0x111: {  	v2 =	vand.u32 $0xFFFF, v1  }
0x112: {  	v1 =	vshrl.u32 v1, $0x10;
	[tilespmem:$0x27E0] =	vst v2  }
0x113: {  	[tilespmem:$0x2960] =	vst v1  }
0x114: {  	v1 =	vld [tilespmem:s14+$0x260];
	_ =	sdelay $0x4  }
0x115: {  	v2 =	vand.u32 $0xFFFF, v1  }
0x116: {  	v1 =	vshrl.u32 v1, $0x10;
	[tilespmem:$0x27F0] =	vst v2  }
0x117: {  	[tilespmem:$0x2970] =	vst v1  }
0x118: {  	v1 =	vld [tilespmem:s14+$0x270];
	_ =	sdelay $0x4  }
0x119: {  	v2 =	vand.u32 $0xFFFF, v1  }
0x11a: {  	v1 =	vshrl.u32 v1, $0x10;
	[tilespmem:$0x2800] =	vst v2  }
0x11b: {  	[tilespmem:$0x2980] =	vst v1  }
0x11c: {  	v1 =	vld [tilespmem:s14+$0x280];
	_ =	sdelay $0x4  }
0x11d: {  	v2 =	vand.u32 $0xFFFF, v1  }
0x11e: {  	v1 =	vshrl.u32 v1, $0x10;
	[tilespmem:$0x2810] =	vst v2  }
0x11f: {  	[tilespmem:$0x2990] =	vst v1  }
0x120: {  	v1 =	vld [tilespmem:s14+$0x290];
	_ =	sdelay $0x3  }
.Ltmp6:
0x121: {  	_ = 	snop;
	(pc) =	sbr.rel .LBB2_4-.Ltmp6, $4  }
0x122: {  	v2 =	vand.u32 $0xFFFF, v1  }
0x123: {  	v1 =	vshrl.u32 v1, $0x10;
	[tilespmem:$0x2820] =	vst v2  }
0x124: {  	s13 =	sadd.s32 $0x600, s13;
	[tilespmem:$0x29A0] =	vst v1  }
0x125: {  	[tilespmem:s24], [sflag:$0x3] =	stream.indirect.gather [hbm4b:s4+s19], $0x30, s23, s19, $0xb8;
	[tilespmem:$0xE760] =	vst v63  }
.LBB2_10:
0x126: {  	_ =	sfence.sel $0x180000  }
0x127: {  	[bflag:$0x0] =	sbarrier.arrive $0xFFFF  }
0x128: {  	_ =	strace $0x9000004D  }
0x129: {  	s0 =	stileid.u32;
	[bflag:$0x2] =	sbarrier.arrive $0xFFFF  }
0x12a: {  	p0 =	sne.s32 s0, $0x0;
	s0 =	rddreg [dreg:$0x2]  }
0x12b: {  	s0 =	sadd.s32 @!p0 $0x100000, s0  }
0x12c: {  	[sflag:s0] =	ssyncadd.tile.s32 @!p0 $0x1;
	_ =	shalt  }
.Lfunc_end2:
_tile_overlayer_lowered:
.L_overlay_start_2:
0x12d: {  	(tag) =	ssettag $0x2  }
0x12e: {  	s0 =	rddreg [dreg:$0x0];
	s2 =	stileid.u32  }
0x12f: {  	s1 =	rddreg [dreg:$0x1];
	p0 =	sne.s32 s2, $0x0  }
0x130: {  	s3 =	rddreg [dreg:$0x2];
	[bflag:$0x3] =	sbarrier.arrive $0xFFFF;
	s2 =	simm.s32 @!p0 $0x1C09  }
0x131: {  	[timem:s3], [sflag:s2] =	dma.local @!p0 [hbm:s0], s1  }
0x132: {  	s0 =	simm.s32 @!p0 $0x9  }
0x133: {  	_ =	swait.ge @!p0 [sflag:s0], s1  }
0x134: {  	s1 =	ssub.s32 @!p0 $0x0, s1;
	[sflag:s0] =	ssyncset.done @!p0 $0x0  }
0x135: {  	[sflag:s0] =	ssyncadd.s32 @!p0 s1  }
0x136: {  	[bflag:$0x3] =	sbarrier.arrive $0xFFFF  }
0x137: {  	_ =	shalt  }

// kernel: kernel.8.cloned.1.call-start
scs
__scs_entry_jumppad:
0x0: {  	(pc) =	sbr.rel $0x88, $3  }
0x1: {  	(tag) =	ssettag $0x0;
	lr =	simm.s32 $0x1  }
0x2: {  	[smem:$0x3F9B] =	sst lr;
	_ =	strace $0xD0000000  }
0x3: {  	_ = 	snop  }
0x4: {  	_ = 	snop  }
0x5: {  	_ = 	snop  }
0x6: {  	_ = 	snop  }
0x7: {  	_ = 	snop  }
__scs_overlays_trampoline_lowered:
0x8: {  	[smem:$0x3FAA] =	sst s0  }
0x9: {  	[smem:$0x3FAB] =	sst s1  }
0xa: {  	[smem:$0x3FAC] =	sst s2  }
0xb: {  	[smem:$0x3FAD] =	sst s3  }
0xc: {  	[smem:$0x3FAE] =	sst s4  }
0xd: {  	[smem:$0x3FAF] =	sst s5  }
0xe: {  	[smem:$0x3FB0] =	sst s6  }
0xf: {  	[smem:$0x3FB1] =	sst s7  }
0x10: {  	[smem:$0x3FB2] =	sst s8  }
0x11: {  	[smem:$0x3FB3] =	sst s9;
	s0 =	simm.s32 @!p0 $0x0  }
0x12: {  	s1 =	sld [smem:$0x3F99];
	s0 =	simm.s32 @p0 $0x1  }
0x13: {  	[smem:$0x3FB4] =	sst s0;
	s0 =	simm.s32 @!p1 $0x0  }
0x14: {  	s2 =	sld [smem:$0x3F98];
	s0 =	simm.s32 @p1 $0x1  }
0x15: {  	[smem:$0x3FB5] =	sst s0;
	s0 =	simm.s32 @!p2 $0x0  }
0x16: {  	s3 =	sld [smem:$0x3FDB];
	s0 =	simm.s32 @p2 $0x1  }
0x17: {  	s4 =	simm.s32 $0x1BF5;
	[smem:$0x3FB7] =	sst s0  }
0x18: {  	s0 =	sld [smem:$0x3F9A];
	_ =	swait.ge [sflag:s4], $0x0  }
0x19: {  	s7 =	sld [smem:$0x3F9B]  }
0x1a: {  	s8 =	sadd.s32 $0xFFFFE003, lr  }
0x1b: {  	s9 =	sadd.s32 $0xFFFFFEF7, lr;
	s5 =	simm.s32 $0xFFFFFFFF;
	p2 =	slt.u32 s8, $0xFFFFF086  }
0x1c: {  	p1 =	slt.u32 s9, $0xF7A;
	s5 =	simm.s32 @!p2 $0x0  }
0x1d: {  	s5 =	simm.s32 @p1 $0x1;
	p0 =	seq.s32 s7, s2  }
0x1e: {  	s7 =	smul.u32 @!p0 $0xF7A, s2;
	p2 =	seq.s32 @!p0 s5, $0x0  }
0x1f: {  	s9 =	smul.u32 $0xF7A, s1;
	s8 =	simm.s32 @!p0 $0x1BF5;
	p2 =	por !p2, p0  }
0x20: {  	[sflag:s8] =	ssyncset.s32 @!p0 $0xFFFFF086;
	s6 =	sadd.s32 @!p0 s3, s7;
	s7 =	simm.s32 @!p0 $0x108  }
0x21: {  	s3 =	sadd.s32 s3, s9;
	s6 =	sadd.s32 @!p0 $0x88, s6;
	s7 =	simm.s32 @p2 $0x1082  }
0x22: {  	[simem:s7], [sflag:s8] =	dma.local @!p0 [hbm:s6], $0xF7A  }
0x23: {  	s9 =	sor.u32 $0xD0000000, s2;
	s6 =	simm.s32 $0x108;
	_ =	swait.ge @!p0 [sflag:s8], $0x0  }
0x24: {  	s3 =	sadd.s32 $0x88, s3;
	s6 =	simm.s32 @!p1 $0x1082;
	[sflag:s4] =	ssyncset.s32 $0xFFFFF086  }
0x25: {  	[simem:s6], [sflag:s4] =	dma.local [hbm:s3], $0xF7A  }
0x26: {  	[smem:$0x3F9B] =	sst s1;
	(tag) =	ssettag s2;
	_ =	strace s9  }
0x27: {  	s1 =	sld [smem:$0x3FAB]  }
0x28: {  	s2 =	sld [smem:$0x3FAC]  }
0x29: {  	s4 =	sld [smem:$0x3FAE]  }
0x2a: {  	p0 =	seq.s32 s5, $0x0;
	s5 =	sld [smem:$0x3FAF]  }
0x2b: {  	s6 =	sld [smem:$0x3FB0]  }
0x2c: {  	s7 =	sld [smem:$0x3FB1]  }
0x2d: {  	s3 =	simm.s32 $0x108;
	s8 =	sld [smem:$0x3FB2]  }
0x2e: {  	s3 =	simm.s32 @!p0 $0x1082;
	s9 =	sld [smem:$0x3FB3]  }
0x2f: {  	lr =	sadd.s32 s0, s3;
	s0 =	sld [smem:$0x3FAA]  }
0x30: {  	s3 =	sld [smem:$0x3FAD]  }
0x31: {  	[smem:$0x3FB6] =	sst s10  }
0x32: {  	s10 =	sld [smem:$0x3FB4];
	_ =	sdelay $0x3  }
0x33: {  	p0 =	seq.s32 s10, $0x1;
	s10 =	sld [smem:$0x3FB6];
	_ =	sdelay $0x3  }
0x34: {  	[smem:$0x3FB6] =	sst s10  }
0x35: {  	s10 =	sld [smem:$0x3FB5];
	_ =	sdelay $0x3  }
0x36: {  	p1 =	seq.s32 s10, $0x1;
	s10 =	sld [smem:$0x3FB6];
	_ =	sdelay $0x3  }
0x37: {  	[smem:$0x3FB6] =	sst s10  }
0x38: {  	s10 =	sld [smem:$0x3FB7]  }
0x39: {  	_ = 	snop;
	(pc) =	sbr.ind lr, $3  }
0x3a: {  	_ = 	snop  }
0x3b: {  	_ = 	snop  }
0x3c: {  	p2 =	seq.s32 s10, $0x1;
	s10 =	sld [smem:$0x3FB6]  }
0x3d: {  	_ =	shalt  }
0x3e: {  	_ =	shalt  }
0x3f: {  	_ =	shalt  }
0x40: {  	_ =	shalt  }
0x41: {  	_ =	shalt  }
0x42: {  	_ =	shalt  }
0x43: {  	_ =	shalt  }
0x44: {  	_ =	shalt  }
0x45: {  	_ =	shalt  }
0x46: {  	_ =	shalt  }
0x47: {  	_ =	shalt  }
0x48: {  	_ =	shalt  }
0x49: {  	_ =	shalt  }
0x4a: {  	_ =	shalt  }
0x4b: {  	_ =	shalt  }
0x4c: {  	_ =	shalt  }
0x4d: {  	_ =	shalt  }
0x4e: {  	_ =	shalt  }
0x4f: {  	_ =	shalt  }
0x50: {  	_ =	shalt  }
0x51: {  	_ =	shalt  }
0x52: {  	_ =	shalt  }
0x53: {  	_ =	shalt  }
0x54: {  	_ =	shalt  }
0x55: {  	_ =	shalt  }
0x56: {  	_ =	shalt  }
0x57: {  	_ =	shalt  }
0x58: {  	_ =	shalt  }
0x59: {  	_ =	shalt  }
0x5a: {  	_ =	shalt  }
0x5b: {  	_ =	shalt  }
0x5c: {  	_ =	shalt  }
0x5d: {  	_ =	shalt  }
0x5e: {  	_ =	shalt  }
0x5f: {  	_ =	shalt  }
0x60: {  	_ =	shalt  }
0x61: {  	_ =	shalt  }
0x62: {  	_ =	shalt  }
0x63: {  	_ =	shalt  }
0x64: {  	_ =	shalt  }
0x65: {  	_ =	shalt  }
0x66: {  	_ =	shalt  }
0x67: {  	_ =	shalt  }
0x68: {  	_ =	shalt  }
0x69: {  	_ =	shalt  }
0x6a: {  	_ =	shalt  }
0x6b: {  	_ =	shalt  }
0x6c: {  	_ =	shalt  }
0x6d: {  	_ =	shalt  }
0x6e: {  	_ =	shalt  }
0x6f: {  	_ =	shalt  }
0x70: {  	_ =	shalt  }
0x71: {  	_ =	shalt  }
0x72: {  	_ =	shalt  }
0x73: {  	_ =	shalt  }
0x74: {  	_ =	shalt  }
0x75: {  	_ =	shalt  }
0x76: {  	_ =	shalt  }
0x77: {  	_ =	shalt  }
0x78: {  	_ =	shalt  }
0x79: {  	_ =	shalt  }
0x7a: {  	_ =	shalt  }
0x7b: {  	_ =	shalt  }
0x7c: {  	_ =	shalt  }
0x7d: {  	_ =	shalt  }
0x7e: {  	_ =	shalt  }
0x7f: {  	_ =	shalt  }
0x80: {  	_ =	shalt  }
0x81: {  	_ =	shalt  }
0x82: {  	_ =	shalt  }
0x83: {  	_ =	shalt  }
0x84: {  	_ =	shalt  }
0x85: {  	_ =	shalt  }
0x86: {  	_ =	shalt  }
0x87: {  	_ =	shalt  }
.Lfunc_end0:
.L_simem_size_0:
called_computation_lowered:
.L_overlay_start_0:
0x88: {  	s2 =	sld [smem:$0x3FD9]  }
0x89: {  	s3 =	sld [smem:$0x3FFE];
	_ =	sdelay $0x1  }
0x8a: {  	s1 =	srdreg.scid  }
0x8b: {  	s0 =	sand.u32 $0x1, s1  }
0x8c: {  	s17 =	sshll.u32 s0, $0xA;
	s2 =	sadd.s32 s3, s2  }
0x8d: {  	s2 =	sadd.s32 s2, s17  }
0x8e: {  	[smem:$0x3FC2] =	sst s2  }
0x8f: {  	_ = 	snop  }
0x90: {  	s2 =	sld [smem:$0x3FD0];
	(tm) =	ssettm $0x1  }
0x91: {  	s18 =	sld [smem:$0x3FFB];
	_ =	sdelay $0x3  }
0x92: {  	_ =	strace s18  }
0x93: {  	s3 =	sld [smem:$0x3FFC];
	_ =	sdelay $0x3  }
0x94: {  	_ =	strace s3  }
0x95: {  	s3 =	sld [smem:$0x3FFD];
	_ =	sdelay $0x3  }
0x96: {  	_ =	strace s3  }
0x97: {  	_ =	strace $0x8FFFFFFF  }
0x98: {  	s19 =	sld [smem:$0x3FDB];
	_ =	sdelay $0x1  }
0x99: {  	s4 =	simm.s32 $_scs_section_size  }
0x9a: {  	s5 =	simm.s32 $_size__tile_overlayer_lowered;
	s6 =	simm.s32 $_tile_overlayer_lowered  }
0x9b: {  	s22 =	simm.s32 $0x1BFF;
	s21 =	sshll.u32 s6, $0x1;
	s3 =	sadd.s32 s4, s19  }
0x9c: {  	s7 =	simm.s32 $0x0;
	s20 =	sshll.u32 s5, $0x1;
	s5 =	sadd.s32 s21, s3  }
0x9d: {  	[timem:s7], [sflag:s22] =	dma.local [hbm:s5], s20  }
0x9e: {  	_ =	swait.ge [sflag:s22], s20  }
0x9f: {  	s4 =	ssub.s32 $0x0, s20;
	[sflag:s22] =	ssyncset.done $0x0  }
0xa0: {  	[sflag:s22] =	ssyncadd.s32 s4;
	_ =	sdelay $0x1  }
0xa1: {  	s23 =	simm.s32 $0x1B8B  }
0xa2: {  	_ =	swait.ge [sflag:s23], $0x1  }
0xa3: {  	[sflag:s23] =	ssyncset.done $0x0  }
0xa4: {  	s25 =	simm.s32 $0x1B8E;
	s24 =	sld [smem:$0x3FFE];
	[sflag:s23] =	ssyncadd.s32 $0xFFFFFFFF  }
0xa5: {  	s26 =	simm.s32 $execute0_lowered;
	[smem:$0x3FD2] =	sst s25  }
0xa6: {  	s5 =	sshll.u32 s26, $0x1;
	_ =	strace $0x80000046;
	[dreg:$0x1] =	wrdreg $0xFFFFFFFF  }
0xa7: {  	s28 =	simm.s32 $_size_execute0_lowered;
	s3 =	sadd.s32 s3, s5;
	[dreg:$0x0] =	wrdreg $0x0  }
0xa8: {  	s5 =	sshll.u32 s28, $0x1;
	[dreg:$0x2] =	wrdreg s3  }
0xa9: {  	[dreg:$0x3] =	wrdreg s5  }
0xaa: {  	[dreg:$0x4] =	wrdreg $0xC0  }
0xab: {  	_ =	task [dreg:s7], $0x5FFFF  }
0xac: {  	[dreg:$0x1] =	wrdreg $0xFFFFFFFF  }
0xad: {  	[dreg:$0x0] =	wrdreg $0x60  }
0xae: {  	[dreg:$0x2] =	wrdreg s2  }
0xaf: {  	[dreg:$0x3] =	wrdreg s24  }
0xb0: {  	[dreg:$0x4] =	wrdreg $0x9  }
0xb1: {  	_ =	task.clear_ibuf [dreg:s7], $0x5FFFF;
	_ =	strace $0x90000046  }
0xb2: {  	s29 =	simm.s32 $0x9;
	_ =	strace $0x80000048  }
0xb3: {  	_ =	swait.ge [sflag:s29], $0x1  }
0xb4: {  	[sflag:s29] =	ssyncadd.s32 $0xFFFFFFFF  }
0xb5: {  	_ =	strace $0x90000048  }
0xb6: {  	_ =	sfence  }
0xb7: {  	s30 =	sld [smem:$0x0];
	_ =	sdelay $0x2  }
0xb8: {  	s31 =	sshll.u32 s1, $0xD;
	s1 =	sshrl.u32 s1, $0x2  }
0xb9: {  	s3 =	sand.u32 $0x4000, s31;
	s1 =	sadd.s32 s1, s30  }
0xba: {  	s0 =	sor.u32 s3, s0;
	s1 =	sshll.u32 s1, $0x11  }
0xbb: {  	s0 =	sor.u32 s1, s0  }
0xbc: {  	s0 =	sadd.s32 $0x8F2B, s0  }
0xbd: {  	[sflag:s0] =	ssyncadd.remote.s32 $0x1  }
0xbe: {  	_ =	sfence.sel $0xFFFF  }
0xbf: {  	[dreg:$0x0] =	wrdreg $0xFFFFFFFF;
	(pc) =	sbr.abs _section_cstart, $3  }
0xc0: {  	[dreg:$0x1] =	wrdreg $0xFFFFFFFF  }
0xc1: {  	_ =	task.clear_ibuf [dreg:s7], $0x2FFFF;
	_ =	strace $0x9FFFFFFF  }
0xc2: {  	(tm) =	ssettm $0x7FFFFFFF  }
0xc3: {  	_ =	shalt  }
tec
execute0_lowered:
.L_overlay_start_1:
0x0: {  	(tag) =	ssettag $0x1  }
0x1: {  	s1 =	srdreg.scid  }
0x2: {  	s0 =	stileid.u32;
	s3 =	rddreg [dreg:$0x0]  }
0x3: {  	s5 =	rddreg [dreg:$0x1];
	s2 =	simm.s32 $0x0;
	s15 =	simm.s32 $0x1  }
0x4: {  	s16 =	simm.s32 $0x2710;
	s17 =	simm.s32 $0x2AF8;
	s18 =	simm.s32 $0x2EE0  }
0x5: {  	s19 =	simm.s32 $0x32C8;
	s20 =	simm.s32 $0x36B0;
	s21 =	simm.s32 $0x3A98  }
0x6: {  	s22 =	simm.s32 $0x3E80;
	s4 =	sand.u32 $0x1, s1;
	s30 =	sshll.u32 s0, $0x1  }
0x7: {  	s23 =	simm.s32 $0x4268;
	s24 =	simm.s32 $0x4650;
	s6 =	sor.u32 s4, s30  }
0x8: {  	s25 =	simm.s32 $0x4A38;
	s1 =	rddreg [dreg:$0x2];
	s7 =	smul.u32 $0x3E8, s6  }
0x9: {  	s26 =	simm.s32 $0x0;
	[smem:$0x7FF] =	sst s2;
	s4 =	ssub.s32 $0x2, s4  }
0xa: {  	s8 =	sshrl.u32 s4, $0x1;
	s6 =	smul.u32 $0x4E2, s6;
	s7 =	sshrl.u32 s7, $0x3  }
0xb: {  	_ =	strace $0x80000047;
	s31 =	ssub.s32 s4, s8;
	s14 =	sadd.s32 s7, s5  }
0xc: {  	s3 =	sadd.s32 s3, s6;
	s5 =	smax.u32 s31, $0x1;
	s4 =	sadd.s32 $0x2000, s14  }
0xd: {  	s6 =	sadd.s32 $0x2FA0, s14;
	s7 =	sadd.s32 $0x3F40, s14;
	s8 =	sadd.s32 $0x4EE0, s14  }
0xe: {  	s9 =	sadd.s32 $0x5E80, s14;
	s10 =	sadd.s32 $0x6E20, s14;
	s11 =	sadd.s32 $0x7DC0, s14  }
0xf: {  	v0 =	vimm.f32 $0.0e+00;
	v1 =	vimm.f32 $1.000000000e+00;
	s12 =	sadd.s32 $0x8D60, s14;
	s13 =	sadd.s32 $0x9D00, s14;
	s14 =	sadd.s32 $0xACA0, s14  }
.LBB2_1:
0x10: {  	[tilespmem:s2], [sflag:$0x1] =	stream.linear.gather [hbm4b:s3+s2], $0x2710, $0x38;
	[tilespmem:$0x4E20] =	vst v63  }
0x11: {  	_ =	swait.ge [sflag:s15], $0x2710  }
0x12: {  	[sflag:s15] =	ssyncset.done $0x0  }
0x13: {  	s28 =	simm.s32 $0x0;
	[sflag:s15] =	ssyncadd.s32 $0xFFFFD8F0  }
.LBB2_2:
0x14: {  	p0 =	sne.s32 s28, $0x9C00  }
.Ltmp0:
0x15: {  	_ = 	snop;
	(pc) =	sbr.rel @p0 .LBB2_2-.Ltmp0, $3  }
0x16: {  	_ =	sdelay $0x1  }
0x17: {  	s29 =	sshra.s32 s28, $0x2  }
0x18: {  	s28 =	sadd.s32 $0x40, s28;
	[tilespmem:s29+$0x2710] =	vst v0  }
0x19: {  	s29 =	simm.s32 $0x0;
	s28 =	simm.s32 $0x40  }
.LBB2_4:
0x1a: {  	p0 =	sne.s32 s28, $0x9C00;
	v2 =	vld [tilespmem:s29+$0x0];
	_ =	sdelay $0x3  }
.Ltmp1:
0x1b: {  	(pc) =	sbr.rel @p0 .LBB2_4-.Ltmp1, $2  }
0x1c: {  	_ =	sdelay $0x2  }
0x1d: {  	s29 =	sshra.s32 s28, $0x2;
	s28 =	sadd.s32 $0x40, s28;
	[tilespmem:v2+s16+$0x0] =	vst.idx.add.f32.msk $0xffff, v1  }
0x1e: {  	v2 =	vld [tilespmem:s29+$0x0];
	_ =	sdelay $0x7  }
0x1f: {  	[tilespmem:v2+s16+$0x0] =	vst.idx.add.f32.msk $0xffff, v1  }
0x20: {  	[hbm4b:s4+s2] =	stream.linear.scatter [tilespmem:s16], [sflag:$0x1], $0x3E8, $0x38;
	[tilespmem:$0x4E20] =	vst v63  }
0x21: {  	_ =	swait.ge [sflag:s15], $0x3E8  }
0x22: {  	[sflag:s15] =	ssyncset.done $0x0  }
0x23: {  	[sflag:s15] =	ssyncadd.s32 $0xFFFFFC18  }
0x24: {  	[hbm4b:s6+s2] =	stream.linear.scatter [tilespmem:s17], [sflag:$0x1], $0x3E8, $0x38;
	[tilespmem:$0x4E20] =	vst v63  }
0x25: {  	_ =	swait.ge [sflag:s15], $0x3E8  }
0x26: {  	[sflag:s15] =	ssyncset.done $0x0  }
0x27: {  	[sflag:s15] =	ssyncadd.s32 $0xFFFFFC18  }
0x28: {  	[hbm4b:s7+s2] =	stream.linear.scatter [tilespmem:s18], [sflag:$0x1], $0x3E8, $0x38;
	[tilespmem:$0x4E20] =	vst v63  }
0x29: {  	_ =	swait.ge [sflag:s15], $0x3E8  }
0x2a: {  	[sflag:s15] =	ssyncset.done $0x0  }
0x2b: {  	[sflag:s15] =	ssyncadd.s32 $0xFFFFFC18  }
0x2c: {  	[hbm4b:s8+s2] =	stream.linear.scatter [tilespmem:s19], [sflag:$0x1], $0x3E8, $0x38;
	[tilespmem:$0x4E20] =	vst v63  }
0x2d: {  	_ =	swait.ge [sflag:s15], $0x3E8  }
0x2e: {  	[sflag:s15] =	ssyncset.done $0x0  }
0x2f: {  	[sflag:s15] =	ssyncadd.s32 $0xFFFFFC18  }
0x30: {  	[hbm4b:s9+s2] =	stream.linear.scatter [tilespmem:s20], [sflag:$0x1], $0x3E8, $0x38;
	[tilespmem:$0x4E20] =	vst v63  }
0x31: {  	_ =	swait.ge [sflag:s15], $0x3E8  }
0x32: {  	[sflag:s15] =	ssyncset.done $0x0  }
0x33: {  	[sflag:s15] =	ssyncadd.s32 $0xFFFFFC18  }
0x34: {  	[hbm4b:s10+s2] =	stream.linear.scatter [tilespmem:s21], [sflag:$0x1], $0x3E8, $0x38;
	[tilespmem:$0x4E20] =	vst v63  }
0x35: {  	_ =	swait.ge [sflag:s15], $0x3E8  }
0x36: {  	[sflag:s15] =	ssyncset.done $0x0  }
0x37: {  	[sflag:s15] =	ssyncadd.s32 $0xFFFFFC18  }
0x38: {  	[hbm4b:s11+s2] =	stream.linear.scatter [tilespmem:s22], [sflag:$0x1], $0x3E8, $0x38;
	[tilespmem:$0x4E20] =	vst v63  }
0x39: {  	_ =	swait.ge [sflag:s15], $0x3E8  }
0x3a: {  	[sflag:s15] =	ssyncset.done $0x0  }
0x3b: {  	[sflag:s15] =	ssyncadd.s32 $0xFFFFFC18  }
0x3c: {  	[hbm4b:s12+s2] =	stream.linear.scatter [tilespmem:s23], [sflag:$0x1], $0x3E8, $0x38;
	[tilespmem:$0x4E20] =	vst v63  }
0x3d: {  	_ =	swait.ge [sflag:s15], $0x3E8  }
0x3e: {  	[sflag:s15] =	ssyncset.done $0x0  }
0x3f: {  	[sflag:s15] =	ssyncadd.s32 $0xFFFFFC18  }
0x40: {  	[hbm4b:s13+s2] =	stream.linear.scatter [tilespmem:s24], [sflag:$0x1], $0x3E8, $0x38;
	[tilespmem:$0x4E20] =	vst v63  }
0x41: {  	s26 =	sadd.s32 $0x1, s26;
	_ =	swait.ge [sflag:s15], $0x3E8  }
0x42: {  	p0 =	sne.s32 s26, s5;
	[sflag:s15] =	ssyncset.done $0x0  }
.Ltmp2:
0x43: {  	[sflag:s15] =	ssyncadd.s32 $0xFFFFFC18;
	(pc) =	sbr.rel @p0 .LBB2_1-.Ltmp2, $4  }
0x44: {  	[hbm4b:s14+s2] =	stream.linear.scatter [tilespmem:s25], [sflag:$0x1], $0x3E8, $0x38;
	[tilespmem:$0x4E20] =	vst v63  }
0x45: {  	_ =	swait.ge [sflag:s15], $0x3E8  }
0x46: {  	[sflag:s15] =	ssyncset.done $0x0  }
0x47: {  	[sflag:s15] =	ssyncadd.s32 $0xFFFFFC18  }
0x48: {  	_ =	sfence.sel $0x180000  }
0x49: {  	[bflag:$0x0] =	sbarrier.arrive $0xFFFF  }
0x4a: {  	p0 =	sne.s32 s0, $0x0;
	_ =	strace $0x90000047  }
0x4b: {  	s0 =	sadd.s32 @!p0 $0x100000, s1;
	[bflag:$0x2] =	sbarrier.arrive $0xFFFF  }
0x4c: {  	[sflag:s0] =	ssyncadd.tile.s32 @!p0 $0x1;
	_ =	shalt  }
.Lfunc_end2:
_tile_overlayer_lowered:
.L_overlay_start_2:
0x4d: {  	(tag) =	ssettag $0x2  }
0x4e: {  	s0 =	rddreg [dreg:$0x0];
	s2 =	stileid.u32  }
0x4f: {  	s1 =	rddreg [dreg:$0x1];
	p0 =	sne.s32 s2, $0x0  }
0x50: {  	s3 =	rddreg [dreg:$0x2];
	[bflag:$0x3] =	sbarrier.arrive $0xFFFF;
	s2 =	simm.s32 @!p0 $0x1C01  }
0x51: {  	[timem:s3], [sflag:s2] =	dma.local @!p0 [hbm:s0], s1  }
0x52: {  	s0 =	simm.s32 @!p0 $0x1  }
0x53: {  	_ =	swait.ge @!p0 [sflag:s0], s1  }
0x54: {  	s1 =	ssub.s32 @!p0 $0x0, s1;
	[sflag:s0] =	ssyncset.done @!p0 $0x0  }
0x55: {  	[sflag:s0] =	ssyncadd.s32 @!p0 s1  }
0x56: {  	[bflag:$0x3] =	sbarrier.arrive $0xFFFF  }
0x57: {  	_ =	shalt  }

</sc_bundles>
